<compile_context>
chip_gen: v7x
topology: tpu7x:2x2x1
jax: 0.10.2.dev20260603
libtpu: 0.0.44.dev20260713+nightly
codegen_flags: <defaults>
</compile_context>

<pallas_src>
import functools

import jax
import jax.numpy as jnp
import numpy as np
from jax import lax
from jax.experimental import pallas as pl
from jax.experimental.pallas import tpu as pltpu
from jax.experimental.pallas import tpu_sc as plsc

MODES = 12
PHOTONS = 6
GENS = 4
BATCH = 1024
IMG = 100
PATCH = IMG * IMG // GENS

LANES = 16
NUM_CORES = 2
NUM_SUBCORES = 16
NUM_WORKERS = NUM_CORES * NUM_SUBCORES
ROWS_PER_WORKER = BATCH // NUM_WORKERS


def _enum_states(m, n):
    if m == 1:
        return [(n,)]
    out = []
    for k in range(n, -1, -1):
        for rest in _enum_states(m - 1, n - k):
            out.append((k,) + rest)
    return out


def _support_int(state):
    m = len(state)
    res = 0
    for i in range(m):
        if state[i] != 0:
            res += 2 ** (m - i)
    return res


def _build_tables():
    states = _enum_states(MODES, PHOTONS)
    k_total = len(states)
    sup = np.array([_support_int(s) for s in states], dtype=np.int64)
    uniq = np.sort(np.unique(sup))
    bin_of = {int(v): i for i, v in enumerate(uniq)}
    bin_idx = np.array([bin_of[int(v)] for v in sup], dtype=np.int32)
    n_bins = len(uniq)

    counts = np.bincount(bin_idx, minlength=n_bins)
    order = np.argsort(bin_idx, kind="stable").astype(np.int32)
    starts = np.zeros(n_bins + 1, dtype=np.int64)
    np.cumsum(counts, out=starts[1:])

    pad_slot = k_total
    trash_base = n_bins

    gtab = []
    btab = []
    wtab = []
    groups = []
    for ell in (1, 5, 10):
        bins_e = np.where(counts == ell)[0].astype(np.int32)
        n_vec = -(-len(bins_e) // LANES)
        groups.append((int(ell), int(n_vec), len(gtab) * LANES,
                       len(btab) * LANES))
        for v in range(n_vec):
            lane_bins = bins_e[v * LANES:(v + 1) * LANES]
            n_real = len(lane_bins)
            brow = np.full(LANES, 0, dtype=np.int32)
            wrow = np.zeros(LANES, dtype=np.float32)
            for ln in range(LANES):
                if ln < n_real:
                    c = int(lane_bins[ln])
                    brow[ln] = c
                    wrow[ln] = 1.0 if 4 <= c < 4 + PATCH else 0.0
                else:
                    brow[ln] = trash_base + 3 + ln
            btab.append(brow)
            wtab.append(wrow)
            for t in range(ell):
                grow = np.full(LANES, pad_slot, dtype=np.int32)
                for ln in range(n_real):
                    c = int(lane_bins[ln])
                    grow[ln] = int(order[starts[c] + t])
                gtab.append(grow)

    gtab = np.concatenate(gtab).astype(np.int32)
    btab = np.concatenate(btab).astype(np.int32)
    wtab = np.concatenate(wtab).astype(np.float32)
    return k_total, n_bins, gtab, btab, wtab, groups


K_TOTAL, N_BINS, _GTAB, _BTAB, _WTAB, _GROUPS = _build_tables()

ROW_BUF = K_TOTAL + 8
BIN_BUF = 2544
OUT_BUF = PATCH * GENS + 16
N_WVEC = -(-PATCH // LANES)


def _tec_body(raw_hbm, gtab_hbm, btab_hbm, wtab_hbm, out_hbm,
              row_v0, row_v1, row_v2, row_v3, bins_v, outrow_v,
              gtab_v, btab_v, wtab_v, sem, sem_out):
    wid = lax.axis_index("s") * NUM_CORES + lax.axis_index("c")
    zeros = jnp.zeros((LANES,), jnp.float32)
    neg_inf = jnp.full((LANES,), -jnp.inf, jnp.float32)
    lane = lax.iota(jnp.int32, LANES)

    pltpu.sync_copy(gtab_hbm, gtab_v)
    pltpu.sync_copy(btab_hbm, btab_v)
    pltpu.sync_copy(wtab_hbm, wtab_v)

    bufs = (row_v0, row_v1, row_v2, row_v3)
    for rv in bufs:
        rv[pl.ds(ROW_BUF - LANES, LANES)] = zeros
    for off in range(2496, BIN_BUF, LANES):
        bins_v[pl.ds(off, LANES)] = zeros

    b0 = wid * ROWS_PER_WORKER

    for g in range(3):
        pltpu.async_copy(
            raw_hbm.at[pl.ds((g * BATCH + b0) * K_TOTAL, K_TOTAL)],
            bufs[g].at[pl.ds(0, K_TOTAL)], sem)
    pltpu.async_copy(outrow_v.at[pl.ds(0, PATCH * GENS)],
                     out_hbm.at[pl.ds(b0 * (PATCH * GENS), PATCH * GENS)],
                     sem_out)

    def do_row(k, _):
        b = wid * ROWS_PER_WORKER + k
        for g in range(GENS):
            row_v = bufs[g]
            gn = (g + 3) % GENS
            nr = gn * BATCH + b + (g + 3) // GENS
            pltpu.async_copy(raw_hbm.at[pl.ds(nr * K_TOTAL, K_TOTAL)],
                             bufs[gn].at[pl.ds(0, K_TOTAL)], sem)
            pltpu.make_async_copy(raw_hbm.at[pl.ds(0, K_TOTAL)],
                                  row_v.at[pl.ds(0, K_TOTAL)], sem).wait()

            carry = (zeros, neg_inf)

            def seg_vec(i, carry, ell=0, goff=0, boff=0):
                svec, mvec = carry
                vals = []
                for t in range(ell):
                    ix = gtab_v[pl.ds(goff + (i * ell + t) * LANES, LANES)]
                    vals.append(plsc.load_gather(row_v, [ix]))
                while len(vals) > 1:
                    nxt = [vals[j] + vals[j + 1]
                           for j in range(0, len(vals) - 1, 2)]
                    if len(vals) % 2:
                        nxt.append(vals[-1])
                    vals = nxt
                acc = vals[0]
                bix = btab_v[pl.ds(boff + i * LANES, LANES)]
                plsc.store_scatter(bins_v, [bix], acc)
                wv = wtab_v[pl.ds(boff + i * LANES, LANES)]
                mvec = jnp.maximum(mvec, jnp.where(wv > 0.5, acc, -jnp.inf))
                return svec + acc, mvec

            for ell, n_vec, goff, boff in _GROUPS:
                carry = lax.fori_loop(
                    0, n_vec,
                    functools.partial(seg_vec, ell=ell, goff=goff, boff=boff),
                    carry)
            svec, mvec = carry

            if g == 0:
                pltpu.make_async_copy(
                    outrow_v.at[pl.ds(0, PATCH * GENS)],
                    out_hbm.at[pl.ds(b * (PATCH * GENS), PATCH * GENS)],
                    sem_out).wait()

            total = jnp.maximum(jnp.sum(svec), 1e-8)
            maxb = jnp.max(mvec)
            denom_v = jnp.full((LANES,), maxb + 1e-8 * total, jnp.float32)
            scale_v = 1.0 / denom_v

            gbase = g * PATCH

            def scale_vec(i, _):
                q = bins_v[pl.ds(4 + i * LANES, LANES)] * scale_v
                outrow_v[pl.ds(gbase + i * LANES, LANES)] = q
                return 0

            lax.fori_loop(0, N_WVEC - 1, scale_vec, 0)
            tail = (N_WVEC - 1) * LANES
            q = bins_v[pl.ds(4 + tail, LANES)] * scale_v
            q = jnp.where(lane < PATCH - tail, q, 0.0)
            outrow_v[pl.ds(gbase + tail, LANES)] = q

        pltpu.async_copy(outrow_v.at[pl.ds(0, PATCH * GENS)],
                         out_hbm.at[pl.ds(b * (PATCH * GENS), PATCH * GENS)],
                         sem_out)
        return 0

    lax.fori_loop(0, ROWS_PER_WORKER, do_row, 0)
    for g in range(3):
        pltpu.make_async_copy(raw_hbm.at[pl.ds(0, K_TOTAL)],
                              bufs[g].at[pl.ds(0, K_TOTAL)], sem).wait()
    pltpu.make_async_copy(outrow_v.at[pl.ds(0, PATCH * GENS)],
                          out_hbm.at[pl.ds(b0 * (PATCH * GENS), PATCH * GENS)],
                          sem_out).wait()


@jax.jit
def kernel(raw_results):
    raw1d = raw_results.reshape(GENS * BATCH * K_TOTAL)
    mesh = plsc.VectorSubcoreMesh(core_axis_name="c", subcore_axis_name="s")
    kfn = pl.kernel(
        _tec_body,
        out_type=jax.ShapeDtypeStruct((BATCH * PATCH * GENS,), jnp.float32),
        mesh=mesh,
        compiler_params=pltpu.CompilerParams(needs_layout_passes=False),
        scratch_types=[
            pltpu.VMEM((ROW_BUF,), jnp.float32),
            pltpu.VMEM((ROW_BUF,), jnp.float32),
            pltpu.VMEM((ROW_BUF,), jnp.float32),
            pltpu.VMEM((ROW_BUF,), jnp.float32),
            pltpu.VMEM((BIN_BUF,), jnp.float32),
            pltpu.VMEM((OUT_BUF,), jnp.float32),
            pltpu.VMEM((len(_GTAB),), jnp.int32),
            pltpu.VMEM((len(_BTAB),), jnp.int32),
            pltpu.VMEM((len(_WTAB),), jnp.float32),
            pltpu.SemaphoreType.DMA,
            pltpu.SemaphoreType.DMA,
        ],
    )
    out = kfn(raw1d, jnp.asarray(_GTAB), jnp.asarray(_BTAB),
              jnp.asarray(_WTAB))
    return out.reshape(BATCH, PATCH * GENS)

# --- scband reference (transcript-rebuilt; emitter-appended) ---
"""Pipeline reference for scband-patch-generator-206158430784 (READ-ONLY COPY).

The authoritative reference and input builder live on the scoring server;
editing this copy changes nothing except your own understanding.
"""

import jax, jax.numpy as jnp
import numpy as np

M = 12          # modes (len(input_state))
N_PH = 6        # photons (sum(input_state))
G = 4           # gen_count
B = 1024        # batch
IMAGE_SIZE = 100
PNR = False
LOSSY = False


def _fock_states(m, n):
    if m == 1:
        return [(n,)]
    out = []
    for k in range(n, -1, -1):
        for rest in _fock_states(m - 1, n - k):
            out.append((k,) + rest)
    return out


def _state_to_int(state, pnr):
    m = len(state)
    res = 0
    for i in range(m):
        if pnr:
            res += state[i] * (m + 1) ** (m - i)
        elif state[i] != 0:
            res += 2 ** (m - i)
    return res


OUTPUT_KEYS = _fock_states(M, N_PH)  # K = 12376 Fock states
K = len(OUTPUT_KEYS)

if PNR or not LOSSY:
    _possible_keys = OUTPUT_KEYS
else:
    _possible_keys = [k for k in OUTPUT_KEYS if all(i < 2 for i in k)]

_rev = {}
_poss = []
for _key in _possible_keys:
    _s = _state_to_int(_key, PNR)
    if _s in _rev:
        _rev[_s].append(_key)
    else:
        _rev[_s] = [_key]
    if _s not in _poss:
        _poss.append(_s)
OUT_MAP = {}
for _i, _s in enumerate(sorted(_poss)):
    for _k in _rev[_s]:
        OUT_MAP[_k] = _i
BIN_COUNT = int(np.max(list(OUT_MAP.values()))) + 1  # 2509 distinct supports
COL_IDX = np.array([i for i, k in enumerate(OUTPUT_KEYS) if k in OUT_MAP], dtype=np.int32)
IDX = np.array([OUT_MAP[k] for k in OUTPUT_KEYS if k in OUT_MAP], dtype=np.int32)
EXPECTED = IMAGE_SIZE * IMAGE_SIZE // G  # 2500


def setup_inputs(seed: int = 0) -> dict:
    key = jax.random.key(seed)
    # stands in for [m(z) for m in self.models]: G tensors of per-Fock-state probabilities
    raw = jax.random.uniform(key, (G, B, K), dtype=jnp.float32)
    return {"raw_results": raw}


def _dist_to_image(raw):
    col_idx = jnp.asarray(COL_IDX)
    idx = jnp.asarray(IDX)
    patches = []
    for g in range(G):
        res = raw[g]                                  # [B, K]
        res_mapped = jnp.take(res, col_idx, axis=1)   # index_select on cols
        gen_out = jnp.zeros((res.shape[0], BIN_COUNT), dtype=res.dtype)
        gen_out = gen_out.at[:, idx].add(res_mapped)  # index_add_ along dim 1 (histogram binning)
        total_count = jnp.sum(res_mapped, axis=1, keepdims=True)
        gen_out = gen_out / jnp.maximum(total_count, 1e-08)
        gen_out_len = gen_out.shape[1]
        if gen_out_len > EXPECTED:
            surplus_half = (gen_out_len - EXPECTED) // 2
            img_gen = gen_out[:, surplus_half:surplus_half + EXPECTED]
        else:
            left = (EXPECTED - gen_out_len) // 2
            right = EXPECTED - gen_out_len - left
            img_gen = jnp.pad(gen_out, ((0, 0), (left, right)))
        mx = jnp.max(img_gen, axis=1, keepdims=True)
        img_gen = img_gen / (mx + 1e-08)
        patches.append(img_gen)
    return jnp.concatenate(patches, axis=1)


def reference(raw_results):
    return _dist_to_image(raw_results)

if __name__ == "__main__":
    import jax
    _d = setup_inputs()
    print(jax.jit(kernel)(*tuple(_d.values())))

</pallas_src>

<mosaic_0001>
#map = affine_map<(d0, d1) -> (0)>
module attributes {stable_mosaic.version = 14 : i64} {
  func.func @_tec_body(%arg0: i32, %arg1: i32, %arg2: memref<50692096xf32, #tpu.memory_space<hbm>>, %arg3: memref<12464xi32, #tpu.memory_space<hbm>>, %arg4: memref<2528xi32, #tpu.memory_space<hbm>>, %arg5: memref<2528xf32, #tpu.memory_space<hbm>>, %arg6: memref<10240000xf32, #tpu.memory_space<hbm>>, %arg7: memref<12384xf32, #tpu.memory_space<vmem>>, %arg8: memref<12384xf32, #tpu.memory_space<vmem>>, %arg9: memref<12384xf32, #tpu.memory_space<vmem>>, %arg10: memref<12384xf32, #tpu.memory_space<vmem>>, %arg11: memref<2544xf32, #tpu.memory_space<vmem>>, %arg12: memref<10016xf32, #tpu.memory_space<vmem>>, %arg13: memref<12464xi32, #tpu.memory_space<vmem>>, %arg14: memref<2528xi32, #tpu.memory_space<vmem>>, %arg15: memref<2528xf32, #tpu.memory_space<vmem>>, %arg16: memref<!tpu.dma_semaphore, #tpu.memory_space<semaphore_mem>>, %arg17: memref<!tpu.dma_semaphore, #tpu.memory_space<semaphore_mem>>) attributes {dimension_semantics = [#tpu.dimension_semantics<core_parallel>, #tpu.dimension_semantics<subcore_parallel>], iteration_bounds = array<i64: 2, 16>, scalar_prefetch = 0 : i64, scratch_operands = 11 : i64, tpu.core_type = #tpu.core_type<sc_vector_subcore>, window_params = [{transform_indices = #map}, {transform_indices = #map}, {transform_indices = #map}, {transform_indices = #map}, {transform_indices = #map}]} {
    %mul3A = arith.constant 2 : i32
    %mul3A_0 = arith.muli %arg1, %mul3A : i32
    %add3A = arith.addi %mul3A_0, %arg0 : i32
    %broadcast_in_dim3A = arith.constant 0.000000e+00 : f32
    %broadcast_in_dim3A_1 = vector.broadcast %broadcast_in_dim3A : f32 to vector<16xf32>
    %broadcast_in_dim3A_2 = arith.constant 0xFF800000 : f32
    %broadcast_in_dim3A_3 = vector.broadcast %broadcast_in_dim3A_2 : f32 to vector<16xf32>
    %iota3A = tpu.iota {dimensions = array<i32: 0>} : vector<16xi32>
    "tpu.region"() ({
      %run_scoped3A = tpu.sem_alloc : memref<!tpu.dma_semaphore, #tpu.memory_space<semaphore_mem>>
      tpu.enqueue_dma source(%arg3 : memref<12464xi32, #tpu.memory_space<hbm>>) target(%arg13 : memref<12464xi32, #tpu.memory_space<vmem>>) target_semaphore(%run_scoped3A : memref<!tpu.dma_semaphore, #tpu.memory_space<semaphore_mem>>)
      tpu.wait_dma2 semaphore(%run_scoped3A : memref<!tpu.dma_semaphore, #tpu.memory_space<semaphore_mem>>) src(%arg3 : memref<12464xi32, #tpu.memory_space<hbm>>) dst(%arg13 : memref<12464xi32, #tpu.memory_space<vmem>>)
      tpu.yield
    }) : () -> ()
    "tpu.region"() ({
      %run_scoped3A = tpu.sem_alloc : memref<!tpu.dma_semaphore, #tpu.memory_space<semaphore_mem>>
      tpu.enqueue_dma source(%arg4 : memref<2528xi32, #tpu.memory_space<hbm>>) target(%arg14 : memref<2528xi32, #tpu.memory_space<vmem>>) target_semaphore(%run_scoped3A : memref<!tpu.dma_semaphore, #tpu.memory_space<semaphore_mem>>)
      tpu.wait_dma2 semaphore(%run_scoped3A : memref<!tpu.dma_semaphore, #tpu.memory_space<semaphore_mem>>) src(%arg4 : memref<2528xi32, #tpu.memory_space<hbm>>) dst(%arg14 : memref<2528xi32, #tpu.memory_space<vmem>>)
      tpu.yield
    }) : () -> ()
    "tpu.region"() ({
      %run_scoped3A = tpu.sem_alloc : memref<!tpu.dma_semaphore, #tpu.memory_space<semaphore_mem>>
      tpu.enqueue_dma source(%arg5 : memref<2528xf32, #tpu.memory_space<hbm>>) target(%arg15 : memref<2528xf32, #tpu.memory_space<vmem>>) target_semaphore(%run_scoped3A : memref<!tpu.dma_semaphore, #tpu.memory_space<semaphore_mem>>)
      tpu.wait_dma2 semaphore(%run_scoped3A : memref<!tpu.dma_semaphore, #tpu.memory_space<semaphore_mem>>) src(%arg5 : memref<2528xf32, #tpu.memory_space<hbm>>) dst(%arg15 : memref<2528xf32, #tpu.memory_space<vmem>>)
      tpu.yield
    }) : () -> ()
    %swap3A = arith.constant 12368 : index
    %swap3A_4 = tpu.vector_load %arg7[%swap3A] {strides = array<i32>} : memref<12384xf32, #tpu.memory_space<vmem>>, vector<16xf32>,
    tpu.vector_store %arg7[%swap3A], %broadcast_in_dim3A_1 {strides = array<i32>} : memref<12384xf32, #tpu.memory_space<vmem>>, vector<16xf32>,
    %swap3A_5 = arith.constant 12368 : index
    %swap3A_6 = tpu.vector_load %arg8[%swap3A_5] {strides = array<i32>} : memref<12384xf32, #tpu.memory_space<vmem>>, vector<16xf32>,
    tpu.vector_store %arg8[%swap3A_5], %broadcast_in_dim3A_1 {strides = array<i32>} : memref<12384xf32, #tpu.memory_space<vmem>>, vector<16xf32>,
    %swap3A_7 = arith.constant 12368 : index
    %swap3A_8 = tpu.vector_load %arg9[%swap3A_7] {strides = array<i32>} : memref<12384xf32, #tpu.memory_space<vmem>>, vector<16xf32>,
    tpu.vector_store %arg9[%swap3A_7], %broadcast_in_dim3A_1 {strides = array<i32>} : memref<12384xf32, #tpu.memory_space<vmem>>, vector<16xf32>,
    %swap3A_9 = arith.constant 12368 : index
    %swap3A_10 = tpu.vector_load %arg10[%swap3A_9] {strides = array<i32>} : memref<12384xf32, #tpu.memory_space<vmem>>, vector<16xf32>,
    tpu.vector_store %arg10[%swap3A_9], %broadcast_in_dim3A_1 {strides = array<i32>} : memref<12384xf32, #tpu.memory_space<vmem>>, vector<16xf32>,
    %swap3A_11 = arith.constant 2496 : index
    %swap3A_12 = tpu.vector_load %arg11[%swap3A_11] {strides = array<i32>} : memref<2544xf32, #tpu.memory_space<vmem>>, vector<16xf32>,
    tpu.vector_store %arg11[%swap3A_11], %broadcast_in_dim3A_1 {strides = array<i32>} : memref<2544xf32, #tpu.memory_space<vmem>>, vector<16xf32>,
    %swap3A_13 = arith.constant 2512 : index
    %swap3A_14 = tpu.vector_load %arg11[%swap3A_13] {strides = array<i32>} : memref<2544xf32, #tpu.memory_space<vmem>>, vector<16xf32>,
    tpu.vector_store %arg11[%swap3A_13], %broadcast_in_dim3A_1 {strides = array<i32>} : memref<2544xf32, #tpu.memory_space<vmem>>, vector<16xf32>,
    %swap3A_15 = arith.constant 2528 : index
    %swap3A_16 = tpu.vector_load %arg11[%swap3A_15] {strides = array<i32>} : memref<2544xf32, #tpu.memory_space<vmem>>, vector<16xf32>,
    tpu.vector_store %arg11[%swap3A_15], %broadcast_in_dim3A_1 {strides = array<i32>} : memref<2544xf32, #tpu.memory_space<vmem>>, vector<16xf32>,
    %mul3A_17 = arith.constant 32 : i32
    %mul3A_18 = arith.muli %add3A, %mul3A_17 : i32
    %add3A_19 = arith.constant 0 : i32
    %add3A_20 = arith.addi %add3A_19, %mul3A_18 : i32
    %mul3A_21 = arith.constant 12376 : i32
    %mul3A_22 = arith.muli %add3A_20, %mul3A_21 : i32
    %dma_start3A = arith.constant 0 : i32
    %dma_start3A_23 = tpu.memref_slice %arg7[%dma_start3A] : memref<12384xf32, #tpu.memory_space<vmem>> -> memref<12376xf32, #tpu.memory_space<vmem>>
    %dma_start3A_24 = tpu.memref_slice %arg2[%mul3A_22] : memref<50692096xf32, #tpu.memory_space<hbm>> -> memref<12376xf32, #tpu.memory_space<hbm>>
    %dma_start3A_25 = arith.constant 0 : i32
    %dma_start3A_26 = tpu.memref_slice %arg7[%dma_start3A_25] : memref<12384xf32, #tpu.memory_space<vmem>> -> memref<12376xf32, #tpu.memory_space<vmem>>
    %dma_start3A_27 = tpu.memref_slice %arg2[%mul3A_22] : memref<50692096xf32, #tpu.memory_space<hbm>> -> memref<12376xf32, #tpu.memory_space<hbm>>
    tpu.enqueue_dma source(%dma_start3A_27 : memref<12376xf32, #tpu.memory_space<hbm>>) target(%dma_start3A_26 : memref<12376xf32, #tpu.memory_space<vmem>>) target_semaphore(%arg16 : memref<!tpu.dma_semaphore, #tpu.memory_space<semaphore_mem>>)
    %add3A_28 = arith.constant 1024 : i32
    %add3A_29 = arith.addi %add3A_28, %mul3A_18 : i32
    %mul3A_30 = arith.constant 12376 : i32
    %mul3A_31 = arith.muli %add3A_29, %mul3A_30 : i32
    %dma_start3A_32 = arith.constant 0 : i32
    %dma_start3A_33 = tpu.memref_slice %arg8[%dma_start3A_32] : memref<12384xf32, #tpu.memory_space<vmem>> -> memref<12376xf32, #tpu.memory_space<vmem>>
    %dma_start3A_34 = tpu.memref_slice %arg2[%mul3A_31] : memref<50692096xf32, #tpu.memory_space<hbm>> -> memref<12376xf32, #tpu.memory_space<hbm>>
    %dma_start3A_35 = arith.constant 0 : i32
    %dma_start3A_36 = tpu.memref_slice %arg8[%dma_start3A_35] : memref<12384xf32, #tpu.memory_space<vmem>> -> memref<12376xf32, #tpu.memory_space<vmem>>
    %dma_start3A_37 = tpu.memref_slice %arg2[%mul3A_31] : memref<50692096xf32, #tpu.memory_space<hbm>> -> memref<12376xf32, #tpu.memory_space<hbm>>
    tpu.enqueue_dma source(%dma_start3A_37 : memref<12376xf32, #tpu.memory_space<hbm>>) target(%dma_start3A_36 : memref<12376xf32, #tpu.memory_space<vmem>>) target_semaphore(%arg16 : memref<!tpu.dma_semaphore, #tpu.memory_space<semaphore_mem>>)
    %add3A_38 = arith.constant 2048 : i32
    %add3A_39 = arith.addi %add3A_38, %mul3A_18 : i32
    %mul3A_40 = arith.constant 12376 : i32
    %mul3A_41 = arith.muli %add3A_39, %mul3A_40 : i32
    %dma_start3A_42 = arith.constant 0 : i32
    %dma_start3A_43 = tpu.memref_slice %arg9[%dma_start3A_42] : memref<12384xf32, #tpu.memory_space<vmem>> -> memref<12376xf32, #tpu.memory_space<vmem>>
    %dma_start3A_44 = tpu.memref_slice %arg2[%mul3A_41] : memref<50692096xf32, #tpu.memory_space<hbm>> -> memref<12376xf32, #tpu.memory_space<hbm>>
    %dma_start3A_45 = arith.constant 0 : i32
    %dma_start3A_46 = tpu.memref_slice %arg9[%dma_start3A_45] : memref<12384xf32, #tpu.memory_space<vmem>> -> memref<12376xf32, #tpu.memory_space<vmem>>
    %dma_start3A_47 = tpu.memref_slice %arg2[%mul3A_41] : memref<50692096xf32, #tpu.memory_space<hbm>> -> memref<12376xf32, #tpu.memory_space<hbm>>
    tpu.enqueue_dma source(%dma_start3A_47 : memref<12376xf32, #tpu.memory_space<hbm>>) target(%dma_start3A_46 : memref<12376xf32, #tpu.memory_space<vmem>>) target_semaphore(%arg16 : memref<!tpu.dma_semaphore, #tpu.memory_space<semaphore_mem>>)
    %mul3A_48 = arith.constant 10000 : i32
    %mul3A_49 = arith.muli %mul3A_18, %mul3A_48 : i32
    %dma_start3A_50 = arith.constant 0 : i32
    %dma_start3A_51 = tpu.memref_slice %arg12[%dma_start3A_50] : memref<10016xf32, #tpu.memory_space<vmem>> -> memref<10000xf32, #tpu.memory_space<vmem>>
    %dma_start3A_52 = tpu.memref_slice %arg6[%mul3A_49] : memref<10240000xf32, #tpu.memory_space<hbm>> -> memref<10000xf32, #tpu.memory_space<hbm>>
    %dma_start3A_53 = tpu.memref_slice %arg6[%mul3A_49] : memref<10240000xf32, #tpu.memory_space<hbm>> -> memref<10000xf32, #tpu.memory_space<hbm>>
    %dma_start3A_54 = arith.constant 0 : i32
    %dma_start3A_55 = tpu.memref_slice %arg12[%dma_start3A_54] : memref<10016xf32, #tpu.memory_space<vmem>> -> memref<10000xf32, #tpu.memory_space<vmem>>
    tpu.enqueue_dma source(%dma_start3A_55 : memref<10000xf32, #tpu.memory_space<vmem>>) target(%dma_start3A_53 : memref<10000xf32, #tpu.memory_space<hbm>>) target_semaphore(%arg17 : memref<!tpu.dma_semaphore, #tpu.memory_space<semaphore_mem>>)
    %scan3A = arith.constant 0 : i32
    %scan3A_56 = arith.constant 0 : i32
    %scan3A_57 = arith.constant 32 : i32
    %scan3A_58 = arith.addi %scan3A_56, %scan3A_57 : i32
    %scan3A_59 = arith.constant 1 : i32
    %scan3A_60 = scf.for %scan3A_93 = %scan3A_56 to %scan3A_58 step %scan3A_59 iter_args(%scan3A_94 = %scan3A) -> (i32)  : i32 {
      %mul3A_95 = arith.constant 32 : i32
      %mul3A_96 = arith.muli %add3A, %mul3A_95 : i32
      %add3A_97 = arith.addi %mul3A_96, %scan3A_93 : i32
      %add3A_98 = arith.constant 3072 : i32
      %add3A_99 = arith.addi %add3A_98, %add3A_97 : i32
      %add3A_100 = arith.constant 0 : i32
      %add3A_101 = arith.addi %add3A_99, %add3A_100 : i32
      %mul3A_102 = arith.constant 12376 : i32
      %mul3A_103 = arith.muli %add3A_101, %mul3A_102 : i32
      %dma_start3A_104 = arith.constant 0 : i32
      %dma_start3A_105 = tpu.memref_slice %arg10[%dma_start3A_104] : memref<12384xf32, #tpu.memory_space<vmem>> -> memref<12376xf32, #tpu.memory_space<vmem>>
      %dma_start3A_106 = tpu.memref_slice %arg2[%mul3A_103] : memref<50692096xf32, #tpu.memory_space<hbm>> -> memref<12376xf32, #tpu.memory_space<hbm>>
      %dma_start3A_107 = arith.constant 0 : i32
      %dma_start3A_108 = tpu.memref_slice %arg10[%dma_start3A_107] : memref<12384xf32, #tpu.memory_space<vmem>> -> memref<12376xf32, #tpu.memory_space<vmem>>
      %dma_start3A_109 = tpu.memref_slice %arg2[%mul3A_103] : memref<50692096xf32, #tpu.memory_space<hbm>> -> memref<12376xf32, #tpu.memory_space<hbm>>
      tpu.enqueue_dma source(%dma_start3A_109 : memref<12376xf32, #tpu.memory_space<hbm>>) target(%dma_start3A_108 : memref<12376xf32, #tpu.memory_space<vmem>>) target_semaphore(%arg16 : memref<!tpu.dma_semaphore, #tpu.memory_space<semaphore_mem>>)
      %dma_wait3A_110 = arith.constant 0 : i32
      %dma_wait3A_111 = tpu.memref_slice %arg7[%dma_wait3A_110] : memref<12384xf32, #tpu.memory_space<vmem>> -> memref<12376xf32, #tpu.memory_space<vmem>>
      %dma_wait3A_112 = arith.constant 0 : i32
      %dma_wait3A_113 = tpu.memref_slice %arg2[%dma_wait3A_112] : memref<50692096xf32, #tpu.memory_space<hbm>> -> memref<12376xf32, #tpu.memory_space<hbm>>
      %dma_wait3A_114 = arith.constant 0 : i32
      %dma_wait3A_115 = tpu.memref_slice %arg7[%dma_wait3A_114] : memref<12384xf32, #tpu.memory_space<vmem>> -> memref<12376xf32, #tpu.memory_space<vmem>>
      %dma_wait3A_116 = arith.constant 0 : i32
      %dma_wait3A_117 = tpu.memref_slice %arg2[%dma_wait3A_116] : memref<50692096xf32, #tpu.memory_space<hbm>> -> memref<12376xf32, #tpu.memory_space<hbm>>
      tpu.wait_dma2 semaphore(%arg16 : memref<!tpu.dma_semaphore, #tpu.memory_space<semaphore_mem>>) src(%dma_wait3A_117 : memref<12376xf32, #tpu.memory_space<hbm>>) dst(%dma_wait3A_115 : memref<12376xf32, #tpu.memory_space<vmem>>)
      %scan3A_118 = arith.constant 0 : i32
      %scan3A_119 = arith.constant 59 : i32
      %scan3A_120 = arith.addi %scan3A_118, %scan3A_119 : i32
      %scan3A_121 = arith.constant 1 : i32
      %scan3A_122:2 = scf.for %scan3A_399 = %scan3A_118 to %scan3A_120 step %scan3A_121 iter_args(%scan3A_400 = %broadcast_in_dim3A_1, %scan3A_401 = %broadcast_in_dim3A_3) -> (vector<16xf32>, vector<16xf32>)  : i32 {
        %mul3A_402 = arith.constant 1 : i32
        %mul3A_403 = arith.muli %scan3A_399, %mul3A_402 : i32
        %add3A_404 = arith.constant 0 : i32
        %add3A_405 = arith.addi %mul3A_403, %add3A_404 : i32
        %mul3A_406 = arith.constant 16 : i32
        %mul3A_407 = arith.muli %add3A_405, %mul3A_406 : i32
        %add3A_408 = arith.constant 0 : i32
        %add3A_409 = arith.addi %add3A_408, %mul3A_407 : i32
        %get3A_410 = arith.index_cast %add3A_409 : i32 to index
        %get3A_411 = tpu.vector_load %arg13[%get3A_410] {strides = array<i32>} : memref<12464xi32, #tpu.memory_space<vmem>>, vector<16xi32>,
        %gather3A = tpu.vector_load_idx %arg7[%get3A_411] : memref<12384xf32, #tpu.memory_space<vmem>>[vector<16xi32>], vector<16xf32>,
        %mul3A_412 = arith.constant 16 : i32
        %mul3A_413 = arith.muli %scan3A_399, %mul3A_412 : i32
        %add3A_414 = arith.constant 0 : i32
        %add3A_415 = arith.addi %add3A_414, %mul3A_413 : i32
        %get3A_416 = arith.index_cast %add3A_415 : i32 to index
        %get3A_417 = tpu.vector_load %arg14[%get3A_416] {strides = array<i32>} : memref<2528xi32, #tpu.memory_space<vmem>>, vector<16xi32>,
        tpu.vector_store_idx %arg11[%get3A_417], %gather3A : memref<2544xf32, #tpu.memory_space<vmem>>[vector<16xi32>], vector<16xf32>,
        %mul3A_418 = arith.constant 16 : i32
        %mul3A_419 = arith.muli %scan3A_399, %mul3A_418 : i32
        %add3A_420 = arith.constant 0 : i32
        %add3A_421 = arith.addi %add3A_420, %mul3A_419 : i32
        %get3A_422 = arith.index_cast %add3A_421 : i32 to index
        %get3A_423 = tpu.vector_load %arg15[%get3A_422] {strides = array<i32>} : memref<2528xf32, #tpu.memory_space<vmem>>, vector<16xf32>,
        %gt3A = arith.constant 5.000000e-01 : f32
        %gt3A_424 = vector.broadcast %gt3A : f32 to vector<16xf32>
        %gt3A_425 = arith.cmpf ogt, %get3A_423, %gt3A_424 : vector<16xf32>
        %jit3A_426 = arith.constant 0xFF800000 : f32
        %broadcast_in_dim3A_427 = vector.broadcast %jit3A_426 : f32 to vector<16xf32>
        %select_n3A_428 = arith.select %gt3A_425, %gather3A, %broadcast_in_dim3A_427 : vector<16xi1>, vector<16xf32>
        %max3A_429 = arith.maximumf %scan3A_401, %select_n3A_428 : vector<16xf32>
        %add3A_430 = arith.addf %scan3A_400, %gather3A : vector<16xf32>
        scf.yield %add3A_430, %max3A_429 : vector<16xf32>, vector<16xf32>
      }
      %scan3A_123 = arith.constant 59 : i32
      %scan3A_124 = arith.constant 0 : i32
      %scan3A_125 = arith.constant 54 : i32
      %scan3A_126 = arith.addi %scan3A_124, %scan3A_125 : i32
      %scan3A_127 = arith.constant 1 : i32
      %scan3A_128:2 = scf.for %scan3A_399 = %scan3A_124 to %scan3A_126 step %scan3A_127 iter_args(%scan3A_400 = %scan3A_122#0, %scan3A_401 = %scan3A_122#1) -> (vector<16xf32>, vector<16xf32>)  : i32 {
        %mul3A_402 = arith.constant 5 : i32
        %mul3A_403 = arith.muli %scan3A_399, %mul3A_402 : i32
        %add3A_404 = arith.constant 0 : i32
        %add3A_405 = arith.addi %mul3A_403, %add3A_404 : i32
        %mul3A_406 = arith.constant 16 : i32
        %mul3A_407 = arith.muli %add3A_405, %mul3A_406 : i32
        %add3A_408 = arith.constant 944 : i32
        %add3A_409 = arith.addi %add3A_408, %mul3A_407 : i32
        %get3A_410 = arith.index_cast %add3A_409 : i32 to index
        %get3A_411 = tpu.vector_load %arg13[%get3A_410] {strides = array<i32>} : memref<12464xi32, #tpu.memory_space<vmem>>, vector<16xi32>,
        %gather3A = tpu.vector_load_idx %arg7[%get3A_411] : memref<12384xf32, #tpu.memory_space<vmem>>[vector<16xi32>], vector<16xf32>,
        %mul3A_412 = arith.constant 5 : i32
        %mul3A_413 = arith.muli %scan3A_399, %mul3A_412 : i32
        %add3A_414 = arith.constant 1 : i32
        %add3A_415 = arith.addi %mul3A_413, %add3A_414 : i32
        %mul3A_416 = arith.constant 16 : i32
        %mul3A_417 = arith.muli %add3A_415, %mul3A_416 : i32
        %add3A_418 = arith.constant 944 : i32
        %add3A_419 = arith.addi %add3A_418, %mul3A_417 : i32
        %get3A_420 = arith.index_cast %add3A_419 : i32 to index
        %get3A_421 = tpu.vector_load %arg13[%get3A_420] {strides = array<i32>} : memref<12464xi32, #tpu.memory_space<vmem>>, vector<16xi32>,
        %gather3A_422 = tpu.vector_load_idx %arg7[%get3A_421] : memref<12384xf32, #tpu.memory_space<vmem>>[vector<16xi32>], vector<16xf32>,
        %mul3A_423 = arith.constant 5 : i32
        %mul3A_424 = arith.muli %scan3A_399, %mul3A_423 : i32
        %add3A_425 = arith.constant 2 : i32
        %add3A_426 = arith.addi %mul3A_424, %add3A_425 : i32
        %mul3A_427 = arith.constant 16 : i32
        %mul3A_428 = arith.muli %add3A_426, %mul3A_427 : i32
        %add3A_429 = arith.constant 944 : i32
        %add3A_430 = arith.addi %add3A_429, %mul3A_428 : i32
        %get3A_431 = arith.index_cast %add3A_430 : i32 to index
        %get3A_432 = tpu.vector_load %arg13[%get3A_431] {strides = array<i32>} : memref<12464xi32, #tpu.memory_space<vmem>>, vector<16xi32>,
        %gather3A_433 = tpu.vector_load_idx %arg7[%get3A_432] : memref<12384xf32, #tpu.memory_space<vmem>>[vector<16xi32>], vector<16xf32>,
        %mul3A_434 = arith.constant 5 : i32
        %mul3A_435 = arith.muli %scan3A_399, %mul3A_434 : i32
        %add3A_436 = arith.constant 3 : i32
        %add3A_437 = arith.addi %mul3A_435, %add3A_436 : i32
        %mul3A_438 = arith.constant 16 : i32
        %mul3A_439 = arith.muli %add3A_437, %mul3A_438 : i32
        %add3A_440 = arith.constant 944 : i32
        %add3A_441 = arith.addi %add3A_440, %mul3A_439 : i32
        %get3A_442 = arith.index_cast %add3A_441 : i32 to index
        %get3A_443 = tpu.vector_load %arg13[%get3A_442] {strides = array<i32>} : memref<12464xi32, #tpu.memory_space<vmem>>, vector<16xi32>,
        %gather3A_444 = tpu.vector_load_idx %arg7[%get3A_443] : memref<12384xf32, #tpu.memory_space<vmem>>[vector<16xi32>], vector<16xf32>,
        %mul3A_445 = arith.constant 5 : i32
        %mul3A_446 = arith.muli %scan3A_399, %mul3A_445 : i32
        %add3A_447 = arith.constant 4 : i32
        %add3A_448 = arith.addi %mul3A_446, %add3A_447 : i32
        %mul3A_449 = arith.constant 16 : i32
        %mul3A_450 = arith.muli %add3A_448, %mul3A_449 : i32
        %add3A_451 = arith.constant 944 : i32
        %add3A_452 = arith.addi %add3A_451, %mul3A_450 : i32
        %get3A_453 = arith.index_cast %add3A_452 : i32 to index
        %get3A_454 = tpu.vector_load %arg13[%get3A_453] {strides = array<i32>} : memref<12464xi32, #tpu.memory_space<vmem>>, vector<16xi32>,
        %gather3A_455 = tpu.vector_load_idx %arg7[%get3A_454] : memref<12384xf32, #tpu.memory_space<vmem>>[vector<16xi32>], vector<16xf32>,
        %add3A_456 = arith.addf %gather3A, %gather3A_422 : vector<16xf32>
        %add3A_457 = arith.addf %gather3A_433, %gather3A_444 : vector<16xf32>
        %add3A_458 = arith.addf %add3A_456, %add3A_457 : vector<16xf32>
        %add3A_459 = arith.addf %add3A_458, %gather3A_455 : vector<16xf32>
        %mul3A_460 = arith.constant 16 : i32
        %mul3A_461 = arith.muli %scan3A_399, %mul3A_460 : i32
        %add3A_462 = arith.constant 944 : i32
        %add3A_463 = arith.addi %add3A_462, %mul3A_461 : i32
        %get3A_464 = arith.index_cast %add3A_463 : i32 to index
        %get3A_465 = tpu.vector_load %arg14[%get3A_464] {strides = array<i32>} : memref<2528xi32, #tpu.memory_space<vmem>>, vector<16xi32>,
        tpu.vector_store_idx %arg11[%get3A_465], %add3A_459 : memref<2544xf32, #tpu.memory_space<vmem>>[vector<16xi32>], vector<16xf32>,
        %mul3A_466 = arith.constant 16 : i32
        %mul3A_467 = arith.muli %scan3A_399, %mul3A_466 : i32
        %add3A_468 = arith.constant 944 : i32
        %add3A_469 = arith.addi %add3A_468, %mul3A_467 : i32
        %get3A_470 = arith.index_cast %add3A_469 : i32 to index
        %get3A_471 = tpu.vector_load %arg15[%get3A_470] {strides = array<i32>} : memref<2528xf32, #tpu.memory_space<vmem>>, vector<16xf32>,
        %gt3A = arith.constant 5.000000e-01 : f32
        %gt3A_472 = vector.broadcast %gt3A : f32 to vector<16xf32>
        %gt3A_473 = arith.cmpf ogt, %get3A_471, %gt3A_472 : vector<16xf32>
        %jit3A_474 = arith.constant 0xFF800000 : f32
        %broadcast_in_dim3A_475 = vector.broadcast %jit3A_474 : f32 to vector<16xf32>
        %select_n3A_476 = arith.select %gt3A_473, %add3A_459, %broadcast_in_dim3A_475 : vector<16xi1>, vector<16xf32>
        %max3A_477 = arith.maximumf %scan3A_401, %select_n3A_476 : vector<16xf32>
        %add3A_478 = arith.addf %scan3A_400, %add3A_459 : vector<16xf32>
        scf.yield %add3A_478, %max3A_477 : vector<16xf32>, vector<16xf32>
      }
      %scan3A_129 = arith.constant 54 : i32
      %scan3A_130 = arith.constant 0 : i32
      %scan3A_131 = arith.constant 45 : i32
      %scan3A_132 = arith.addi %scan3A_130, %scan3A_131 : i32
      %scan3A_133 = arith.constant 1 : i32
      %scan3A_134:2 = scf.for %scan3A_399 = %scan3A_130 to %scan3A_132 step %scan3A_133 iter_args(%scan3A_400 = %scan3A_128#0, %scan3A_401 = %scan3A_128#1) -> (vector<16xf32>, vector<16xf32>)  : i32 {
        %mul3A_402 = arith.constant 10 : i32
        %mul3A_403 = arith.muli %scan3A_399, %mul3A_402 : i32
        %add3A_404 = arith.constant 0 : i32
        %add3A_405 = arith.addi %mul3A_403, %add3A_404 : i32
        %mul3A_406 = arith.constant 16 : i32
        %mul3A_407 = arith.muli %add3A_405, %mul3A_406 : i32
        %add3A_408 = arith.constant 5264 : i32
        %add3A_409 = arith.addi %add3A_408, %mul3A_407 : i32
        %get3A_410 = arith.index_cast %add3A_409 : i32 to index
        %get3A_411 = tpu.vector_load %arg13[%get3A_410] {strides = array<i32>} : memref<12464xi32, #tpu.memory_space<vmem>>, vector<16xi32>,
        %gather3A = tpu.vector_load_idx %arg7[%get3A_411] : memref<12384xf32, #tpu.memory_space<vmem>>[vector<16xi32>], vector<16xf32>,
        %mul3A_412 = arith.constant 10 : i32
        %mul3A_413 = arith.muli %scan3A_399, %mul3A_412 : i32
        %add3A_414 = arith.constant 1 : i32
        %add3A_415 = arith.addi %mul3A_413, %add3A_414 : i32
        %mul3A_416 = arith.constant 16 : i32
        %mul3A_417 = arith.muli %add3A_415, %mul3A_416 : i32
        %add3A_418 = arith.constant 5264 : i32
        %add3A_419 = arith.addi %add3A_418, %mul3A_417 : i32
        %get3A_420 = arith.index_cast %add3A_419 : i32 to index
        %get3A_421 = tpu.vector_load %arg13[%get3A_420] {strides = array<i32>} : memref<12464xi32, #tpu.memory_space<vmem>>, vector<16xi32>,
        %gather3A_422 = tpu.vector_load_idx %arg7[%get3A_421] : memref<12384xf32, #tpu.memory_space<vmem>>[vector<16xi32>], vector<16xf32>,
        %mul3A_423 = arith.constant 10 : i32
        %mul3A_424 = arith.muli %scan3A_399, %mul3A_423 : i32
        %add3A_425 = arith.constant 2 : i32
        %add3A_426 = arith.addi %mul3A_424, %add3A_425 : i32
        %mul3A_427 = arith.constant 16 : i32
        %mul3A_428 = arith.muli %add3A_426, %mul3A_427 : i32
        %add3A_429 = arith.constant 5264 : i32
        %add3A_430 = arith.addi %add3A_429, %mul3A_428 : i32
        %get3A_431 = arith.index_cast %add3A_430 : i32 to index
        %get3A_432 = tpu.vector_load %arg13[%get3A_431] {strides = array<i32>} : memref<12464xi32, #tpu.memory_space<vmem>>, vector<16xi32>,
        %gather3A_433 = tpu.vector_load_idx %arg7[%get3A_432] : memref<12384xf32, #tpu.memory_space<vmem>>[vector<16xi32>], vector<16xf32>,
        %mul3A_434 = arith.constant 10 : i32
        %mul3A_435 = arith.muli %scan3A_399, %mul3A_434 : i32
        %add3A_436 = arith.constant 3 : i32
        %add3A_437 = arith.addi %mul3A_435, %add3A_436 : i32
        %mul3A_438 = arith.constant 16 : i32
        %mul3A_439 = arith.muli %add3A_437, %mul3A_438 : i32
        %add3A_440 = arith.constant 5264 : i32
        %add3A_441 = arith.addi %add3A_440, %mul3A_439 : i32
        %get3A_442 = arith.index_cast %add3A_441 : i32 to index
        %get3A_443 = tpu.vector_load %arg13[%get3A_442] {strides = array<i32>} : memref<12464xi32, #tpu.memory_space<vmem>>, vector<16xi32>,
        %gather3A_444 = tpu.vector_load_idx %arg7[%get3A_443] : memref<12384xf32, #tpu.memory_space<vmem>>[vector<16xi32>], vector<16xf32>,
        %mul3A_445 = arith.constant 10 : i32
        %mul3A_446 = arith.muli %scan3A_399, %mul3A_445 : i32
        %add3A_447 = arith.constant 4 : i32
        %add3A_448 = arith.addi %mul3A_446, %add3A_447 : i32
        %mul3A_449 = arith.constant 16 : i32
        %mul3A_450 = arith.muli %add3A_448, %mul3A_449 : i32
        %add3A_451 = arith.constant 5264 : i32
        %add3A_452 = arith.addi %add3A_451, %mul3A_450 : i32
        %get3A_453 = arith.index_cast %add3A_452 : i32 to index
        %get3A_454 = tpu.vector_load %arg13[%get3A_453] {strides = array<i32>} : memref<12464xi32, #tpu.memory_space<vmem>>, vector<16xi32>,
        %gather3A_455 = tpu.vector_load_idx %arg7[%get3A_454] : memref<12384xf32, #tpu.memory_space<vmem>>[vector<16xi32>], vector<16xf32>,
        %mul3A_456 = arith.constant 10 : i32
        %mul3A_457 = arith.muli %scan3A_399, %mul3A_456 : i32
        %add3A_458 = arith.constant 5 : i32
        %add3A_459 = arith.addi %mul3A_457, %add3A_458 : i32
        %mul3A_460 = arith.constant 16 : i32
        %mul3A_461 = arith.muli %add3A_459, %mul3A_460 : i32
        %add3A_462 = arith.constant 5264 : i32
        %add3A_463 = arith.addi %add3A_462, %mul3A_461 : i32
        %get3A_464 = arith.index_cast %add3A_463 : i32 to index
        %get3A_465 = tpu.vector_load %arg13[%get3A_464] {strides = array<i32>} : memref<12464xi32, #tpu.memory_space<vmem>>, vector<16xi32>,
        %gather3A_466 = tpu.vector_load_idx %arg7[%get3A_465] : memref<12384xf32, #tpu.memory_space<vmem>>[vector<16xi32>], vector<16xf32>,
        %mul3A_467 = arith.constant 10 : i32
        %mul3A_468 = arith.muli %scan3A_399, %mul3A_467 : i32
        %add3A_469 = arith.constant 6 : i32
        %add3A_470 = arith.addi %mul3A_468, %add3A_469 : i32
        %mul3A_471 = arith.constant 16 : i32
        %mul3A_472 = arith.muli %add3A_470, %mul3A_471 : i32
        %add3A_473 = arith.constant 5264 : i32
        %add3A_474 = arith.addi %add3A_473, %mul3A_472 : i32
        %get3A_475 = arith.index_cast %add3A_474 : i32 to index
        %get3A_476 = tpu.vector_load %arg13[%get3A_475] {strides = array<i32>} : memref<12464xi32, #tpu.memory_space<vmem>>, vector<16xi32>,
        %gather3A_477 = tpu.vector_load_idx %arg7[%get3A_476] : memref<12384xf32, #tpu.memory_space<vmem>>[vector<16xi32>], vector<16xf32>,
        %mul3A_478 = arith.constant 10 : i32
        %mul3A_479 = arith.muli %scan3A_399, %mul3A_478 : i32
        %add3A_480 = arith.constant 7 : i32
        %add3A_481 = arith.addi %mul3A_479, %add3A_480 : i32
        %mul3A_482 = arith.constant 16 : i32
        %mul3A_483 = arith.muli %add3A_481, %mul3A_482 : i32
        %add3A_484 = arith.constant 5264 : i32
        %add3A_485 = arith.addi %add3A_484, %mul3A_483 : i32
        %get3A_486 = arith.index_cast %add3A_485 : i32 to index
        %get3A_487 = tpu.vector_load %arg13[%get3A_486] {strides = array<i32>} : memref<12464xi32, #tpu.memory_space<vmem>>, vector<16xi32>,
        %gather3A_488 = tpu.vector_load_idx %arg7[%get3A_487] : memref<12384xf32, #tpu.memory_space<vmem>>[vector<16xi32>], vector<16xf32>,
        %mul3A_489 = arith.constant 10 : i32
        %mul3A_490 = arith.muli %scan3A_399, %mul3A_489 : i32
        %add3A_491 = arith.constant 8 : i32
        %add3A_492 = arith.addi %mul3A_490, %add3A_491 : i32
        %mul3A_493 = arith.constant 16 : i32
        %mul3A_494 = arith.muli %add3A_492, %mul3A_493 : i32
        %add3A_495 = arith.constant 5264 : i32
        %add3A_496 = arith.addi %add3A_495, %mul3A_494 : i32
        %get3A_497 = arith.index_cast %add3A_496 : i32 to index
        %get3A_498 = tpu.vector_load %arg13[%get3A_497] {strides = array<i32>} : memref<12464xi32, #tpu.memory_space<vmem>>, vector<16xi32>,
        %gather3A_499 = tpu.vector_load_idx %arg7[%get3A_498] : memref<12384xf32, #tpu.memory_space<vmem>>[vector<16xi32>], vector<16xf32>,
        %mul3A_500 = arith.constant 10 : i32
        %mul3A_501 = arith.muli %scan3A_399, %mul3A_500 : i32
        %add3A_502 = arith.constant 9 : i32
        %add3A_503 = arith.addi %mul3A_501, %add3A_502 : i32
        %mul3A_504 = arith.constant 16 : i32
        %mul3A_505 = arith.muli %add3A_503, %mul3A_504 : i32
        %add3A_506 = arith.constant 5264 : i32
        %add3A_507 = arith.addi %add3A_506, %mul3A_505 : i32
        %get3A_508 = arith.index_cast %add3A_507 : i32 to index
        %get3A_509 = tpu.vector_load %arg13[%get3A_508] {strides = array<i32>} : memref<12464xi32, #tpu.memory_space<vmem>>, vector<16xi32>,
        %gather3A_510 = tpu.vector_load_idx %arg7[%get3A_509] : memref<12384xf32, #tpu.memory_space<vmem>>[vector<16xi32>], vector<16xf32>,
        %add3A_511 = arith.addf %gather3A, %gather3A_422 : vector<16xf32>
        %add3A_512 = arith.addf %gather3A_433, %gather3A_444 : vector<16xf32>
        %add3A_513 = arith.addf %gather3A_455, %gather3A_466 : vector<16xf32>
        %add3A_514 = arith.addf %gather3A_477, %gather3A_488 : vector<16xf32>
        %add3A_515 = arith.addf %gather3A_499, %gather3A_510 : vector<16xf32>
        %add3A_516 = arith.addf %add3A_511, %add3A_512 : vector<16xf32>
        %add3A_517 = arith.addf %add3A_513, %add3A_514 : vector<16xf32>
        %add3A_518 = arith.addf %add3A_516, %add3A_517 : vector<16xf32>
        %add3A_519 = arith.addf %add3A_518, %add3A_515 : vector<16xf32>
        %mul3A_520 = arith.constant 16 : i32
        %mul3A_521 = arith.muli %scan3A_399, %mul3A_520 : i32
        %add3A_522 = arith.constant 1808 : i32
        %add3A_523 = arith.addi %add3A_522, %mul3A_521 : i32
        %get3A_524 = arith.index_cast %add3A_523 : i32 to index
        %get3A_525 = tpu.vector_load %arg14[%get3A_524] {strides = array<i32>} : memref<2528xi32, #tpu.memory_space<vmem>>, vector<16xi32>,
        tpu.vector_store_idx %arg11[%get3A_525], %add3A_519 : memref<2544xf32, #tpu.memory_space<vmem>>[vector<16xi32>], vector<16xf32>,
        %mul3A_526 = arith.constant 16 : i32
        %mul3A_527 = arith.muli %scan3A_399, %mul3A_526 : i32
        %add3A_528 = arith.constant 1808 : i32
        %add3A_529 = arith.addi %add3A_528, %mul3A_527 : i32
        %get3A_530 = arith.index_cast %add3A_529 : i32 to index
        %get3A_531 = tpu.vector_load %arg15[%get3A_530] {strides = array<i32>} : memref<2528xf32, #tpu.memory_space<vmem>>, vector<16xf32>,
        %gt3A = arith.constant 5.000000e-01 : f32
        %gt3A_532 = vector.broadcast %gt3A : f32 to vector<16xf32>
        %gt3A_533 = arith.cmpf ogt, %get3A_531, %gt3A_532 : vector<16xf32>
        %jit3A_534 = arith.constant 0xFF800000 : f32
        %broadcast_in_dim3A_535 = vector.broadcast %jit3A_534 : f32 to vector<16xf32>
        %select_n3A_536 = arith.select %gt3A_533, %add3A_519, %broadcast_in_dim3A_535 : vector<16xi1>, vector<16xf32>
        %max3A_537 = arith.maximumf %scan3A_401, %select_n3A_536 : vector<16xf32>
        %add3A_538 = arith.addf %scan3A_400, %add3A_519 : vector<16xf32>
        scf.yield %add3A_538, %max3A_537 : vector<16xf32>, vector<16xf32>
      }
      %scan3A_135 = arith.constant 45 : i32
      %mul3A_136 = arith.constant 10000 : i32
      %mul3A_137 = arith.muli %add3A_97, %mul3A_136 : i32
      %dma_wait3A_138 = arith.constant 0 : i32
      %dma_wait3A_139 = tpu.memref_slice %arg12[%dma_wait3A_138] : memref<10016xf32, #tpu.memory_space<vmem>> -> memref<10000xf32, #tpu.memory_space<vmem>>
      %dma_wait3A_140 = tpu.memref_slice %arg6[%mul3A_137] : memref<10240000xf32, #tpu.memory_space<hbm>> -> memref<10000xf32, #tpu.memory_space<hbm>>
      %dma_wait3A_141 = tpu.memref_slice %arg6[%mul3A_137] : memref<10240000xf32, #tpu.memory_space<hbm>> -> memref<10000xf32, #tpu.memory_space<hbm>>
      %dma_wait3A_142 = arith.constant 0 : i32
      %dma_wait3A_143 = tpu.memref_slice %arg12[%dma_wait3A_142] : memref<10016xf32, #tpu.memory_space<vmem>> -> memref<10000xf32, #tpu.memory_space<vmem>>
      tpu.wait_dma2 semaphore(%arg17 : memref<!tpu.dma_semaphore, #tpu.memory_space<semaphore_mem>>) src(%dma_wait3A_143 : memref<10000xf32, #tpu.memory_space<vmem>>) dst(%dma_wait3A_141 : memref<10000xf32, #tpu.memory_space<hbm>>)
      %reduce_sum3A = arith.constant true
      %reduce_sum3A_144 = vector.broadcast %reduce_sum3A : i1 to vector<16xi1>
      %reduce_sum3A_145 = tpu.scan <sum>, %scan3A_134#0 masked %reduce_sum3A_144 : vector<16xf32>, vector<16xi1> -> vector<16xf32>
      %reduce_sum3A_146 = vector.extract %reduce_sum3A_145[15] : f32 from vector<16xf32>
      %max3A = arith.constant 9.99999993E-9 : f32
      %max3A_147 = arith.maximumf %reduce_sum3A_146, %max3A : f32
      %reduce_max3A = arith.constant true
      %reduce_max3A_148 = vector.broadcast %reduce_max3A : i1 to vector<16xi1>
      %reduce_max3A_149 = tpu.scan <max>, %scan3A_134#1 masked %reduce_max3A_148 : vector<16xf32>, vector<16xi1> -> vector<16xf32>
      %reduce_max3A_150 = vector.extract %reduce_max3A_149[15] : f32 from vector<16xf32>
      %mul3A_151 = arith.constant 9.99999993E-9 : f32
      %mul3A_152 = arith.mulf %mul3A_151, %max3A_147 : f32
      %add3A_153 = arith.addf %reduce_max3A_150, %mul3A_152 : f32
      %broadcast_in_dim3A_154 = vector.broadcast %add3A_153 : f32 to vector<16xf32>
      %div3A = arith.constant 1.000000e+00 : f32
      %div3A_155 = vector.broadcast %div3A : f32 to vector<16xf32>
      %div3A_156 = arith.divf %div3A_155, %broadcast_in_dim3A_154 : vector<16xf32>
      %scan3A_157 = arith.constant 0 : i32
      %scan3A_158 = arith.constant 0 : i32
      %scan3A_159 = arith.constant 156 : i32
      %scan3A_160 = arith.addi %scan3A_158, %scan3A_159 : i32
      %scan3A_161 = arith.constant 1 : i32
      %scan3A_162 = scf.for %scan3A_399 = %scan3A_158 to %scan3A_160 step %scan3A_161 iter_args(%scan3A_400 = %scan3A_157) -> (i32)  : i32 {
        %mul3A_401 = arith.constant 16 : i32
        %mul3A_402 = arith.muli %scan3A_399, %mul3A_401 : i32
        %add3A_403 = arith.constant 4 : i32
        %add3A_404 = arith.addi %add3A_403, %mul3A_402 : i32
        %get3A_405 = arith.index_cast %add3A_404 : i32 to index
        %get3A_406 = tpu.vector_load %arg11[%get3A_405] {strides = array<i32>} : memref<2544xf32, #tpu.memory_space<vmem>>, vector<16xf32>,
        %mul3A_407 = arith.mulf %get3A_406, %div3A_156 : vector<16xf32>
        %mul3A_408 = arith.constant 16 : i32
        %mul3A_409 = arith.muli %scan3A_399, %mul3A_408 : i32
        %add3A_410 = arith.constant 0 : i32
        %add3A_411 = arith.addi %add3A_410, %mul3A_409 : i32
        %swap3A_412 = arith.index_cast %add3A_411 : i32 to index
        %swap3A_413 = tpu.vector_load %arg12[%swap3A_412] {strides = array<i32>} : memref<10016xf32, #tpu.memory_space<vmem>>, vector<16xf32>,
        tpu.vector_store %arg12[%swap3A_412], %mul3A_407 {strides = array<i32>} : memref<10016xf32, #tpu.memory_space<vmem>>, vector<16xf32>,
        %scan3A_414 = arith.constant 0 : i32
        scf.yield %scan3A_414 : i32
      }
      %scan3A_163 = arith.constant 156 : i32
      %get3A = arith.constant 2500 : index
      %get3A_164 = tpu.vector_load %arg11[%get3A] {strides = array<i32>} : memref<2544xf32, #tpu.memory_space<vmem>>, vector<16xf32>,
      %mul3A_165 = arith.mulf %get3A_164, %div3A_156 : vector<16xf32>
      %lt3A = arith.constant 4 : i32
      %lt3A_166 = vector.broadcast %lt3A : i32 to vector<16xi32>
      %lt3A_167 = arith.cmpi slt, %iota3A, %lt3A_166 : vector<16xi32>
      %jit3A = arith.constant 0.000000e+00 : f32
      %broadcast_in_dim3A_168 = vector.broadcast %jit3A : f32 to vector<16xf32>
      %select_n3A = arith.select %lt3A_167, %mul3A_165, %broadcast_in_dim3A_168 : vector<16xi1>, vector<16xf32>
      %swap3A_169 = arith.constant 2496 : index
      %swap3A_170 = tpu.vector_load %arg12[%swap3A_169] {strides = array<i32>} : memref<10016xf32, #tpu.memory_space<vmem>>, vector<16xf32>,
      tpu.vector_store %arg12[%swap3A_169], %select_n3A {strides = array<i32>} : memref<10016xf32, #tpu.memory_space<vmem>>, vector<16xf32>,
      %add3A_171 = arith.constant 0 : i32
      %add3A_172 = arith.addi %add3A_171, %add3A_97 : i32
      %add3A_173 = arith.constant 1 : i32
      %add3A_174 = arith.addi %add3A_172, %add3A_173 : i32
      %mul3A_175 = arith.constant 12376 : i32
      %mul3A_176 = arith.muli %add3A_174, %mul3A_175 : i32
      %dma_start3A_177 = arith.constant 0 : i32
      %dma_start3A_178 = tpu.memref_slice %arg7[%dma_start3A_177] : memref<12384xf32, #tpu.memory_space<vmem>> -> memref<12376xf32, #tpu.memory_space<vmem>>
      %dma_start3A_179 = tpu.memref_slice %arg2[%mul3A_176] : memref<50692096xf32, #tpu.memory_space<hbm>> -> memref<12376xf32, #tpu.memory_space<hbm>>
      %dma_start3A_180 = arith.constant 0 : i32
      %dma_start3A_181 = tpu.memref_slice %arg7[%dma_start3A_180] : memref<12384xf32, #tpu.memory_space<vmem>> -> memref<12376xf32, #tpu.memory_space<vmem>>
      %dma_start3A_182 = tpu.memref_slice %arg2[%mul3A_176] : memref<50692096xf32, #tpu.memory_space<hbm>> -> memref<12376xf32, #tpu.memory_space<hbm>>
      tpu.enqueue_dma source(%dma_start3A_182 : memref<12376xf32, #tpu.memory_space<hbm>>) target(%dma_start3A_181 : memref<12376xf32, #tpu.memory_space<vmem>>) target_semaphore(%arg16 : memref<!tpu.dma_semaphore, #tpu.memory_space<semaphore_mem>>)
      %dma_wait3A_183 = arith.constant 0 : i32
      %dma_wait3A_184 = tpu.memref_slice %arg8[%dma_wait3A_183] : memref<12384xf32, #tpu.memory_space<vmem>> -> memref<12376xf32, #tpu.memory_space<vmem>>
      %dma_wait3A_185 = arith.constant 0 : i32
      %dma_wait3A_186 = tpu.memref_slice %arg2[%dma_wait3A_185] : memref<50692096xf32, #tpu.memory_space<hbm>> -> memref<12376xf32, #tpu.memory_space<hbm>>
      %dma_wait3A_187 = arith.constant 0 : i32
      %dma_wait3A_188 = tpu.memref_slice %arg8[%dma_wait3A_187] : memref<12384xf32, #tpu.memory_space<vmem>> -> memref<12376xf32, #tpu.memory_space<vmem>>
      %dma_wait3A_189 = arith.constant 0 : i32
      %dma_wait3A_190 = tpu.memref_slice %arg2[%dma_wait3A_189] : memref<50692096xf32, #tpu.memory_space<hbm>> -> memref<12376xf32, #tpu.memory_space<hbm>>
      tpu.wait_dma2 semaphore(%arg16 : memref<!tpu.dma_semaphore, #tpu.memory_space<semaphore_mem>>) src(%dma_wait3A_190 : memref<12376xf32, #tpu.memory_space<hbm>>) dst(%dma_wait3A_188 : memref<12376xf32, #tpu.memory_space<vmem>>)
      %scan3A_191 = arith.constant 0 : i32
      %scan3A_192 = arith.constant 59 : i32
      %scan3A_193 = arith.addi %scan3A_191, %scan3A_192 : i32
      %scan3A_194 = arith.constant 1 : i32
      %scan3A_195:2 = scf.for %scan3A_399 = %scan3A_191 to %scan3A_193 step %scan3A_194 iter_args(%scan3A_400 = %broadcast_in_dim3A_1, %scan3A_401 = %broadcast_in_dim3A_3) -> (vector<16xf32>, vector<16xf32>)  : i32 {
        %mul3A_402 = arith.constant 1 : i32
        %mul3A_403 = arith.muli %scan3A_399, %mul3A_402 : i32
        %add3A_404 = arith.constant 0 : i32
        %add3A_405 = arith.addi %mul3A_403, %add3A_404 : i32
        %mul3A_406 = arith.constant 16 : i32
        %mul3A_407 = arith.muli %add3A_405, %mul3A_406 : i32
        %add3A_408 = arith.constant 0 : i32
        %add3A_409 = arith.addi %add3A_408, %mul3A_407 : i32
        %get3A_410 = arith.index_cast %add3A_409 : i32 to index
        %get3A_411 = tpu.vector_load %arg13[%get3A_410] {strides = array<i32>} : memref<12464xi32, #tpu.memory_space<vmem>>, vector<16xi32>,
        %gather3A = tpu.vector_load_idx %arg8[%get3A_411] : memref<12384xf32, #tpu.memory_space<vmem>>[vector<16xi32>], vector<16xf32>,
        %mul3A_412 = arith.constant 16 : i32
        %mul3A_413 = arith.muli %scan3A_399, %mul3A_412 : i32
        %add3A_414 = arith.constant 0 : i32
        %add3A_415 = arith.addi %add3A_414, %mul3A_413 : i32
        %get3A_416 = arith.index_cast %add3A_415 : i32 to index
        %get3A_417 = tpu.vector_load %arg14[%get3A_416] {strides = array<i32>} : memref<2528xi32, #tpu.memory_space<vmem>>, vector<16xi32>,
        tpu.vector_store_idx %arg11[%get3A_417], %gather3A : memref<2544xf32, #tpu.memory_space<vmem>>[vector<16xi32>], vector<16xf32>,
        %mul3A_418 = arith.constant 16 : i32
        %mul3A_419 = arith.muli %scan3A_399, %mul3A_418 : i32
        %add3A_420 = arith.constant 0 : i32
        %add3A_421 = arith.addi %add3A_420, %mul3A_419 : i32
        %get3A_422 = arith.index_cast %add3A_421 : i32 to index
        %get3A_423 = tpu.vector_load %arg15[%get3A_422] {strides = array<i32>} : memref<2528xf32, #tpu.memory_space<vmem>>, vector<16xf32>,
        %gt3A = arith.constant 5.000000e-01 : f32
        %gt3A_424 = vector.broadcast %gt3A : f32 to vector<16xf32>
        %gt3A_425 = arith.cmpf ogt, %get3A_423, %gt3A_424 : vector<16xf32>
        %jit3A_426 = arith.constant 0xFF800000 : f32
        %broadcast_in_dim3A_427 = vector.broadcast %jit3A_426 : f32 to vector<16xf32>
        %select_n3A_428 = arith.select %gt3A_425, %gather3A, %broadcast_in_dim3A_427 : vector<16xi1>, vector<16xf32>
        %max3A_429 = arith.maximumf %scan3A_401, %select_n3A_428 : vector<16xf32>
        %add3A_430 = arith.addf %scan3A_400, %gather3A : vector<16xf32>
        scf.yield %add3A_430, %max3A_429 : vector<16xf32>, vector<16xf32>
      }
      %scan3A_196 = arith.constant 59 : i32
      %scan3A_197 = arith.constant 0 : i32
      %scan3A_198 = arith.constant 54 : i32
      %scan3A_199 = arith.addi %scan3A_197, %scan3A_198 : i32
      %scan3A_200 = arith.constant 1 : i32
      %scan3A_201:2 = scf.for %scan3A_399 = %scan3A_197 to %scan3A_199 step %scan3A_200 iter_args(%scan3A_400 = %scan3A_195#0, %scan3A_401 = %scan3A_195#1) -> (vector<16xf32>, vector<16xf32>)  : i32 {
        %mul3A_402 = arith.constant 5 : i32
        %mul3A_403 = arith.muli %scan3A_399, %mul3A_402 : i32
        %add3A_404 = arith.constant 0 : i32
        %add3A_405 = arith.addi %mul3A_403, %add3A_404 : i32
        %mul3A_406 = arith.constant 16 : i32
        %mul3A_407 = arith.muli %add3A_405, %mul3A_406 : i32
        %add3A_408 = arith.constant 944 : i32
        %add3A_409 = arith.addi %add3A_408, %mul3A_407 : i32
        %get3A_410 = arith.index_cast %add3A_409 : i32 to index
        %get3A_411 = tpu.vector_load %arg13[%get3A_410] {strides = array<i32>} : memref<12464xi32, #tpu.memory_space<vmem>>, vector<16xi32>,
        %gather3A = tpu.vector_load_idx %arg8[%get3A_411] : memref<12384xf32, #tpu.memory_space<vmem>>[vector<16xi32>], vector<16xf32>,
        %mul3A_412 = arith.constant 5 : i32
        %mul3A_413 = arith.muli %scan3A_399, %mul3A_412 : i32
        %add3A_414 = arith.constant 1 : i32
        %add3A_415 = arith.addi %mul3A_413, %add3A_414 : i32
        %mul3A_416 = arith.constant 16 : i32
        %mul3A_417 = arith.muli %add3A_415, %mul3A_416 : i32
        %add3A_418 = arith.constant 944 : i32
        %add3A_419 = arith.addi %add3A_418, %mul3A_417 : i32
        %get3A_420 = arith.index_cast %add3A_419 : i32 to index
        %get3A_421 = tpu.vector_load %arg13[%get3A_420] {strides = array<i32>} : memref<12464xi32, #tpu.memory_space<vmem>>, vector<16xi32>,
        %gather3A_422 = tpu.vector_load_idx %arg8[%get3A_421] : memref<12384xf32, #tpu.memory_space<vmem>>[vector<16xi32>], vector<16xf32>,
        %mul3A_423 = arith.constant 5 : i32
        %mul3A_424 = arith.muli %scan3A_399, %mul3A_423 : i32
        %add3A_425 = arith.constant 2 : i32
        %add3A_426 = arith.addi %mul3A_424, %add3A_425 : i32
        %mul3A_427 = arith.constant 16 : i32
        %mul3A_428 = arith.muli %add3A_426, %mul3A_427 : i32
        %add3A_429 = arith.constant 944 : i32
        %add3A_430 = arith.addi %add3A_429, %mul3A_428 : i32
        %get3A_431 = arith.index_cast %add3A_430 : i32 to index
        %get3A_432 = tpu.vector_load %arg13[%get3A_431] {strides = array<i32>} : memref<12464xi32, #tpu.memory_space<vmem>>, vector<16xi32>,
        %gather3A_433 = tpu.vector_load_idx %arg8[%get3A_432] : memref<12384xf32, #tpu.memory_space<vmem>>[vector<16xi32>], vector<16xf32>,
        %mul3A_434 = arith.constant 5 : i32
        %mul3A_435 = arith.muli %scan3A_399, %mul3A_434 : i32
        %add3A_436 = arith.constant 3 : i32
        %add3A_437 = arith.addi %mul3A_435, %add3A_436 : i32
        %mul3A_438 = arith.constant 16 : i32
        %mul3A_439 = arith.muli %add3A_437, %mul3A_438 : i32
        %add3A_440 = arith.constant 944 : i32
        %add3A_441 = arith.addi %add3A_440, %mul3A_439 : i32
        %get3A_442 = arith.index_cast %add3A_441 : i32 to index
        %get3A_443 = tpu.vector_load %arg13[%get3A_442] {strides = array<i32>} : memref<12464xi32, #tpu.memory_space<vmem>>, vector<16xi32>,
        %gather3A_444 = tpu.vector_load_idx %arg8[%get3A_443] : memref<12384xf32, #tpu.memory_space<vmem>>[vector<16xi32>], vector<16xf32>,
        %mul3A_445 = arith.constant 5 : i32
        %mul3A_446 = arith.muli %scan3A_399, %mul3A_445 : i32
        %add3A_447 = arith.constant 4 : i32
        %add3A_448 = arith.addi %mul3A_446, %add3A_447 : i32
        %mul3A_449 = arith.constant 16 : i32
        %mul3A_450 = arith.muli %add3A_448, %mul3A_449 : i32
        %add3A_451 = arith.constant 944 : i32
        %add3A_452 = arith.addi %add3A_451, %mul3A_450 : i32
        %get3A_453 = arith.index_cast %add3A_452 : i32 to index
        %get3A_454 = tpu.vector_load %arg13[%get3A_453] {strides = array<i32>} : memref<12464xi32, #tpu.memory_space<vmem>>, vector<16xi32>,
        %gather3A_455 = tpu.vector_load_idx %arg8[%get3A_454] : memref<12384xf32, #tpu.memory_space<vmem>>[vector<16xi32>], vector<16xf32>,
        %add3A_456 = arith.addf %gather3A, %gather3A_422 : vector<16xf32>
        %add3A_457 = arith.addf %gather3A_433, %gather3A_444 : vector<16xf32>
        %add3A_458 = arith.addf %add3A_456, %add3A_457 : vector<16xf32>
        %add3A_459 = arith.addf %add3A_458, %gather3A_455 : vector<16xf32>
        %mul3A_460 = arith.constant 16 : i32
        %mul3A_461 = arith.muli %scan3A_399, %mul3A_460 : i32
        %add3A_462 = arith.constant 944 : i32
        %add3A_463 = arith.addi %add3A_462, %mul3A_461 : i32
        %get3A_464 = arith.index_cast %add3A_463 : i32 to index
        %get3A_465 = tpu.vector_load %arg14[%get3A_464] {strides = array<i32>} : memref<2528xi32, #tpu.memory_space<vmem>>, vector<16xi32>,
        tpu.vector_store_idx %arg11[%get3A_465], %add3A_459 : memref<2544xf32, #tpu.memory_space<vmem>>[vector<16xi32>], vector<16xf32>,
        %mul3A_466 = arith.constant 16 : i32
        %mul3A_467 = arith.muli %scan3A_399, %mul3A_466 : i32
        %add3A_468 = arith.constant 944 : i32
        %add3A_469 = arith.addi %add3A_468, %mul3A_467 : i32
        %get3A_470 = arith.index_cast %add3A_469 : i32 to index
        %get3A_471 = tpu.vector_load %arg15[%get3A_470] {strides = array<i32>} : memref<2528xf32, #tpu.memory_space<vmem>>, vector<16xf32>,
        %gt3A = arith.constant 5.000000e-01 : f32
        %gt3A_472 = vector.broadcast %gt3A : f32 to vector<16xf32>
        %gt3A_473 = arith.cmpf ogt, %get3A_471, %gt3A_472 : vector<16xf32>
        %jit3A_474 = arith.constant 0xFF800000 : f32
        %broadcast_in_dim3A_475 = vector.broadcast %jit3A_474 : f32 to vector<16xf32>
        %select_n3A_476 = arith.select %gt3A_473, %add3A_459, %broadcast_in_dim3A_475 : vector<16xi1>, vector<16xf32>
        %max3A_477 = arith.maximumf %scan3A_401, %select_n3A_476 : vector<16xf32>
        %add3A_478 = arith.addf %scan3A_400, %add3A_459 : vector<16xf32>
        scf.yield %add3A_478, %max3A_477 : vector<16xf32>, vector<16xf32>
      }
      %scan3A_202 = arith.constant 54 : i32
      %scan3A_203 = arith.constant 0 : i32
      %scan3A_204 = arith.constant 45 : i32
      %scan3A_205 = arith.addi %scan3A_203, %scan3A_204 : i32
      %scan3A_206 = arith.constant 1 : i32
      %scan3A_207:2 = scf.for %scan3A_399 = %scan3A_203 to %scan3A_205 step %scan3A_206 iter_args(%scan3A_400 = %scan3A_201#0, %scan3A_401 = %scan3A_201#1) -> (vector<16xf32>, vector<16xf32>)  : i32 {
        %mul3A_402 = arith.constant 10 : i32
        %mul3A_403 = arith.muli %scan3A_399, %mul3A_402 : i32
        %add3A_404 = arith.constant 0 : i32
        %add3A_405 = arith.addi %mul3A_403, %add3A_404 : i32
        %mul3A_406 = arith.constant 16 : i32
        %mul3A_407 = arith.muli %add3A_405, %mul3A_406 : i32
        %add3A_408 = arith.constant 5264 : i32
        %add3A_409 = arith.addi %add3A_408, %mul3A_407 : i32
        %get3A_410 = arith.index_cast %add3A_409 : i32 to index
        %get3A_411 = tpu.vector_load %arg13[%get3A_410] {strides = array<i32>} : memref<12464xi32, #tpu.memory_space<vmem>>, vector<16xi32>,
        %gather3A = tpu.vector_load_idx %arg8[%get3A_411] : memref<12384xf32, #tpu.memory_space<vmem>>[vector<16xi32>], vector<16xf32>,
        %mul3A_412 = arith.constant 10 : i32
        %mul3A_413 = arith.muli %scan3A_399, %mul3A_412 : i32
        %add3A_414 = arith.constant 1 : i32
        %add3A_415 = arith.addi %mul3A_413, %add3A_414 : i32
        %mul3A_416 = arith.constant 16 : i32
        %mul3A_417 = arith.muli %add3A_415, %mul3A_416 : i32
        %add3A_418 = arith.constant 5264 : i32
        %add3A_419 = arith.addi %add3A_418, %mul3A_417 : i32
        %get3A_420 = arith.index_cast %add3A_419 : i32 to index
        %get3A_421 = tpu.vector_load %arg13[%get3A_420] {strides = array<i32>} : memref<12464xi32, #tpu.memory_space<vmem>>, vector<16xi32>,
        %gather3A_422 = tpu.vector_load_idx %arg8[%get3A_421] : memref<12384xf32, #tpu.memory_space<vmem>>[vector<16xi32>], vector<16xf32>,
        %mul3A_423 = arith.constant 10 : i32
        %mul3A_424 = arith.muli %scan3A_399, %mul3A_423 : i32
        %add3A_425 = arith.constant 2 : i32
        %add3A_426 = arith.addi %mul3A_424, %add3A_425 : i32
        %mul3A_427 = arith.constant 16 : i32
        %mul3A_428 = arith.muli %add3A_426, %mul3A_427 : i32
        %add3A_429 = arith.constant 5264 : i32
        %add3A_430 = arith.addi %add3A_429, %mul3A_428 : i32
        %get3A_431 = arith.index_cast %add3A_430 : i32 to index
        %get3A_432 = tpu.vector_load %arg13[%get3A_431] {strides = array<i32>} : memref<12464xi32, #tpu.memory_space<vmem>>, vector<16xi32>,
        %gather3A_433 = tpu.vector_load_idx %arg8[%get3A_432] : memref<12384xf32, #tpu.memory_space<vmem>>[vector<16xi32>], vector<16xf32>,
        %mul3A_434 = arith.constant 10 : i32
        %mul3A_435 = arith.muli %scan3A_399, %mul3A_434 : i32
        %add3A_436 = arith.constant 3 : i32
        %add3A_437 = arith.addi %mul3A_435, %add3A_436 : i32
        %mul3A_438 = arith.constant 16 : i32
        %mul3A_439 = arith.muli %add3A_437, %mul3A_438 : i32
        %add3A_440 = arith.constant 5264 : i32
        %add3A_441 = arith.addi %add3A_440, %mul3A_439 : i32
        %get3A_442 = arith.index_cast %add3A_441 : i32 to index
        %get3A_443 = tpu.vector_load %arg13[%get3A_442] {strides = array<i32>} : memref<12464xi32, #tpu.memory_space<vmem>>, vector<16xi32>,
        %gather3A_444 = tpu.vector_load_idx %arg8[%get3A_443] : memref<12384xf32, #tpu.memory_space<vmem>>[vector<16xi32>], vector<16xf32>,
        %mul3A_445 = arith.constant 10 : i32
        %mul3A_446 = arith.muli %scan3A_399, %mul3A_445 : i32
        %add3A_447 = arith.constant 4 : i32
        %add3A_448 = arith.addi %mul3A_446, %add3A_447 : i32
        %mul3A_449 = arith.constant 16 : i32
        %mul3A_450 = arith.muli %add3A_448, %mul3A_449 : i32
        %add3A_451 = arith.constant 5264 : i32
        %add3A_452 = arith.addi %add3A_451, %mul3A_450 : i32
        %get3A_453 = arith.index_cast %add3A_452 : i32 to index
        %get3A_454 = tpu.vector_load %arg13[%get3A_453] {strides = array<i32>} : memref<12464xi32, #tpu.memory_space<vmem>>, vector<16xi32>,
        %gather3A_455 = tpu.vector_load_idx %arg8[%get3A_454] : memref<12384xf32, #tpu.memory_space<vmem>>[vector<16xi32>], vector<16xf32>,
        %mul3A_456 = arith.constant 10 : i32
        %mul3A_457 = arith.muli %scan3A_399, %mul3A_456 : i32
        %add3A_458 = arith.constant 5 : i32
        %add3A_459 = arith.addi %mul3A_457, %add3A_458 : i32
        %mul3A_460 = arith.constant 16 : i32
        %mul3A_461 = arith.muli %add3A_459, %mul3A_460 : i32
        %add3A_462 = arith.constant 5264 : i32
        %add3A_463 = arith.addi %add3A_462, %mul3A_461 : i32
        %get3A_464 = arith.index_cast %add3A_463 : i32 to index
        %get3A_465 = tpu.vector_load %arg13[%get3A_464] {strides = array<i32>} : memref<12464xi32, #tpu.memory_space<vmem>>, vector<16xi32>,
        %gather3A_466 = tpu.vector_load_idx %arg8[%get3A_465] : memref<12384xf32, #tpu.memory_space<vmem>>[vector<16xi32>], vector<16xf32>,
        %mul3A_467 = arith.constant 10 : i32
        %mul3A_468 = arith.muli %scan3A_399, %mul3A_467 : i32
        %add3A_469 = arith.constant 6 : i32
        %add3A_470 = arith.addi %mul3A_468, %add3A_469 : i32
        %mul3A_471 = arith.constant 16 : i32
        %mul3A_472 = arith.muli %add3A_470, %mul3A_471 : i32
        %add3A_473 = arith.constant 5264 : i32
        %add3A_474 = arith.addi %add3A_473, %mul3A_472 : i32
        %get3A_475 = arith.index_cast %add3A_474 : i32 to index
        %get3A_476 = tpu.vector_load %arg13[%get3A_475] {strides = array<i32>} : memref<12464xi32, #tpu.memory_space<vmem>>, vector<16xi32>,
        %gather3A_477 = tpu.vector_load_idx %arg8[%get3A_476] : memref<12384xf32, #tpu.memory_space<vmem>>[vector<16xi32>], vector<16xf32>,
        %mul3A_478 = arith.constant 10 : i32
        %mul3A_479 = arith.muli %scan3A_399, %mul3A_478 : i32
        %add3A_480 = arith.constant 7 : i32
        %add3A_481 = arith.addi %mul3A_479, %add3A_480 : i32
        %mul3A_482 = arith.constant 16 : i32
        %mul3A_483 = arith.muli %add3A_481, %mul3A_482 : i32
        %add3A_484 = arith.constant 5264 : i32
        %add3A_485 = arith.addi %add3A_484, %mul3A_483 : i32
        %get3A_486 = arith.index_cast %add3A_485 : i32 to index
        %get3A_487 = tpu.vector_load %arg13[%get3A_486] {strides = array<i32>} : memref<12464xi32, #tpu.memory_space<vmem>>, vector<16xi32>,
        %gather3A_488 = tpu.vector_load_idx %arg8[%get3A_487] : memref<12384xf32, #tpu.memory_space<vmem>>[vector<16xi32>], vector<16xf32>,
        %mul3A_489 = arith.constant 10 : i32
        %mul3A_490 = arith.muli %scan3A_399, %mul3A_489 : i32
        %add3A_491 = arith.constant 8 : i32
        %add3A_492 = arith.addi %mul3A_490, %add3A_491 : i32
        %mul3A_493 = arith.constant 16 : i32
        %mul3A_494 = arith.muli %add3A_492, %mul3A_493 : i32
        %add3A_495 = arith.constant 5264 : i32
        %add3A_496 = arith.addi %add3A_495, %mul3A_494 : i32
        %get3A_497 = arith.index_cast %add3A_496 : i32 to index
        %get3A_498 = tpu.vector_load %arg13[%get3A_497] {strides = array<i32>} : memref<12464xi32, #tpu.memory_space<vmem>>, vector<16xi32>,
        %gather3A_499 = tpu.vector_load_idx %arg8[%get3A_498] : memref<12384xf32, #tpu.memory_space<vmem>>[vector<16xi32>], vector<16xf32>,
        %mul3A_500 = arith.constant 10 : i32
        %mul3A_501 = arith.muli %scan3A_399, %mul3A_500 : i32
        %add3A_502 = arith.constant 9 : i32
        %add3A_503 = arith.addi %mul3A_501, %add3A_502 : i32
        %mul3A_504 = arith.constant 16 : i32
        %mul3A_505 = arith.muli %add3A_503, %mul3A_504 : i32
        %add3A_506 = arith.constant 5264 : i32
        %add3A_507 = arith.addi %add3A_506, %mul3A_505 : i32
        %get3A_508 = arith.index_cast %add3A_507 : i32 to index
        %get3A_509 = tpu.vector_load %arg13[%get3A_508] {strides = array<i32>} : memref<12464xi32, #tpu.memory_space<vmem>>, vector<16xi32>,
        %gather3A_510 = tpu.vector_load_idx %arg8[%get3A_509] : memref<12384xf32, #tpu.memory_space<vmem>>[vector<16xi32>], vector<16xf32>,
        %add3A_511 = arith.addf %gather3A, %gather3A_422 : vector<16xf32>
        %add3A_512 = arith.addf %gather3A_433, %gather3A_444 : vector<16xf32>
        %add3A_513 = arith.addf %gather3A_455, %gather3A_466 : vector<16xf32>
        %add3A_514 = arith.addf %gather3A_477, %gather3A_488 : vector<16xf32>
        %add3A_515 = arith.addf %gather3A_499, %gather3A_510 : vector<16xf32>
        %add3A_516 = arith.addf %add3A_511, %add3A_512 : vector<16xf32>
        %add3A_517 = arith.addf %add3A_513, %add3A_514 : vector<16xf32>
        %add3A_518 = arith.addf %add3A_516, %add3A_517 : vector<16xf32>
        %add3A_519 = arith.addf %add3A_518, %add3A_515 : vector<16xf32>
        %mul3A_520 = arith.constant 16 : i32
        %mul3A_521 = arith.muli %scan3A_399, %mul3A_520 : i32
        %add3A_522 = arith.constant 1808 : i32
        %add3A_523 = arith.addi %add3A_522, %mul3A_521 : i32
        %get3A_524 = arith.index_cast %add3A_523 : i32 to index
        %get3A_525 = tpu.vector_load %arg14[%get3A_524] {strides = array<i32>} : memref<2528xi32, #tpu.memory_space<vmem>>, vector<16xi32>,
        tpu.vector_store_idx %arg11[%get3A_525], %add3A_519 : memref<2544xf32, #tpu.memory_space<vmem>>[vector<16xi32>], vector<16xf32>,
        %mul3A_526 = arith.constant 16 : i32
        %mul3A_527 = arith.muli %scan3A_399, %mul3A_526 : i32
        %add3A_528 = arith.constant 1808 : i32
        %add3A_529 = arith.addi %add3A_528, %mul3A_527 : i32
        %get3A_530 = arith.index_cast %add3A_529 : i32 to index
        %get3A_531 = tpu.vector_load %arg15[%get3A_530] {strides = array<i32>} : memref<2528xf32, #tpu.memory_space<vmem>>, vector<16xf32>,
        %gt3A = arith.constant 5.000000e-01 : f32
        %gt3A_532 = vector.broadcast %gt3A : f32 to vector<16xf32>
        %gt3A_533 = arith.cmpf ogt, %get3A_531, %gt3A_532 : vector<16xf32>
        %jit3A_534 = arith.constant 0xFF800000 : f32
        %broadcast_in_dim3A_535 = vector.broadcast %jit3A_534 : f32 to vector<16xf32>
        %select_n3A_536 = arith.select %gt3A_533, %add3A_519, %broadcast_in_dim3A_535 : vector<16xi1>, vector<16xf32>
        %max3A_537 = arith.maximumf %scan3A_401, %select_n3A_536 : vector<16xf32>
        %add3A_538 = arith.addf %scan3A_400, %add3A_519 : vector<16xf32>
        scf.yield %add3A_538, %max3A_537 : vector<16xf32>, vector<16xf32>
      }
      %scan3A_208 = arith.constant 45 : i32
      %reduce_sum3A_209 = arith.constant true
      %reduce_sum3A_210 = vector.broadcast %reduce_sum3A_209 : i1 to vector<16xi1>
      %reduce_sum3A_211 = tpu.scan <sum>, %scan3A_207#0 masked %reduce_sum3A_210 : vector<16xf32>, vector<16xi1> -> vector<16xf32>
      %reduce_sum3A_212 = vector.extract %reduce_sum3A_211[15] : f32 from vector<16xf32>
      %max3A_213 = arith.constant 9.99999993E-9 : f32
      %max3A_214 = arith.maximumf %reduce_sum3A_212, %max3A_213 : f32
      %reduce_max3A_215 = arith.constant true
      %reduce_max3A_216 = vector.broadcast %reduce_max3A_215 : i1 to vector<16xi1>
      %reduce_max3A_217 = tpu.scan <max>, %scan3A_207#1 masked %reduce_max3A_216 : vector<16xf32>, vector<16xi1> -> vector<16xf32>
      %reduce_max3A_218 = vector.extract %reduce_max3A_217[15] : f32 from vector<16xf32>
      %mul3A_219 = arith.constant 9.99999993E-9 : f32
      %mul3A_220 = arith.mulf %mul3A_219, %max3A_214 : f32
      %add3A_221 = arith.addf %reduce_max3A_218, %mul3A_220 : f32
      %broadcast_in_dim3A_222 = vector.broadcast %add3A_221 : f32 to vector<16xf32>
      %div3A_223 = arith.constant 1.000000e+00 : f32
      %div3A_224 = vector.broadcast %div3A_223 : f32 to vector<16xf32>
      %div3A_225 = arith.divf %div3A_224, %broadcast_in_dim3A_222 : vector<16xf32>
      %scan3A_226 = arith.constant 0 : i32
      %scan3A_227 = arith.constant 0 : i32
      %scan3A_228 = arith.constant 156 : i32
      %scan3A_229 = arith.addi %scan3A_227, %scan3A_228 : i32
      %scan3A_230 = arith.constant 1 : i32
      %scan3A_231 = scf.for %scan3A_399 = %scan3A_227 to %scan3A_229 step %scan3A_230 iter_args(%scan3A_400 = %scan3A_226) -> (i32)  : i32 {
        %mul3A_401 = arith.constant 16 : i32
        %mul3A_402 = arith.muli %scan3A_399, %mul3A_401 : i32
        %add3A_403 = arith.constant 4 : i32
        %add3A_404 = arith.addi %add3A_403, %mul3A_402 : i32
        %get3A_405 = arith.index_cast %add3A_404 : i32 to index
        %get3A_406 = tpu.vector_load %arg11[%get3A_405] {strides = array<i32>} : memref<2544xf32, #tpu.memory_space<vmem>>, vector<16xf32>,
        %mul3A_407 = arith.mulf %get3A_406, %div3A_225 : vector<16xf32>
        %mul3A_408 = arith.constant 16 : i32
        %mul3A_409 = arith.muli %scan3A_399, %mul3A_408 : i32
        %add3A_410 = arith.constant 2500 : i32
        %add3A_411 = arith.addi %add3A_410, %mul3A_409 : i32
        %swap3A_412 = arith.index_cast %add3A_411 : i32 to index
        %swap3A_413 = tpu.vector_load %arg12[%swap3A_412] {strides = array<i32>} : memref<10016xf32, #tpu.memory_space<vmem>>, vector<16xf32>,
        tpu.vector_store %arg12[%swap3A_412], %mul3A_407 {strides = array<i32>} : memref<10016xf32, #tpu.memory_space<vmem>>, vector<16xf32>,
        %scan3A_414 = arith.constant 0 : i32
        scf.yield %scan3A_414 : i32
      }
      %scan3A_232 = arith.constant 156 : i32
      %get3A_233 = arith.constant 2500 : index
      %get3A_234 = tpu.vector_load %arg11[%get3A_233] {strides = array<i32>} : memref<2544xf32, #tpu.memory_space<vmem>>, vector<16xf32>,
      %mul3A_235 = arith.mulf %get3A_234, %div3A_225 : vector<16xf32>
      %lt3A_236 = arith.constant 4 : i32
      %lt3A_237 = vector.broadcast %lt3A_236 : i32 to vector<16xi32>
      %lt3A_238 = arith.cmpi slt, %iota3A, %lt3A_237 : vector<16xi32>
      %jit3A_239 = arith.constant 0.000000e+00 : f32
      %broadcast_in_dim3A_240 = vector.broadcast %jit3A_239 : f32 to vector<16xf32>
      %select_n3A_241 = arith.select %lt3A_238, %mul3A_235, %broadcast_in_dim3A_240 : vector<16xi1>, vector<16xf32>
      %swap3A_242 = arith.constant 4996 : index
      %swap3A_243 = tpu.vector_load %arg12[%swap3A_242] {strides = array<i32>} : memref<10016xf32, #tpu.memory_space<vmem>>, vector<16xf32>,
      tpu.vector_store %arg12[%swap3A_242], %select_n3A_241 {strides = array<i32>} : memref<10016xf32, #tpu.memory_space<vmem>>, vector<16xf32>,
      %add3A_244 = arith.constant 1024 : i32
      %add3A_245 = arith.addi %add3A_244, %add3A_97 : i32
      %add3A_246 = arith.constant 1 : i32
      %add3A_247 = arith.addi %add3A_245, %add3A_246 : i32
      %mul3A_248 = arith.constant 12376 : i32
      %mul3A_249 = arith.muli %add3A_247, %mul3A_248 : i32
      %dma_start3A_250 = arith.constant 0 : i32
      %dma_start3A_251 = tpu.memref_slice %arg8[%dma_start3A_250] : memref<12384xf32, #tpu.memory_space<vmem>> -> memref<12376xf32, #tpu.memory_space<vmem>>
      %dma_start3A_252 = tpu.memref_slice %arg2[%mul3A_249] : memref<50692096xf32, #tpu.memory_space<hbm>> -> memref<12376xf32, #tpu.memory_space<hbm>>
      %dma_start3A_253 = arith.constant 0 : i32
      %dma_start3A_254 = tpu.memref_slice %arg8[%dma_start3A_253] : memref<12384xf32, #tpu.memory_space<vmem>> -> memref<12376xf32, #tpu.memory_space<vmem>>
      %dma_start3A_255 = tpu.memref_slice %arg2[%mul3A_249] : memref<50692096xf32, #tpu.memory_space<hbm>> -> memref<12376xf32, #tpu.memory_space<hbm>>
      tpu.enqueue_dma source(%dma_start3A_255 : memref<12376xf32, #tpu.memory_space<hbm>>) target(%dma_start3A_254 : memref<12376xf32, #tpu.memory_space<vmem>>) target_semaphore(%arg16 : memref<!tpu.dma_semaphore, #tpu.memory_space<semaphore_mem>>)
      %dma_wait3A_256 = arith.constant 0 : i32
      %dma_wait3A_257 = tpu.memref_slice %arg9[%dma_wait3A_256] : memref<12384xf32, #tpu.memory_space<vmem>> -> memref<12376xf32, #tpu.memory_space<vmem>>
      %dma_wait3A_258 = arith.constant 0 : i32
      %dma_wait3A_259 = tpu.memref_slice %arg2[%dma_wait3A_258] : memref<50692096xf32, #tpu.memory_space<hbm>> -> memref<12376xf32, #tpu.memory_space<hbm>>
      %dma_wait3A_260 = arith.constant 0 : i32
      %dma_wait3A_261 = tpu.memref_slice %arg9[%dma_wait3A_260] : memref<12384xf32, #tpu.memory_space<vmem>> -> memref<12376xf32, #tpu.memory_space<vmem>>
      %dma_wait3A_262 = arith.constant 0 : i32
      %dma_wait3A_263 = tpu.memref_slice %arg2[%dma_wait3A_262] : memref<50692096xf32, #tpu.memory_space<hbm>> -> memref<12376xf32, #tpu.memory_space<hbm>>
      tpu.wait_dma2 semaphore(%arg16 : memref<!tpu.dma_semaphore, #tpu.memory_space<semaphore_mem>>) src(%dma_wait3A_263 : memref<12376xf32, #tpu.memory_space<hbm>>) dst(%dma_wait3A_261 : memref<12376xf32, #tpu.memory_space<vmem>>)
      %scan3A_264 = arith.constant 0 : i32
      %scan3A_265 = arith.constant 59 : i32
      %scan3A_266 = arith.addi %scan3A_264, %scan3A_265 : i32
      %scan3A_267 = arith.constant 1 : i32
      %scan3A_268:2 = scf.for %scan3A_399 = %scan3A_264 to %scan3A_266 step %scan3A_267 iter_args(%scan3A_400 = %broadcast_in_dim3A_1, %scan3A_401 = %broadcast_in_dim3A_3) -> (vector<16xf32>, vector<16xf32>)  : i32 {
        %mul3A_402 = arith.constant 1 : i32
        %mul3A_403 = arith.muli %scan3A_399, %mul3A_402 : i32
        %add3A_404 = arith.constant 0 : i32
        %add3A_405 = arith.addi %mul3A_403, %add3A_404 : i32
        %mul3A_406 = arith.constant 16 : i32
        %mul3A_407 = arith.muli %add3A_405, %mul3A_406 : i32
        %add3A_408 = arith.constant 0 : i32
        %add3A_409 = arith.addi %add3A_408, %mul3A_407 : i32
        %get3A_410 = arith.index_cast %add3A_409 : i32 to index
        %get3A_411 = tpu.vector_load %arg13[%get3A_410] {strides = array<i32>} : memref<12464xi32, #tpu.memory_space<vmem>>, vector<16xi32>,
        %gather3A = tpu.vector_load_idx %arg9[%get3A_411] : memref<12384xf32, #tpu.memory_space<vmem>>[vector<16xi32>], vector<16xf32>,
        %mul3A_412 = arith.constant 16 : i32
        %mul3A_413 = arith.muli %scan3A_399, %mul3A_412 : i32
        %add3A_414 = arith.constant 0 : i32
        %add3A_415 = arith.addi %add3A_414, %mul3A_413 : i32
        %get3A_416 = arith.index_cast %add3A_415 : i32 to index
        %get3A_417 = tpu.vector_load %arg14[%get3A_416] {strides = array<i32>} : memref<2528xi32, #tpu.memory_space<vmem>>, vector<16xi32>,
        tpu.vector_store_idx %arg11[%get3A_417], %gather3A : memref<2544xf32, #tpu.memory_space<vmem>>[vector<16xi32>], vector<16xf32>,
        %mul3A_418 = arith.constant 16 : i32
        %mul3A_419 = arith.muli %scan3A_399, %mul3A_418 : i32
        %add3A_420 = arith.constant 0 : i32
        %add3A_421 = arith.addi %add3A_420, %mul3A_419 : i32
        %get3A_422 = arith.index_cast %add3A_421 : i32 to index
        %get3A_423 = tpu.vector_load %arg15[%get3A_422] {strides = array<i32>} : memref<2528xf32, #tpu.memory_space<vmem>>, vector<16xf32>,
        %gt3A = arith.constant 5.000000e-01 : f32
        %gt3A_424 = vector.broadcast %gt3A : f32 to vector<16xf32>
        %gt3A_425 = arith.cmpf ogt, %get3A_423, %gt3A_424 : vector<16xf32>
        %jit3A_426 = arith.constant 0xFF800000 : f32
        %broadcast_in_dim3A_427 = vector.broadcast %jit3A_426 : f32 to vector<16xf32>
        %select_n3A_428 = arith.select %gt3A_425, %gather3A, %broadcast_in_dim3A_427 : vector<16xi1>, vector<16xf32>
        %max3A_429 = arith.maximumf %scan3A_401, %select_n3A_428 : vector<16xf32>
        %add3A_430 = arith.addf %scan3A_400, %gather3A : vector<16xf32>
        scf.yield %add3A_430, %max3A_429 : vector<16xf32>, vector<16xf32>
      }
      %scan3A_269 = arith.constant 59 : i32
      %scan3A_270 = arith.constant 0 : i32
      %scan3A_271 = arith.constant 54 : i32
      %scan3A_272 = arith.addi %scan3A_270, %scan3A_271 : i32
      %scan3A_273 = arith.constant 1 : i32
      %scan3A_274:2 = scf.for %scan3A_399 = %scan3A_270 to %scan3A_272 step %scan3A_273 iter_args(%scan3A_400 = %scan3A_268#0, %scan3A_401 = %scan3A_268#1) -> (vector<16xf32>, vector<16xf32>)  : i32 {
        %mul3A_402 = arith.constant 5 : i32
        %mul3A_403 = arith.muli %scan3A_399, %mul3A_402 : i32
        %add3A_404 = arith.constant 0 : i32
        %add3A_405 = arith.addi %mul3A_403, %add3A_404 : i32
        %mul3A_406 = arith.constant 16 : i32
        %mul3A_407 = arith.muli %add3A_405, %mul3A_406 : i32
        %add3A_408 = arith.constant 944 : i32
        %add3A_409 = arith.addi %add3A_408, %mul3A_407 : i32
        %get3A_410 = arith.index_cast %add3A_409 : i32 to index
        %get3A_411 = tpu.vector_load %arg13[%get3A_410] {strides = array<i32>} : memref<12464xi32, #tpu.memory_space<vmem>>, vector<16xi32>,
        %gather3A = tpu.vector_load_idx %arg9[%get3A_411] : memref<12384xf32, #tpu.memory_space<vmem>>[vector<16xi32>], vector<16xf32>,
        %mul3A_412 = arith.constant 5 : i32
        %mul3A_413 = arith.muli %scan3A_399, %mul3A_412 : i32
        %add3A_414 = arith.constant 1 : i32
        %add3A_415 = arith.addi %mul3A_413, %add3A_414 : i32
        %mul3A_416 = arith.constant 16 : i32
        %mul3A_417 = arith.muli %add3A_415, %mul3A_416 : i32
        %add3A_418 = arith.constant 944 : i32
        %add3A_419 = arith.addi %add3A_418, %mul3A_417 : i32
        %get3A_420 = arith.index_cast %add3A_419 : i32 to index
        %get3A_421 = tpu.vector_load %arg13[%get3A_420] {strides = array<i32>} : memref<12464xi32, #tpu.memory_space<vmem>>, vector<16xi32>,
        %gather3A_422 = tpu.vector_load_idx %arg9[%get3A_421] : memref<12384xf32, #tpu.memory_space<vmem>>[vector<16xi32>], vector<16xf32>,
        %mul3A_423 = arith.constant 5 : i32
        %mul3A_424 = arith.muli %scan3A_399, %mul3A_423 : i32
        %add3A_425 = arith.constant 2 : i32
        %add3A_426 = arith.addi %mul3A_424, %add3A_425 : i32
        %mul3A_427 = arith.constant 16 : i32
        %mul3A_428 = arith.muli %add3A_426, %mul3A_427 : i32
        %add3A_429 = arith.constant 944 : i32
        %add3A_430 = arith.addi %add3A_429, %mul3A_428 : i32
        %get3A_431 = arith.index_cast %add3A_430 : i32 to index
        %get3A_432 = tpu.vector_load %arg13[%get3A_431] {strides = array<i32>} : memref<12464xi32, #tpu.memory_space<vmem>>, vector<16xi32>,
        %gather3A_433 = tpu.vector_load_idx %arg9[%get3A_432] : memref<12384xf32, #tpu.memory_space<vmem>>[vector<16xi32>], vector<16xf32>,
        %mul3A_434 = arith.constant 5 : i32
        %mul3A_435 = arith.muli %scan3A_399, %mul3A_434 : i32
        %add3A_436 = arith.constant 3 : i32
        %add3A_437 = arith.addi %mul3A_435, %add3A_436 : i32
        %mul3A_438 = arith.constant 16 : i32
        %mul3A_439 = arith.muli %add3A_437, %mul3A_438 : i32
        %add3A_440 = arith.constant 944 : i32
        %add3A_441 = arith.addi %add3A_440, %mul3A_439 : i32
        %get3A_442 = arith.index_cast %add3A_441 : i32 to index
        %get3A_443 = tpu.vector_load %arg13[%get3A_442] {strides = array<i32>} : memref<12464xi32, #tpu.memory_space<vmem>>, vector<16xi32>,
        %gather3A_444 = tpu.vector_load_idx %arg9[%get3A_443] : memref<12384xf32, #tpu.memory_space<vmem>>[vector<16xi32>], vector<16xf32>,
        %mul3A_445 = arith.constant 5 : i32
        %mul3A_446 = arith.muli %scan3A_399, %mul3A_445 : i32
        %add3A_447 = arith.constant 4 : i32
        %add3A_448 = arith.addi %mul3A_446, %add3A_447 : i32
        %mul3A_449 = arith.constant 16 : i32
        %mul3A_450 = arith.muli %add3A_448, %mul3A_449 : i32
        %add3A_451 = arith.constant 944 : i32
        %add3A_452 = arith.addi %add3A_451, %mul3A_450 : i32
        %get3A_453 = arith.index_cast %add3A_452 : i32 to index
        %get3A_454 = tpu.vector_load %arg13[%get3A_453] {strides = array<i32>} : memref<12464xi32, #tpu.memory_space<vmem>>, vector<16xi32>,
        %gather3A_455 = tpu.vector_load_idx %arg9[%get3A_454] : memref<12384xf32, #tpu.memory_space<vmem>>[vector<16xi32>], vector<16xf32>,
        %add3A_456 = arith.addf %gather3A, %gather3A_422 : vector<16xf32>
        %add3A_457 = arith.addf %gather3A_433, %gather3A_444 : vector<16xf32>
        %add3A_458 = arith.addf %add3A_456, %add3A_457 : vector<16xf32>
        %add3A_459 = arith.addf %add3A_458, %gather3A_455 : vector<16xf32>
        %mul3A_460 = arith.constant 16 : i32
        %mul3A_461 = arith.muli %scan3A_399, %mul3A_460 : i32
        %add3A_462 = arith.constant 944 : i32
        %add3A_463 = arith.addi %add3A_462, %mul3A_461 : i32
        %get3A_464 = arith.index_cast %add3A_463 : i32 to index
        %get3A_465 = tpu.vector_load %arg14[%get3A_464] {strides = array<i32>} : memref<2528xi32, #tpu.memory_space<vmem>>, vector<16xi32>,
        tpu.vector_store_idx %arg11[%get3A_465], %add3A_459 : memref<2544xf32, #tpu.memory_space<vmem>>[vector<16xi32>], vector<16xf32>,
        %mul3A_466 = arith.constant 16 : i32
        %mul3A_467 = arith.muli %scan3A_399, %mul3A_466 : i32
        %add3A_468 = arith.constant 944 : i32
        %add3A_469 = arith.addi %add3A_468, %mul3A_467 : i32
        %get3A_470 = arith.index_cast %add3A_469 : i32 to index
        %get3A_471 = tpu.vector_load %arg15[%get3A_470] {strides = array<i32>} : memref<2528xf32, #tpu.memory_space<vmem>>, vector<16xf32>,
        %gt3A = arith.constant 5.000000e-01 : f32
        %gt3A_472 = vector.broadcast %gt3A : f32 to vector<16xf32>
        %gt3A_473 = arith.cmpf ogt, %get3A_471, %gt3A_472 : vector<16xf32>
        %jit3A_474 = arith.constant 0xFF800000 : f32
        %broadcast_in_dim3A_475 = vector.broadcast %jit3A_474 : f32 to vector<16xf32>
        %select_n3A_476 = arith.select %gt3A_473, %add3A_459, %broadcast_in_dim3A_475 : vector<16xi1>, vector<16xf32>
        %max3A_477 = arith.maximumf %scan3A_401, %select_n3A_476 : vector<16xf32>
        %add3A_478 = arith.addf %scan3A_400, %add3A_459 : vector<16xf32>
        scf.yield %add3A_478, %max3A_477 : vector<16xf32>, vector<16xf32>
      }
      %scan3A_275 = arith.constant 54 : i32
      %scan3A_276 = arith.constant 0 : i32
      %scan3A_277 = arith.constant 45 : i32
      %scan3A_278 = arith.addi %scan3A_276, %scan3A_277 : i32
      %scan3A_279 = arith.constant 1 : i32
      %scan3A_280:2 = scf.for %scan3A_399 = %scan3A_276 to %scan3A_278 step %scan3A_279 iter_args(%scan3A_400 = %scan3A_274#0, %scan3A_401 = %scan3A_274#1) -> (vector<16xf32>, vector<16xf32>)  : i32 {
        %mul3A_402 = arith.constant 10 : i32
        %mul3A_403 = arith.muli %scan3A_399, %mul3A_402 : i32
        %add3A_404 = arith.constant 0 : i32
        %add3A_405 = arith.addi %mul3A_403, %add3A_404 : i32
        %mul3A_406 = arith.constant 16 : i32
        %mul3A_407 = arith.muli %add3A_405, %mul3A_406 : i32
        %add3A_408 = arith.constant 5264 : i32
        %add3A_409 = arith.addi %add3A_408, %mul3A_407 : i32
        %get3A_410 = arith.index_cast %add3A_409 : i32 to index
        %get3A_411 = tpu.vector_load %arg13[%get3A_410] {strides = array<i32>} : memref<12464xi32, #tpu.memory_space<vmem>>, vector<16xi32>,
        %gather3A = tpu.vector_load_idx %arg9[%get3A_411] : memref<12384xf32, #tpu.memory_space<vmem>>[vector<16xi32>], vector<16xf32>,
        %mul3A_412 = arith.constant 10 : i32
        %mul3A_413 = arith.muli %scan3A_399, %mul3A_412 : i32
        %add3A_414 = arith.constant 1 : i32
        %add3A_415 = arith.addi %mul3A_413, %add3A_414 : i32
        %mul3A_416 = arith.constant 16 : i32
        %mul3A_417 = arith.muli %add3A_415, %mul3A_416 : i32
        %add3A_418 = arith.constant 5264 : i32
        %add3A_419 = arith.addi %add3A_418, %mul3A_417 : i32
        %get3A_420 = arith.index_cast %add3A_419 : i32 to index
        %get3A_421 = tpu.vector_load %arg13[%get3A_420] {strides = array<i32>} : memref<12464xi32, #tpu.memory_space<vmem>>, vector<16xi32>,
        %gather3A_422 = tpu.vector_load_idx %arg9[%get3A_421] : memref<12384xf32, #tpu.memory_space<vmem>>[vector<16xi32>], vector<16xf32>,
        %mul3A_423 = arith.constant 10 : i32
        %mul3A_424 = arith.muli %scan3A_399, %mul3A_423 : i32
        %add3A_425 = arith.constant 2 : i32
        %add3A_426 = arith.addi %mul3A_424, %add3A_425 : i32
        %mul3A_427 = arith.constant 16 : i32
        %mul3A_428 = arith.muli %add3A_426, %mul3A_427 : i32
        %add3A_429 = arith.constant 5264 : i32
        %add3A_430 = arith.addi %add3A_429, %mul3A_428 : i32
        %get3A_431 = arith.index_cast %add3A_430 : i32 to index
        %get3A_432 = tpu.vector_load %arg13[%get3A_431] {strides = array<i32>} : memref<12464xi32, #tpu.memory_space<vmem>>, vector<16xi32>,
        %gather3A_433 = tpu.vector_load_idx %arg9[%get3A_432] : memref<12384xf32, #tpu.memory_space<vmem>>[vector<16xi32>], vector<16xf32>,
        %mul3A_434 = arith.constant 10 : i32
        %mul3A_435 = arith.muli %scan3A_399, %mul3A_434 : i32
        %add3A_436 = arith.constant 3 : i32
        %add3A_437 = arith.addi %mul3A_435, %add3A_436 : i32
        %mul3A_438 = arith.constant 16 : i32
        %mul3A_439 = arith.muli %add3A_437, %mul3A_438 : i32
        %add3A_440 = arith.constant 5264 : i32
        %add3A_441 = arith.addi %add3A_440, %mul3A_439 : i32
        %get3A_442 = arith.index_cast %add3A_441 : i32 to index
        %get3A_443 = tpu.vector_load %arg13[%get3A_442] {strides = array<i32>} : memref<12464xi32, #tpu.memory_space<vmem>>, vector<16xi32>,
        %gather3A_444 = tpu.vector_load_idx %arg9[%get3A_443] : memref<12384xf32, #tpu.memory_space<vmem>>[vector<16xi32>], vector<16xf32>,
        %mul3A_445 = arith.constant 10 : i32
        %mul3A_446 = arith.muli %scan3A_399, %mul3A_445 : i32
        %add3A_447 = arith.constant 4 : i32
        %add3A_448 = arith.addi %mul3A_446, %add3A_447 : i32
        %mul3A_449 = arith.constant 16 : i32
        %mul3A_450 = arith.muli %add3A_448, %mul3A_449 : i32
        %add3A_451 = arith.constant 5264 : i32
        %add3A_452 = arith.addi %add3A_451, %mul3A_450 : i32
        %get3A_453 = arith.index_cast %add3A_452 : i32 to index
        %get3A_454 = tpu.vector_load %arg13[%get3A_453] {strides = array<i32>} : memref<12464xi32, #tpu.memory_space<vmem>>, vector<16xi32>,
        %gather3A_455 = tpu.vector_load_idx %arg9[%get3A_454] : memref<12384xf32, #tpu.memory_space<vmem>>[vector<16xi32>], vector<16xf32>,
        %mul3A_456 = arith.constant 10 : i32
        %mul3A_457 = arith.muli %scan3A_399, %mul3A_456 : i32
        %add3A_458 = arith.constant 5 : i32
        %add3A_459 = arith.addi %mul3A_457, %add3A_458 : i32
        %mul3A_460 = arith.constant 16 : i32
        %mul3A_461 = arith.muli %add3A_459, %mul3A_460 : i32
        %add3A_462 = arith.constant 5264 : i32
        %add3A_463 = arith.addi %add3A_462, %mul3A_461 : i32
        %get3A_464 = arith.index_cast %add3A_463 : i32 to index
        %get3A_465 = tpu.vector_load %arg13[%get3A_464] {strides = array<i32>} : memref<12464xi32, #tpu.memory_space<vmem>>, vector<16xi32>,
        %gather3A_466 = tpu.vector_load_idx %arg9[%get3A_465] : memref<12384xf32, #tpu.memory_space<vmem>>[vector<16xi32>], vector<16xf32>,
        %mul3A_467 = arith.constant 10 : i32
        %mul3A_468 = arith.muli %scan3A_399, %mul3A_467 : i32
        %add3A_469 = arith.constant 6 : i32
        %add3A_470 = arith.addi %mul3A_468, %add3A_469 : i32
        %mul3A_471 = arith.constant 16 : i32
        %mul3A_472 = arith.muli %add3A_470, %mul3A_471 : i32
        %add3A_473 = arith.constant 5264 : i32
        %add3A_474 = arith.addi %add3A_473, %mul3A_472 : i32
        %get3A_475 = arith.index_cast %add3A_474 : i32 to index
        %get3A_476 = tpu.vector_load %arg13[%get3A_475] {strides = array<i32>} : memref<12464xi32, #tpu.memory_space<vmem>>, vector<16xi32>,
        %gather3A_477 = tpu.vector_load_idx %arg9[%get3A_476] : memref<12384xf32, #tpu.memory_space<vmem>>[vector<16xi32>], vector<16xf32>,
        %mul3A_478 = arith.constant 10 : i32
        %mul3A_479 = arith.muli %scan3A_399, %mul3A_478 : i32
        %add3A_480 = arith.constant 7 : i32
        %add3A_481 = arith.addi %mul3A_479, %add3A_480 : i32
        %mul3A_482 = arith.constant 16 : i32
        %mul3A_483 = arith.muli %add3A_481, %mul3A_482 : i32
        %add3A_484 = arith.constant 5264 : i32
        %add3A_485 = arith.addi %add3A_484, %mul3A_483 : i32
        %get3A_486 = arith.index_cast %add3A_485 : i32 to index
        %get3A_487 = tpu.vector_load %arg13[%get3A_486] {strides = array<i32>} : memref<12464xi32, #tpu.memory_space<vmem>>, vector<16xi32>,
        %gather3A_488 = tpu.vector_load_idx %arg9[%get3A_487] : memref<12384xf32, #tpu.memory_space<vmem>>[vector<16xi32>], vector<16xf32>,
        %mul3A_489 = arith.constant 10 : i32
        %mul3A_490 = arith.muli %scan3A_399, %mul3A_489 : i32
        %add3A_491 = arith.constant 8 : i32
        %add3A_492 = arith.addi %mul3A_490, %add3A_491 : i32
        %mul3A_493 = arith.constant 16 : i32
        %mul3A_494 = arith.muli %add3A_492, %mul3A_493 : i32
        %add3A_495 = arith.constant 5264 : i32
        %add3A_496 = arith.addi %add3A_495, %mul3A_494 : i32
        %get3A_497 = arith.index_cast %add3A_496 : i32 to index
        %get3A_498 = tpu.vector_load %arg13[%get3A_497] {strides = array<i32>} : memref<12464xi32, #tpu.memory_space<vmem>>, vector<16xi32>,
        %gather3A_499 = tpu.vector_load_idx %arg9[%get3A_498] : memref<12384xf32, #tpu.memory_space<vmem>>[vector<16xi32>], vector<16xf32>,
        %mul3A_500 = arith.constant 10 : i32
        %mul3A_501 = arith.muli %scan3A_399, %mul3A_500 : i32
        %add3A_502 = arith.constant 9 : i32
        %add3A_503 = arith.addi %mul3A_501, %add3A_502 : i32
        %mul3A_504 = arith.constant 16 : i32
        %mul3A_505 = arith.muli %add3A_503, %mul3A_504 : i32
        %add3A_506 = arith.constant 5264 : i32
        %add3A_507 = arith.addi %add3A_506, %mul3A_505 : i32
        %get3A_508 = arith.index_cast %add3A_507 : i32 to index
        %get3A_509 = tpu.vector_load %arg13[%get3A_508] {strides = array<i32>} : memref<12464xi32, #tpu.memory_space<vmem>>, vector<16xi32>,
        %gather3A_510 = tpu.vector_load_idx %arg9[%get3A_509] : memref<12384xf32, #tpu.memory_space<vmem>>[vector<16xi32>], vector<16xf32>,
        %add3A_511 = arith.addf %gather3A, %gather3A_422 : vector<16xf32>
        %add3A_512 = arith.addf %gather3A_433, %gather3A_444 : vector<16xf32>
        %add3A_513 = arith.addf %gather3A_455, %gather3A_466 : vector<16xf32>
        %add3A_514 = arith.addf %gather3A_477, %gather3A_488 : vector<16xf32>
        %add3A_515 = arith.addf %gather3A_499, %gather3A_510 : vector<16xf32>
        %add3A_516 = arith.addf %add3A_511, %add3A_512 : vector<16xf32>
        %add3A_517 = arith.addf %add3A_513, %add3A_514 : vector<16xf32>
        %add3A_518 = arith.addf %add3A_516, %add3A_517 : vector<16xf32>
        %add3A_519 = arith.addf %add3A_518, %add3A_515 : vector<16xf32>
        %mul3A_520 = arith.constant 16 : i32
        %mul3A_521 = arith.muli %scan3A_399, %mul3A_520 : i32
        %add3A_522 = arith.constant 1808 : i32
        %add3A_523 = arith.addi %add3A_522, %mul3A_521 : i32
        %get3A_524 = arith.index_cast %add3A_523 : i32 to index
        %get3A_525 = tpu.vector_load %arg14[%get3A_524] {strides = array<i32>} : memref<2528xi32, #tpu.memory_space<vmem>>, vector<16xi32>,
        tpu.vector_store_idx %arg11[%get3A_525], %add3A_519 : memref<2544xf32, #tpu.memory_space<vmem>>[vector<16xi32>], vector<16xf32>,
        %mul3A_526 = arith.constant 16 : i32
        %mul3A_527 = arith.muli %scan3A_399, %mul3A_526 : i32
        %add3A_528 = arith.constant 1808 : i32
        %add3A_529 = arith.addi %add3A_528, %mul3A_527 : i32
        %get3A_530 = arith.index_cast %add3A_529 : i32 to index
        %get3A_531 = tpu.vector_load %arg15[%get3A_530] {strides = array<i32>} : memref<2528xf32, #tpu.memory_space<vmem>>, vector<16xf32>,
        %gt3A = arith.constant 5.000000e-01 : f32
        %gt3A_532 = vector.broadcast %gt3A : f32 to vector<16xf32>
        %gt3A_533 = arith.cmpf ogt, %get3A_531, %gt3A_532 : vector<16xf32>
        %jit3A_534 = arith.constant 0xFF800000 : f32
        %broadcast_in_dim3A_535 = vector.broadcast %jit3A_534 : f32 to vector<16xf32>
        %select_n3A_536 = arith.select %gt3A_533, %add3A_519, %broadcast_in_dim3A_535 : vector<16xi1>, vector<16xf32>
        %max3A_537 = arith.maximumf %scan3A_401, %select_n3A_536 : vector<16xf32>
        %add3A_538 = arith.addf %scan3A_400, %add3A_519 : vector<16xf32>
        scf.yield %add3A_538, %max3A_537 : vector<16xf32>, vector<16xf32>
      }
      %scan3A_281 = arith.constant 45 : i32
      %reduce_sum3A_282 = arith.constant true
      %reduce_sum3A_283 = vector.broadcast %reduce_sum3A_282 : i1 to vector<16xi1>
      %reduce_sum3A_284 = tpu.scan <sum>, %scan3A_280#0 masked %reduce_sum3A_283 : vector<16xf32>, vector<16xi1> -> vector<16xf32>
      %reduce_sum3A_285 = vector.extract %reduce_sum3A_284[15] : f32 from vector<16xf32>
      %max3A_286 = arith.constant 9.99999993E-9 : f32
      %max3A_287 = arith.maximumf %reduce_sum3A_285, %max3A_286 : f32
      %reduce_max3A_288 = arith.constant true
      %reduce_max3A_289 = vector.broadcast %reduce_max3A_288 : i1 to vector<16xi1>
      %reduce_max3A_290 = tpu.scan <max>, %scan3A_280#1 masked %reduce_max3A_289 : vector<16xf32>, vector<16xi1> -> vector<16xf32>
      %reduce_max3A_291 = vector.extract %reduce_max3A_290[15] : f32 from vector<16xf32>
      %mul3A_292 = arith.constant 9.99999993E-9 : f32
      %mul3A_293 = arith.mulf %mul3A_292, %max3A_287 : f32
      %add3A_294 = arith.addf %reduce_max3A_291, %mul3A_293 : f32
      %broadcast_in_dim3A_295 = vector.broadcast %add3A_294 : f32 to vector<16xf32>
      %div3A_296 = arith.constant 1.000000e+00 : f32
      %div3A_297 = vector.broadcast %div3A_296 : f32 to vector<16xf32>
      %div3A_298 = arith.divf %div3A_297, %broadcast_in_dim3A_295 : vector<16xf32>
      %scan3A_299 = arith.constant 0 : i32
      %scan3A_300 = arith.constant 0 : i32
      %scan3A_301 = arith.constant 156 : i32
      %scan3A_302 = arith.addi %scan3A_300, %scan3A_301 : i32
      %scan3A_303 = arith.constant 1 : i32
      %scan3A_304 = scf.for %scan3A_399 = %scan3A_300 to %scan3A_302 step %scan3A_303 iter_args(%scan3A_400 = %scan3A_299) -> (i32)  : i32 {
        %mul3A_401 = arith.constant 16 : i32
        %mul3A_402 = arith.muli %scan3A_399, %mul3A_401 : i32
        %add3A_403 = arith.constant 4 : i32
        %add3A_404 = arith.addi %add3A_403, %mul3A_402 : i32
        %get3A_405 = arith.index_cast %add3A_404 : i32 to index
        %get3A_406 = tpu.vector_load %arg11[%get3A_405] {strides = array<i32>} : memref<2544xf32, #tpu.memory_space<vmem>>, vector<16xf32>,
        %mul3A_407 = arith.mulf %get3A_406, %div3A_298 : vector<16xf32>
        %mul3A_408 = arith.constant 16 : i32
        %mul3A_409 = arith.muli %scan3A_399, %mul3A_408 : i32
        %add3A_410 = arith.constant 5000 : i32
        %add3A_411 = arith.addi %add3A_410, %mul3A_409 : i32
        %swap3A_412 = arith.index_cast %add3A_411 : i32 to index
        %swap3A_413 = tpu.vector_load %arg12[%swap3A_412] {strides = array<i32>} : memref<10016xf32, #tpu.memory_space<vmem>>, vector<16xf32>,
        tpu.vector_store %arg12[%swap3A_412], %mul3A_407 {strides = array<i32>} : memref<10016xf32, #tpu.memory_space<vmem>>, vector<16xf32>,
        %scan3A_414 = arith.constant 0 : i32
        scf.yield %scan3A_414 : i32
      }
      %scan3A_305 = arith.constant 156 : i32
      %get3A_306 = arith.constant 2500 : index
      %get3A_307 = tpu.vector_load %arg11[%get3A_306] {strides = array<i32>} : memref<2544xf32, #tpu.memory_space<vmem>>, vector<16xf32>,
      %mul3A_308 = arith.mulf %get3A_307, %div3A_298 : vector<16xf32>
      %lt3A_309 = arith.constant 4 : i32
      %lt3A_310 = vector.broadcast %lt3A_309 : i32 to vector<16xi32>
      %lt3A_311 = arith.cmpi slt, %iota3A, %lt3A_310 : vector<16xi32>
      %jit3A_312 = arith.constant 0.000000e+00 : f32
      %broadcast_in_dim3A_313 = vector.broadcast %jit3A_312 : f32 to vector<16xf32>
      %select_n3A_314 = arith.select %lt3A_311, %mul3A_308, %broadcast_in_dim3A_313 : vector<16xi1>, vector<16xf32>
      %swap3A_315 = arith.constant 7496 : index
      %swap3A_316 = tpu.vector_load %arg12[%swap3A_315] {strides = array<i32>} : memref<10016xf32, #tpu.memory_space<vmem>>, vector<16xf32>,
      tpu.vector_store %arg12[%swap3A_315], %select_n3A_314 {strides = array<i32>} : memref<10016xf32, #tpu.memory_space<vmem>>, vector<16xf32>,
      %add3A_317 = arith.constant 2048 : i32
      %add3A_318 = arith.addi %add3A_317, %add3A_97 : i32
      %add3A_319 = arith.constant 1 : i32
      %add3A_320 = arith.addi %add3A_318, %add3A_319 : i32
      %mul3A_321 = arith.constant 12376 : i32
      %mul3A_322 = arith.muli %add3A_320, %mul3A_321 : i32
      %dma_start3A_323 = arith.constant 0 : i32
      %dma_start3A_324 = tpu.memref_slice %arg9[%dma_start3A_323] : memref<12384xf32, #tpu.memory_space<vmem>> -> memref<12376xf32, #tpu.memory_space<vmem>>
      %dma_start3A_325 = tpu.memref_slice %arg2[%mul3A_322] : memref<50692096xf32, #tpu.memory_space<hbm>> -> memref<12376xf32, #tpu.memory_space<hbm>>
      %dma_start3A_326 = arith.constant 0 : i32
      %dma_start3A_327 = tpu.memref_slice %arg9[%dma_start3A_326] : memref<12384xf32, #tpu.memory_space<vmem>> -> memref<12376xf32, #tpu.memory_space<vmem>>
      %dma_start3A_328 = tpu.memref_slice %arg2[%mul3A_322] : memref<50692096xf32, #tpu.memory_space<hbm>> -> memref<12376xf32, #tpu.memory_space<hbm>>
      tpu.enqueue_dma source(%dma_start3A_328 : memref<12376xf32, #tpu.memory_space<hbm>>) target(%dma_start3A_327 : memref<12376xf32, #tpu.memory_space<vmem>>) target_semaphore(%arg16 : memref<!tpu.dma_semaphore, #tpu.memory_space<semaphore_mem>>)
      %dma_wait3A_329 = arith.constant 0 : i32
      %dma_wait3A_330 = tpu.memref_slice %arg10[%dma_wait3A_329] : memref<12384xf32, #tpu.memory_space<vmem>> -> memref<12376xf32, #tpu.memory_space<vmem>>
      %dma_wait3A_331 = arith.constant 0 : i32
      %dma_wait3A_332 = tpu.memref_slice %arg2[%dma_wait3A_331] : memref<50692096xf32, #tpu.memory_space<hbm>> -> memref<12376xf32, #tpu.memory_space<hbm>>
      %dma_wait3A_333 = arith.constant 0 : i32
      %dma_wait3A_334 = tpu.memref_slice %arg10[%dma_wait3A_333] : memref<12384xf32, #tpu.memory_space<vmem>> -> memref<12376xf32, #tpu.memory_space<vmem>>
      %dma_wait3A_335 = arith.constant 0 : i32
      %dma_wait3A_336 = tpu.memref_slice %arg2[%dma_wait3A_335] : memref<50692096xf32, #tpu.memory_space<hbm>> -> memref<12376xf32, #tpu.memory_space<hbm>>
      tpu.wait_dma2 semaphore(%arg16 : memref<!tpu.dma_semaphore, #tpu.memory_space<semaphore_mem>>) src(%dma_wait3A_336 : memref<12376xf32, #tpu.memory_space<hbm>>) dst(%dma_wait3A_334 : memref<12376xf32, #tpu.memory_space<vmem>>)
      %scan3A_337 = arith.constant 0 : i32
      %scan3A_338 = arith.constant 59 : i32
      %scan3A_339 = arith.addi %scan3A_337, %scan3A_338 : i32
      %scan3A_340 = arith.constant 1 : i32
      %scan3A_341:2 = scf.for %scan3A_399 = %scan3A_337 to %scan3A_339 step %scan3A_340 iter_args(%scan3A_400 = %broadcast_in_dim3A_1, %scan3A_401 = %broadcast_in_dim3A_3) -> (vector<16xf32>, vector<16xf32>)  : i32 {
        %mul3A_402 = arith.constant 1 : i32
        %mul3A_403 = arith.muli %scan3A_399, %mul3A_402 : i32
        %add3A_404 = arith.constant 0 : i32
        %add3A_405 = arith.addi %mul3A_403, %add3A_404 : i32
        %mul3A_406 = arith.constant 16 : i32
        %mul3A_407 = arith.muli %add3A_405, %mul3A_406 : i32
        %add3A_408 = arith.constant 0 : i32
        %add3A_409 = arith.addi %add3A_408, %mul3A_407 : i32
        %get3A_410 = arith.index_cast %add3A_409 : i32 to index
        %get3A_411 = tpu.vector_load %arg13[%get3A_410] {strides = array<i32>} : memref<12464xi32, #tpu.memory_space<vmem>>, vector<16xi32>,
        %gather3A = tpu.vector_load_idx %arg10[%get3A_411] : memref<12384xf32, #tpu.memory_space<vmem>>[vector<16xi32>], vector<16xf32>,
        %mul3A_412 = arith.constant 16 : i32
        %mul3A_413 = arith.muli %scan3A_399, %mul3A_412 : i32
        %add3A_414 = arith.constant 0 : i32
        %add3A_415 = arith.addi %add3A_414, %mul3A_413 : i32
        %get3A_416 = arith.index_cast %add3A_415 : i32 to index
        %get3A_417 = tpu.vector_load %arg14[%get3A_416] {strides = array<i32>} : memref<2528xi32, #tpu.memory_space<vmem>>, vector<16xi32>,
        tpu.vector_store_idx %arg11[%get3A_417], %gather3A : memref<2544xf32, #tpu.memory_space<vmem>>[vector<16xi32>], vector<16xf32>,
        %mul3A_418 = arith.constant 16 : i32
        %mul3A_419 = arith.muli %scan3A_399, %mul3A_418 : i32
        %add3A_420 = arith.constant 0 : i32
        %add3A_421 = arith.addi %add3A_420, %mul3A_419 : i32
        %get3A_422 = arith.index_cast %add3A_421 : i32 to index
        %get3A_423 = tpu.vector_load %arg15[%get3A_422] {strides = array<i32>} : memref<2528xf32, #tpu.memory_space<vmem>>, vector<16xf32>,
        %gt3A = arith.constant 5.000000e-01 : f32
        %gt3A_424 = vector.broadcast %gt3A : f32 to vector<16xf32>
        %gt3A_425 = arith.cmpf ogt, %get3A_423, %gt3A_424 : vector<16xf32>
        %jit3A_426 = arith.constant 0xFF800000 : f32
        %broadcast_in_dim3A_427 = vector.broadcast %jit3A_426 : f32 to vector<16xf32>
        %select_n3A_428 = arith.select %gt3A_425, %gather3A, %broadcast_in_dim3A_427 : vector<16xi1>, vector<16xf32>
        %max3A_429 = arith.maximumf %scan3A_401, %select_n3A_428 : vector<16xf32>
        %add3A_430 = arith.addf %scan3A_400, %gather3A : vector<16xf32>
        scf.yield %add3A_430, %max3A_429 : vector<16xf32>, vector<16xf32>
      }
      %scan3A_342 = arith.constant 59 : i32
      %scan3A_343 = arith.constant 0 : i32
      %scan3A_344 = arith.constant 54 : i32
      %scan3A_345 = arith.addi %scan3A_343, %scan3A_344 : i32
      %scan3A_346 = arith.constant 1 : i32
      %scan3A_347:2 = scf.for %scan3A_399 = %scan3A_343 to %scan3A_345 step %scan3A_346 iter_args(%scan3A_400 = %scan3A_341#0, %scan3A_401 = %scan3A_341#1) -> (vector<16xf32>, vector<16xf32>)  : i32 {
        %mul3A_402 = arith.constant 5 : i32
        %mul3A_403 = arith.muli %scan3A_399, %mul3A_402 : i32
        %add3A_404 = arith.constant 0 : i32
        %add3A_405 = arith.addi %mul3A_403, %add3A_404 : i32
        %mul3A_406 = arith.constant 16 : i32
        %mul3A_407 = arith.muli %add3A_405, %mul3A_406 : i32
        %add3A_408 = arith.constant 944 : i32
        %add3A_409 = arith.addi %add3A_408, %mul3A_407 : i32
        %get3A_410 = arith.index_cast %add3A_409 : i32 to index
        %get3A_411 = tpu.vector_load %arg13[%get3A_410] {strides = array<i32>} : memref<12464xi32, #tpu.memory_space<vmem>>, vector<16xi32>,
        %gather3A = tpu.vector_load_idx %arg10[%get3A_411] : memref<12384xf32, #tpu.memory_space<vmem>>[vector<16xi32>], vector<16xf32>,
        %mul3A_412 = arith.constant 5 : i32
        %mul3A_413 = arith.muli %scan3A_399, %mul3A_412 : i32
        %add3A_414 = arith.constant 1 : i32
        %add3A_415 = arith.addi %mul3A_413, %add3A_414 : i32
        %mul3A_416 = arith.constant 16 : i32
        %mul3A_417 = arith.muli %add3A_415, %mul3A_416 : i32
        %add3A_418 = arith.constant 944 : i32
        %add3A_419 = arith.addi %add3A_418, %mul3A_417 : i32
        %get3A_420 = arith.index_cast %add3A_419 : i32 to index
        %get3A_421 = tpu.vector_load %arg13[%get3A_420] {strides = array<i32>} : memref<12464xi32, #tpu.memory_space<vmem>>, vector<16xi32>,
        %gather3A_422 = tpu.vector_load_idx %arg10[%get3A_421] : memref<12384xf32, #tpu.memory_space<vmem>>[vector<16xi32>], vector<16xf32>,
        %mul3A_423 = arith.constant 5 : i32
        %mul3A_424 = arith.muli %scan3A_399, %mul3A_423 : i32
        %add3A_425 = arith.constant 2 : i32
        %add3A_426 = arith.addi %mul3A_424, %add3A_425 : i32
        %mul3A_427 = arith.constant 16 : i32
        %mul3A_428 = arith.muli %add3A_426, %mul3A_427 : i32
        %add3A_429 = arith.constant 944 : i32
        %add3A_430 = arith.addi %add3A_429, %mul3A_428 : i32
        %get3A_431 = arith.index_cast %add3A_430 : i32 to index
        %get3A_432 = tpu.vector_load %arg13[%get3A_431] {strides = array<i32>} : memref<12464xi32, #tpu.memory_space<vmem>>, vector<16xi32>,
        %gather3A_433 = tpu.vector_load_idx %arg10[%get3A_432] : memref<12384xf32, #tpu.memory_space<vmem>>[vector<16xi32>], vector<16xf32>,
        %mul3A_434 = arith.constant 5 : i32
        %mul3A_435 = arith.muli %scan3A_399, %mul3A_434 : i32
        %add3A_436 = arith.constant 3 : i32
        %add3A_437 = arith.addi %mul3A_435, %add3A_436 : i32
        %mul3A_438 = arith.constant 16 : i32
        %mul3A_439 = arith.muli %add3A_437, %mul3A_438 : i32
        %add3A_440 = arith.constant 944 : i32
        %add3A_441 = arith.addi %add3A_440, %mul3A_439 : i32
        %get3A_442 = arith.index_cast %add3A_441 : i32 to index
        %get3A_443 = tpu.vector_load %arg13[%get3A_442] {strides = array<i32>} : memref<12464xi32, #tpu.memory_space<vmem>>, vector<16xi32>,
        %gather3A_444 = tpu.vector_load_idx %arg10[%get3A_443] : memref<12384xf32, #tpu.memory_space<vmem>>[vector<16xi32>], vector<16xf32>,
        %mul3A_445 = arith.constant 5 : i32
        %mul3A_446 = arith.muli %scan3A_399, %mul3A_445 : i32
        %add3A_447 = arith.constant 4 : i32
        %add3A_448 = arith.addi %mul3A_446, %add3A_447 : i32
        %mul3A_449 = arith.constant 16 : i32
        %mul3A_450 = arith.muli %add3A_448, %mul3A_449 : i32
        %add3A_451 = arith.constant 944 : i32
        %add3A_452 = arith.addi %add3A_451, %mul3A_450 : i32
        %get3A_453 = arith.index_cast %add3A_452 : i32 to index
        %get3A_454 = tpu.vector_load %arg13[%get3A_453] {strides = array<i32>} : memref<12464xi32, #tpu.memory_space<vmem>>, vector<16xi32>,
        %gather3A_455 = tpu.vector_load_idx %arg10[%get3A_454] : memref<12384xf32, #tpu.memory_space<vmem>>[vector<16xi32>], vector<16xf32>,
        %add3A_456 = arith.addf %gather3A, %gather3A_422 : vector<16xf32>
        %add3A_457 = arith.addf %gather3A_433, %gather3A_444 : vector<16xf32>
        %add3A_458 = arith.addf %add3A_456, %add3A_457 : vector<16xf32>
        %add3A_459 = arith.addf %add3A_458, %gather3A_455 : vector<16xf32>
        %mul3A_460 = arith.constant 16 : i32
        %mul3A_461 = arith.muli %scan3A_399, %mul3A_460 : i32
        %add3A_462 = arith.constant 944 : i32
        %add3A_463 = arith.addi %add3A_462, %mul3A_461 : i32
        %get3A_464 = arith.index_cast %add3A_463 : i32 to index
        %get3A_465 = tpu.vector_load %arg14[%get3A_464] {strides = array<i32>} : memref<2528xi32, #tpu.memory_space<vmem>>, vector<16xi32>,
        tpu.vector_store_idx %arg11[%get3A_465], %add3A_459 : memref<2544xf32, #tpu.memory_space<vmem>>[vector<16xi32>], vector<16xf32>,
        %mul3A_466 = arith.constant 16 : i32
        %mul3A_467 = arith.muli %scan3A_399, %mul3A_466 : i32
        %add3A_468 = arith.constant 944 : i32
        %add3A_469 = arith.addi %add3A_468, %mul3A_467 : i32
        %get3A_470 = arith.index_cast %add3A_469 : i32 to index
        %get3A_471 = tpu.vector_load %arg15[%get3A_470] {strides = array<i32>} : memref<2528xf32, #tpu.memory_space<vmem>>, vector<16xf32>,
        %gt3A = arith.constant 5.000000e-01 : f32
        %gt3A_472 = vector.broadcast %gt3A : f32 to vector<16xf32>
        %gt3A_473 = arith.cmpf ogt, %get3A_471, %gt3A_472 : vector<16xf32>
        %jit3A_474 = arith.constant 0xFF800000 : f32
        %broadcast_in_dim3A_475 = vector.broadcast %jit3A_474 : f32 to vector<16xf32>
        %select_n3A_476 = arith.select %gt3A_473, %add3A_459, %broadcast_in_dim3A_475 : vector<16xi1>, vector<16xf32>
        %max3A_477 = arith.maximumf %scan3A_401, %select_n3A_476 : vector<16xf32>
        %add3A_478 = arith.addf %scan3A_400, %add3A_459 : vector<16xf32>
        scf.yield %add3A_478, %max3A_477 : vector<16xf32>, vector<16xf32>
      }
      %scan3A_348 = arith.constant 54 : i32
      %scan3A_349 = arith.constant 0 : i32
      %scan3A_350 = arith.constant 45 : i32
      %scan3A_351 = arith.addi %scan3A_349, %scan3A_350 : i32
      %scan3A_352 = arith.constant 1 : i32
      %scan3A_353:2 = scf.for %scan3A_399 = %scan3A_349 to %scan3A_351 step %scan3A_352 iter_args(%scan3A_400 = %scan3A_347#0, %scan3A_401 = %scan3A_347#1) -> (vector<16xf32>, vector<16xf32>)  : i32 {
        %mul3A_402 = arith.constant 10 : i32
        %mul3A_403 = arith.muli %scan3A_399, %mul3A_402 : i32
        %add3A_404 = arith.constant 0 : i32
        %add3A_405 = arith.addi %mul3A_403, %add3A_404 : i32
        %mul3A_406 = arith.constant 16 : i32
        %mul3A_407 = arith.muli %add3A_405, %mul3A_406 : i32
        %add3A_408 = arith.constant 5264 : i32
        %add3A_409 = arith.addi %add3A_408, %mul3A_407 : i32
        %get3A_410 = arith.index_cast %add3A_409 : i32 to index
        %get3A_411 = tpu.vector_load %arg13[%get3A_410] {strides = array<i32>} : memref<12464xi32, #tpu.memory_space<vmem>>, vector<16xi32>,
        %gather3A = tpu.vector_load_idx %arg10[%get3A_411] : memref<12384xf32, #tpu.memory_space<vmem>>[vector<16xi32>], vector<16xf32>,
        %mul3A_412 = arith.constant 10 : i32
        %mul3A_413 = arith.muli %scan3A_399, %mul3A_412 : i32
        %add3A_414 = arith.constant 1 : i32
        %add3A_415 = arith.addi %mul3A_413, %add3A_414 : i32
        %mul3A_416 = arith.constant 16 : i32
        %mul3A_417 = arith.muli %add3A_415, %mul3A_416 : i32
        %add3A_418 = arith.constant 5264 : i32
        %add3A_419 = arith.addi %add3A_418, %mul3A_417 : i32
        %get3A_420 = arith.index_cast %add3A_419 : i32 to index
        %get3A_421 = tpu.vector_load %arg13[%get3A_420] {strides = array<i32>} : memref<12464xi32, #tpu.memory_space<vmem>>, vector<16xi32>,
        %gather3A_422 = tpu.vector_load_idx %arg10[%get3A_421] : memref<12384xf32, #tpu.memory_space<vmem>>[vector<16xi32>], vector<16xf32>,
        %mul3A_423 = arith.constant 10 : i32
        %mul3A_424 = arith.muli %scan3A_399, %mul3A_423 : i32
        %add3A_425 = arith.constant 2 : i32
        %add3A_426 = arith.addi %mul3A_424, %add3A_425 : i32
        %mul3A_427 = arith.constant 16 : i32
        %mul3A_428 = arith.muli %add3A_426, %mul3A_427 : i32
        %add3A_429 = arith.constant 5264 : i32
        %add3A_430 = arith.addi %add3A_429, %mul3A_428 : i32
        %get3A_431 = arith.index_cast %add3A_430 : i32 to index
        %get3A_432 = tpu.vector_load %arg13[%get3A_431] {strides = array<i32>} : memref<12464xi32, #tpu.memory_space<vmem>>, vector<16xi32>,
        %gather3A_433 = tpu.vector_load_idx %arg10[%get3A_432] : memref<12384xf32, #tpu.memory_space<vmem>>[vector<16xi32>], vector<16xf32>,
        %mul3A_434 = arith.constant 10 : i32
        %mul3A_435 = arith.muli %scan3A_399, %mul3A_434 : i32
        %add3A_436 = arith.constant 3 : i32
        %add3A_437 = arith.addi %mul3A_435, %add3A_436 : i32
        %mul3A_438 = arith.constant 16 : i32
        %mul3A_439 = arith.muli %add3A_437, %mul3A_438 : i32
        %add3A_440 = arith.constant 5264 : i32
        %add3A_441 = arith.addi %add3A_440, %mul3A_439 : i32
        %get3A_442 = arith.index_cast %add3A_441 : i32 to index
        %get3A_443 = tpu.vector_load %arg13[%get3A_442] {strides = array<i32>} : memref<12464xi32, #tpu.memory_space<vmem>>, vector<16xi32>,
        %gather3A_444 = tpu.vector_load_idx %arg10[%get3A_443] : memref<12384xf32, #tpu.memory_space<vmem>>[vector<16xi32>], vector<16xf32>,
        %mul3A_445 = arith.constant 10 : i32
        %mul3A_446 = arith.muli %scan3A_399, %mul3A_445 : i32
        %add3A_447 = arith.constant 4 : i32
        %add3A_448 = arith.addi %mul3A_446, %add3A_447 : i32
        %mul3A_449 = arith.constant 16 : i32
        %mul3A_450 = arith.muli %add3A_448, %mul3A_449 : i32
        %add3A_451 = arith.constant 5264 : i32
        %add3A_452 = arith.addi %add3A_451, %mul3A_450 : i32
        %get3A_453 = arith.index_cast %add3A_452 : i32 to index
        %get3A_454 = tpu.vector_load %arg13[%get3A_453] {strides = array<i32>} : memref<12464xi32, #tpu.memory_space<vmem>>, vector<16xi32>,
        %gather3A_455 = tpu.vector_load_idx %arg10[%get3A_454] : memref<12384xf32, #tpu.memory_space<vmem>>[vector<16xi32>], vector<16xf32>,
        %mul3A_456 = arith.constant 10 : i32
        %mul3A_457 = arith.muli %scan3A_399, %mul3A_456 : i32
        %add3A_458 = arith.constant 5 : i32
        %add3A_459 = arith.addi %mul3A_457, %add3A_458 : i32
        %mul3A_460 = arith.constant 16 : i32
        %mul3A_461 = arith.muli %add3A_459, %mul3A_460 : i32
        %add3A_462 = arith.constant 5264 : i32
        %add3A_463 = arith.addi %add3A_462, %mul3A_461 : i32
        %get3A_464 = arith.index_cast %add3A_463 : i32 to index
        %get3A_465 = tpu.vector_load %arg13[%get3A_464] {strides = array<i32>} : memref<12464xi32, #tpu.memory_space<vmem>>, vector<16xi32>,
        %gather3A_466 = tpu.vector_load_idx %arg10[%get3A_465] : memref<12384xf32, #tpu.memory_space<vmem>>[vector<16xi32>], vector<16xf32>,
        %mul3A_467 = arith.constant 10 : i32
        %mul3A_468 = arith.muli %scan3A_399, %mul3A_467 : i32
        %add3A_469 = arith.constant 6 : i32
        %add3A_470 = arith.addi %mul3A_468, %add3A_469 : i32
        %mul3A_471 = arith.constant 16 : i32
        %mul3A_472 = arith.muli %add3A_470, %mul3A_471 : i32
        %add3A_473 = arith.constant 5264 : i32
        %add3A_474 = arith.addi %add3A_473, %mul3A_472 : i32
        %get3A_475 = arith.index_cast %add3A_474 : i32 to index
        %get3A_476 = tpu.vector_load %arg13[%get3A_475] {strides = array<i32>} : memref<12464xi32, #tpu.memory_space<vmem>>, vector<16xi32>,
        %gather3A_477 = tpu.vector_load_idx %arg10[%get3A_476] : memref<12384xf32, #tpu.memory_space<vmem>>[vector<16xi32>], vector<16xf32>,
        %mul3A_478 = arith.constant 10 : i32
        %mul3A_479 = arith.muli %scan3A_399, %mul3A_478 : i32
        %add3A_480 = arith.constant 7 : i32
        %add3A_481 = arith.addi %mul3A_479, %add3A_480 : i32
        %mul3A_482 = arith.constant 16 : i32
        %mul3A_483 = arith.muli %add3A_481, %mul3A_482 : i32
        %add3A_484 = arith.constant 5264 : i32
        %add3A_485 = arith.addi %add3A_484, %mul3A_483 : i32
        %get3A_486 = arith.index_cast %add3A_485 : i32 to index
        %get3A_487 = tpu.vector_load %arg13[%get3A_486] {strides = array<i32>} : memref<12464xi32, #tpu.memory_space<vmem>>, vector<16xi32>,
        %gather3A_488 = tpu.vector_load_idx %arg10[%get3A_487] : memref<12384xf32, #tpu.memory_space<vmem>>[vector<16xi32>], vector<16xf32>,
        %mul3A_489 = arith.constant 10 : i32
        %mul3A_490 = arith.muli %scan3A_399, %mul3A_489 : i32
        %add3A_491 = arith.constant 8 : i32
        %add3A_492 = arith.addi %mul3A_490, %add3A_491 : i32
        %mul3A_493 = arith.constant 16 : i32
        %mul3A_494 = arith.muli %add3A_492, %mul3A_493 : i32
        %add3A_495 = arith.constant 5264 : i32
        %add3A_496 = arith.addi %add3A_495, %mul3A_494 : i32
        %get3A_497 = arith.index_cast %add3A_496 : i32 to index
        %get3A_498 = tpu.vector_load %arg13[%get3A_497] {strides = array<i32>} : memref<12464xi32, #tpu.memory_space<vmem>>, vector<16xi32>,
        %gather3A_499 = tpu.vector_load_idx %arg10[%get3A_498] : memref<12384xf32, #tpu.memory_space<vmem>>[vector<16xi32>], vector<16xf32>,
        %mul3A_500 = arith.constant 10 : i32
        %mul3A_501 = arith.muli %scan3A_399, %mul3A_500 : i32
        %add3A_502 = arith.constant 9 : i32
        %add3A_503 = arith.addi %mul3A_501, %add3A_502 : i32
        %mul3A_504 = arith.constant 16 : i32
        %mul3A_505 = arith.muli %add3A_503, %mul3A_504 : i32
        %add3A_506 = arith.constant 5264 : i32
        %add3A_507 = arith.addi %add3A_506, %mul3A_505 : i32
        %get3A_508 = arith.index_cast %add3A_507 : i32 to index
        %get3A_509 = tpu.vector_load %arg13[%get3A_508] {strides = array<i32>} : memref<12464xi32, #tpu.memory_space<vmem>>, vector<16xi32>,
        %gather3A_510 = tpu.vector_load_idx %arg10[%get3A_509] : memref<12384xf32, #tpu.memory_space<vmem>>[vector<16xi32>], vector<16xf32>,
        %add3A_511 = arith.addf %gather3A, %gather3A_422 : vector<16xf32>
        %add3A_512 = arith.addf %gather3A_433, %gather3A_444 : vector<16xf32>
        %add3A_513 = arith.addf %gather3A_455, %gather3A_466 : vector<16xf32>
        %add3A_514 = arith.addf %gather3A_477, %gather3A_488 : vector<16xf32>
        %add3A_515 = arith.addf %gather3A_499, %gather3A_510 : vector<16xf32>
        %add3A_516 = arith.addf %add3A_511, %add3A_512 : vector<16xf32>
        %add3A_517 = arith.addf %add3A_513, %add3A_514 : vector<16xf32>
        %add3A_518 = arith.addf %add3A_516, %add3A_517 : vector<16xf32>
        %add3A_519 = arith.addf %add3A_518, %add3A_515 : vector<16xf32>
        %mul3A_520 = arith.constant 16 : i32
        %mul3A_521 = arith.muli %scan3A_399, %mul3A_520 : i32
        %add3A_522 = arith.constant 1808 : i32
        %add3A_523 = arith.addi %add3A_522, %mul3A_521 : i32
        %get3A_524 = arith.index_cast %add3A_523 : i32 to index
        %get3A_525 = tpu.vector_load %arg14[%get3A_524] {strides = array<i32>} : memref<2528xi32, #tpu.memory_space<vmem>>, vector<16xi32>,
        tpu.vector_store_idx %arg11[%get3A_525], %add3A_519 : memref<2544xf32, #tpu.memory_space<vmem>>[vector<16xi32>], vector<16xf32>,
        %mul3A_526 = arith.constant 16 : i32
        %mul3A_527 = arith.muli %scan3A_399, %mul3A_526 : i32
        %add3A_528 = arith.constant 1808 : i32
        %add3A_529 = arith.addi %add3A_528, %mul3A_527 : i32
        %get3A_530 = arith.index_cast %add3A_529 : i32 to index
        %get3A_531 = tpu.vector_load %arg15[%get3A_530] {strides = array<i32>} : memref<2528xf32, #tpu.memory_space<vmem>>, vector<16xf32>,
        %gt3A = arith.constant 5.000000e-01 : f32
        %gt3A_532 = vector.broadcast %gt3A : f32 to vector<16xf32>
        %gt3A_533 = arith.cmpf ogt, %get3A_531, %gt3A_532 : vector<16xf32>
        %jit3A_534 = arith.constant 0xFF800000 : f32
        %broadcast_in_dim3A_535 = vector.broadcast %jit3A_534 : f32 to vector<16xf32>
        %select_n3A_536 = arith.select %gt3A_533, %add3A_519, %broadcast_in_dim3A_535 : vector<16xi1>, vector<16xf32>
        %max3A_537 = arith.maximumf %scan3A_401, %select_n3A_536 : vector<16xf32>
        %add3A_538 = arith.addf %scan3A_400, %add3A_519 : vector<16xf32>
        scf.yield %add3A_538, %max3A_537 : vector<16xf32>, vector<16xf32>
      }
      %scan3A_354 = arith.constant 45 : i32
      %reduce_sum3A_355 = arith.constant true
      %reduce_sum3A_356 = vector.broadcast %reduce_sum3A_355 : i1 to vector<16xi1>
      %reduce_sum3A_357 = tpu.scan <sum>, %scan3A_353#0 masked %reduce_sum3A_356 : vector<16xf32>, vector<16xi1> -> vector<16xf32>
      %reduce_sum3A_358 = vector.extract %reduce_sum3A_357[15] : f32 from vector<16xf32>
      %max3A_359 = arith.constant 9.99999993E-9 : f32
      %max3A_360 = arith.maximumf %reduce_sum3A_358, %max3A_359 : f32
      %reduce_max3A_361 = arith.constant true
      %reduce_max3A_362 = vector.broadcast %reduce_max3A_361 : i1 to vector<16xi1>
      %reduce_max3A_363 = tpu.scan <max>, %scan3A_353#1 masked %reduce_max3A_362 : vector<16xf32>, vector<16xi1> -> vector<16xf32>
      %reduce_max3A_364 = vector.extract %reduce_max3A_363[15] : f32 from vector<16xf32>
      %mul3A_365 = arith.constant 9.99999993E-9 : f32
      %mul3A_366 = arith.mulf %mul3A_365, %max3A_360 : f32
      %add3A_367 = arith.addf %reduce_max3A_364, %mul3A_366 : f32
      %broadcast_in_dim3A_368 = vector.broadcast %add3A_367 : f32 to vector<16xf32>
      %div3A_369 = arith.constant 1.000000e+00 : f32
      %div3A_370 = vector.broadcast %div3A_369 : f32 to vector<16xf32>
      %div3A_371 = arith.divf %div3A_370, %broadcast_in_dim3A_368 : vector<16xf32>
      %scan3A_372 = arith.constant 0 : i32
      %scan3A_373 = arith.constant 0 : i32
      %scan3A_374 = arith.constant 156 : i32
      %scan3A_375 = arith.addi %scan3A_373, %scan3A_374 : i32
      %scan3A_376 = arith.constant 1 : i32
      %scan3A_377 = scf.for %scan3A_399 = %scan3A_373 to %scan3A_375 step %scan3A_376 iter_args(%scan3A_400 = %scan3A_372) -> (i32)  : i32 {
        %mul3A_401 = arith.constant 16 : i32
        %mul3A_402 = arith.muli %scan3A_399, %mul3A_401 : i32
        %add3A_403 = arith.constant 4 : i32
        %add3A_404 = arith.addi %add3A_403, %mul3A_402 : i32
        %get3A_405 = arith.index_cast %add3A_404 : i32 to index
        %get3A_406 = tpu.vector_load %arg11[%get3A_405] {strides = array<i32>} : memref<2544xf32, #tpu.memory_space<vmem>>, vector<16xf32>,
        %mul3A_407 = arith.mulf %get3A_406, %div3A_371 : vector<16xf32>
        %mul3A_408 = arith.constant 16 : i32
        %mul3A_409 = arith.muli %scan3A_399, %mul3A_408 : i32
        %add3A_410 = arith.constant 7500 : i32
        %add3A_411 = arith.addi %add3A_410, %mul3A_409 : i32
        %swap3A_412 = arith.index_cast %add3A_411 : i32 to index
        %swap3A_413 = tpu.vector_load %arg12[%swap3A_412] {strides = array<i32>} : memref<10016xf32, #tpu.memory_space<vmem>>, vector<16xf32>,
        tpu.vector_store %arg12[%swap3A_412], %mul3A_407 {strides = array<i32>} : memref<10016xf32, #tpu.memory_space<vmem>>, vector<16xf32>,
        %scan3A_414 = arith.constant 0 : i32
        scf.yield %scan3A_414 : i32
      }
      %scan3A_378 = arith.constant 156 : i32
      %get3A_379 = arith.constant 2500 : index
      %get3A_380 = tpu.vector_load %arg11[%get3A_379] {strides = array<i32>} : memref<2544xf32, #tpu.memory_space<vmem>>, vector<16xf32>,
      %mul3A_381 = arith.mulf %get3A_380, %div3A_371 : vector<16xf32>
      %lt3A_382 = arith.constant 4 : i32
      %lt3A_383 = vector.broadcast %lt3A_382 : i32 to vector<16xi32>
      %lt3A_384 = arith.cmpi slt, %iota3A, %lt3A_383 : vector<16xi32>
      %jit3A_385 = arith.constant 0.000000e+00 : f32
      %broadcast_in_dim3A_386 = vector.broadcast %jit3A_385 : f32 to vector<16xf32>
      %select_n3A_387 = arith.select %lt3A_384, %mul3A_381, %broadcast_in_dim3A_386 : vector<16xi1>, vector<16xf32>
      %swap3A_388 = arith.constant 9996 : index
      %swap3A_389 = tpu.vector_load %arg12[%swap3A_388] {strides = array<i32>} : memref<10016xf32, #tpu.memory_space<vmem>>, vector<16xf32>,
      tpu.vector_store %arg12[%swap3A_388], %select_n3A_387 {strides = array<i32>} : memref<10016xf32, #tpu.memory_space<vmem>>, vector<16xf32>,
      %mul3A_390 = arith.constant 10000 : i32
      %mul3A_391 = arith.muli %add3A_97, %mul3A_390 : i32
      %dma_start3A_392 = arith.constant 0 : i32
      %dma_start3A_393 = tpu.memref_slice %arg12[%dma_start3A_392] : memref<10016xf32, #tpu.memory_space<vmem>> -> memref<10000xf32, #tpu.memory_space<vmem>>
      %dma_start3A_394 = tpu.memref_slice %arg6[%mul3A_391] : memref<10240000xf32, #tpu.memory_space<hbm>> -> memref<10000xf32, #tpu.memory_space<hbm>>
      %dma_start3A_395 = tpu.memref_slice %arg6[%mul3A_391] : memref<10240000xf32, #tpu.memory_space<hbm>> -> memref<10000xf32, #tpu.memory_space<hbm>>
      %dma_start3A_396 = arith.constant 0 : i32
      %dma_start3A_397 = tpu.memref_slice %arg12[%dma_start3A_396] : memref<10016xf32, #tpu.memory_space<vmem>> -> memref<10000xf32, #tpu.memory_space<vmem>>
      tpu.enqueue_dma source(%dma_start3A_397 : memref<10000xf32, #tpu.memory_space<vmem>>) target(%dma_start3A_395 : memref<10000xf32, #tpu.memory_space<hbm>>) target_semaphore(%arg17 : memref<!tpu.dma_semaphore, #tpu.memory_space<semaphore_mem>>)
      %scan3A_398 = arith.constant 0 : i32
      scf.yield %scan3A_398 : i32
    }
    %scan3A_61 = arith.constant 32 : i32
    %dma_wait3A = arith.constant 0 : i32
    %dma_wait3A_62 = tpu.memref_slice %arg7[%dma_wait3A] : memref<12384xf32, #tpu.memory_space<vmem>> -> memref<12376xf32, #tpu.memory_space<vmem>>
    %dma_wait3A_63 = arith.constant 0 : i32
    %dma_wait3A_64 = tpu.memref_slice %arg2[%dma_wait3A_63] : memref<50692096xf32, #tpu.memory_space<hbm>> -> memref<12376xf32, #tpu.memory_space<hbm>>
    %dma_wait3A_65 = arith.constant 0 : i32
    %dma_wait3A_66 = tpu.memref_slice %arg7[%dma_wait3A_65] : memref<12384xf32, #tpu.memory_space<vmem>> -> memref<12376xf32, #tpu.memory_space<vmem>>
    %dma_wait3A_67 = arith.constant 0 : i32
    %dma_wait3A_68 = tpu.memref_slice %arg2[%dma_wait3A_67] : memref<50692096xf32, #tpu.memory_space<hbm>> -> memref<12376xf32, #tpu.memory_space<hbm>>
    tpu.wait_dma2 semaphore(%arg16 : memref<!tpu.dma_semaphore, #tpu.memory_space<semaphore_mem>>) src(%dma_wait3A_68 : memref<12376xf32, #tpu.memory_space<hbm>>) dst(%dma_wait3A_66 : memref<12376xf32, #tpu.memory_space<vmem>>)
    %dma_wait3A_69 = arith.constant 0 : i32
    %dma_wait3A_70 = tpu.memref_slice %arg8[%dma_wait3A_69] : memref<12384xf32, #tpu.memory_space<vmem>> -> memref<12376xf32, #tpu.memory_space<vmem>>
    %dma_wait3A_71 = arith.constant 0 : i32
    %dma_wait3A_72 = tpu.memref_slice %arg2[%dma_wait3A_71] : memref<50692096xf32, #tpu.memory_space<hbm>> -> memref<12376xf32, #tpu.memory_space<hbm>>
    %dma_wait3A_73 = arith.constant 0 : i32
    %dma_wait3A_74 = tpu.memref_slice %arg8[%dma_wait3A_73] : memref<12384xf32, #tpu.memory_space<vmem>> -> memref<12376xf32, #tpu.memory_space<vmem>>
    %dma_wait3A_75 = arith.constant 0 : i32
    %dma_wait3A_76 = tpu.memref_slice %arg2[%dma_wait3A_75] : memref<50692096xf32, #tpu.memory_space<hbm>> -> memref<12376xf32, #tpu.memory_space<hbm>>
    tpu.wait_dma2 semaphore(%arg16 : memref<!tpu.dma_semaphore, #tpu.memory_space<semaphore_mem>>) src(%dma_wait3A_76 : memref<12376xf32, #tpu.memory_space<hbm>>) dst(%dma_wait3A_74 : memref<12376xf32, #tpu.memory_space<vmem>>)
    %dma_wait3A_77 = arith.constant 0 : i32
    %dma_wait3A_78 = tpu.memref_slice %arg9[%dma_wait3A_77] : memref<12384xf32, #tpu.memory_space<vmem>> -> memref<12376xf32, #tpu.memory_space<vmem>>
    %dma_wait3A_79 = arith.constant 0 : i32
    %dma_wait3A_80 = tpu.memref_slice %arg2[%dma_wait3A_79] : memref<50692096xf32, #tpu.memory_space<hbm>> -> memref<12376xf32, #tpu.memory_space<hbm>>
    %dma_wait3A_81 = arith.constant 0 : i32
    %dma_wait3A_82 = tpu.memref_slice %arg9[%dma_wait3A_81] : memref<12384xf32, #tpu.memory_space<vmem>> -> memref<12376xf32, #tpu.memory_space<vmem>>
    %dma_wait3A_83 = arith.constant 0 : i32
    %dma_wait3A_84 = tpu.memref_slice %arg2[%dma_wait3A_83] : memref<50692096xf32, #tpu.memory_space<hbm>> -> memref<12376xf32, #tpu.memory_space<hbm>>
    tpu.wait_dma2 semaphore(%arg16 : memref<!tpu.dma_semaphore, #tpu.memory_space<semaphore_mem>>) src(%dma_wait3A_84 : memref<12376xf32, #tpu.memory_space<hbm>>) dst(%dma_wait3A_82 : memref<12376xf32, #tpu.memory_space<vmem>>)
    %mul3A_85 = arith.constant 10000 : i32
    %mul3A_86 = arith.muli %mul3A_18, %mul3A_85 : i32
    %dma_wait3A_87 = arith.constant 0 : i32
    %dma_wait3A_88 = tpu.memref_slice %arg12[%dma_wait3A_87] : memref<10016xf32, #tpu.memory_space<vmem>> -> memref<10000xf32, #tpu.memory_space<vmem>>
    %dma_wait3A_89 = tpu.memref_slice %arg6[%mul3A_86] : memref<10240000xf32, #tpu.memory_space<hbm>> -> memref<10000xf32, #tpu.memory_space<hbm>>
    %dma_wait3A_90 = tpu.memref_slice %arg6[%mul3A_86] : memref<10240000xf32, #tpu.memory_space<hbm>> -> memref<10000xf32, #tpu.memory_space<hbm>>
    %dma_wait3A_91 = arith.constant 0 : i32
    %dma_wait3A_92 = tpu.memref_slice %arg12[%dma_wait3A_91] : memref<10016xf32, #tpu.memory_space<vmem>> -> memref<10000xf32, #tpu.memory_space<vmem>>
    tpu.wait_dma2 semaphore(%arg17 : memref<!tpu.dma_semaphore, #tpu.memory_space<semaphore_mem>>) src(%dma_wait3A_92 : memref<10000xf32, #tpu.memory_space<vmem>>) dst(%dma_wait3A_90 : memref<10000xf32, #tpu.memory_space<hbm>>)
    return
  }
}

</mosaic_0001>

<sc_bundles>
// kernel: kernel.3.cloned.1.call-start
scs
__scs_entry_jumppad:
0x0: {  	(pc) =	sbr.rel $0x88, $3  }
0x1: {  	(tag) =	ssettag $0x0;
	lr =	simm.s32 $0x1  }
0x2: {  	[smem:$0x3FA0] =	sst lr;
	_ =	strace $0xD0000000  }
0x3: {  	_ = 	snop  }
0x4: {  	_ = 	snop  }
0x5: {  	_ = 	snop  }
0x6: {  	_ = 	snop  }
0x7: {  	_ = 	snop  }
__scs_overlays_trampoline_lowered:
0x8: {  	[smem:$0x3FAF] =	sst s0  }
0x9: {  	[smem:$0x3FB0] =	sst s1  }
0xa: {  	[smem:$0x3FB1] =	sst s2  }
0xb: {  	[smem:$0x3FB2] =	sst s3  }
0xc: {  	[smem:$0x3FB3] =	sst s4  }
0xd: {  	[smem:$0x3FB4] =	sst s5  }
0xe: {  	[smem:$0x3FB5] =	sst s6  }
0xf: {  	[smem:$0x3FB6] =	sst s7  }
0x10: {  	[smem:$0x3FB7] =	sst s8  }
0x11: {  	[smem:$0x3FB8] =	sst s9;
	s0 =	simm.s32 @!p0 $0x0  }
0x12: {  	s1 =	sld [smem:$0x3F9E];
	s0 =	simm.s32 @p0 $0x1  }
0x13: {  	[smem:$0x3FB9] =	sst s0;
	s0 =	simm.s32 @!p1 $0x0  }
0x14: {  	s2 =	sld [smem:$0x3F9D];
	s0 =	simm.s32 @p1 $0x1  }
0x15: {  	[smem:$0x3FBA] =	sst s0;
	s0 =	simm.s32 @!p2 $0x0  }
0x16: {  	s3 =	sld [smem:$0x3FDB];
	s0 =	simm.s32 @p2 $0x1  }
0x17: {  	s4 =	simm.s32 $0x1BF5;
	[smem:$0x3FBC] =	sst s0  }
0x18: {  	s0 =	sld [smem:$0x3F9F];
	_ =	swait.ge [sflag:s4], $0x0  }
0x19: {  	s7 =	sld [smem:$0x3FA0]  }
0x1a: {  	s8 =	sadd.s32 $0xFFFFE003, lr  }
0x1b: {  	s9 =	sadd.s32 $0xFFFFFEF7, lr;
	s5 =	simm.s32 $0xFFFFFFFF;
	p2 =	slt.u32 s8, $0xFFFFF086  }
0x1c: {  	p1 =	slt.u32 s9, $0xF7A;
	s5 =	simm.s32 @!p2 $0x0  }
0x1d: {  	s5 =	simm.s32 @p1 $0x1;
	p0 =	seq.s32 s7, s2  }
0x1e: {  	s7 =	smul.u32 @!p0 $0xF7A, s2;
	p2 =	seq.s32 @!p0 s5, $0x0  }
0x1f: {  	s9 =	smul.u32 $0xF7A, s1;
	s8 =	simm.s32 @!p0 $0x1BF5;
	p2 =	por !p2, p0  }
0x20: {  	[sflag:s8] =	ssyncset.s32 @!p0 $0xFFFFF086;
	s6 =	sadd.s32 @!p0 s3, s7;
	s7 =	simm.s32 @!p0 $0x108  }
0x21: {  	s3 =	sadd.s32 s3, s9;
	s6 =	sadd.s32 @!p0 $0x88, s6;
	s7 =	simm.s32 @p2 $0x1082  }
0x22: {  	[simem:s7], [sflag:s8] =	dma.local @!p0 [hbm:s6], $0xF7A  }
0x23: {  	s9 =	sor.u32 $0xD0000000, s2;
	s6 =	simm.s32 $0x108;
	_ =	swait.ge @!p0 [sflag:s8], $0x0  }
0x24: {  	s3 =	sadd.s32 $0x88, s3;
	s6 =	simm.s32 @!p1 $0x1082;
	[sflag:s4] =	ssyncset.s32 $0xFFFFF086  }
0x25: {  	[simem:s6], [sflag:s4] =	dma.local [hbm:s3], $0xF7A  }
0x26: {  	[smem:$0x3FA0] =	sst s1;
	(tag) =	ssettag s2;
	_ =	strace s9  }
0x27: {  	s1 =	sld [smem:$0x3FB0]  }
0x28: {  	s2 =	sld [smem:$0x3FB1]  }
0x29: {  	s4 =	sld [smem:$0x3FB3]  }
0x2a: {  	p0 =	seq.s32 s5, $0x0;
	s5 =	sld [smem:$0x3FB4]  }
0x2b: {  	s6 =	sld [smem:$0x3FB5]  }
0x2c: {  	s7 =	sld [smem:$0x3FB6]  }
0x2d: {  	s3 =	simm.s32 $0x108;
	s8 =	sld [smem:$0x3FB7]  }
0x2e: {  	s3 =	simm.s32 @!p0 $0x1082;
	s9 =	sld [smem:$0x3FB8]  }
0x2f: {  	lr =	sadd.s32 s0, s3;
	s0 =	sld [smem:$0x3FAF]  }
0x30: {  	s3 =	sld [smem:$0x3FB2]  }
0x31: {  	[smem:$0x3FBB] =	sst s10  }
0x32: {  	s10 =	sld [smem:$0x3FB9];
	_ =	sdelay $0x3  }
0x33: {  	p0 =	seq.s32 s10, $0x1;
	s10 =	sld [smem:$0x3FBB];
	_ =	sdelay $0x3  }
0x34: {  	[smem:$0x3FBB] =	sst s10  }
0x35: {  	s10 =	sld [smem:$0x3FBA];
	_ =	sdelay $0x3  }
0x36: {  	p1 =	seq.s32 s10, $0x1;
	s10 =	sld [smem:$0x3FBB];
	_ =	sdelay $0x3  }
0x37: {  	[smem:$0x3FBB] =	sst s10  }
0x38: {  	s10 =	sld [smem:$0x3FBC]  }
0x39: {  	_ = 	snop;
	(pc) =	sbr.ind lr, $3  }
0x3a: {  	_ = 	snop  }
0x3b: {  	_ = 	snop  }
0x3c: {  	p2 =	seq.s32 s10, $0x1;
	s10 =	sld [smem:$0x3FBB]  }
0x3d: {  	_ =	shalt  }
0x3e: {  	_ =	shalt  }
0x3f: {  	_ =	shalt  }
0x40: {  	_ =	shalt  }
0x41: {  	_ =	shalt  }
0x42: {  	_ =	shalt  }
0x43: {  	_ =	shalt  }
0x44: {  	_ =	shalt  }
0x45: {  	_ =	shalt  }
0x46: {  	_ =	shalt  }
0x47: {  	_ =	shalt  }
0x48: {  	_ =	shalt  }
0x49: {  	_ =	shalt  }
0x4a: {  	_ =	shalt  }
0x4b: {  	_ =	shalt  }
0x4c: {  	_ =	shalt  }
0x4d: {  	_ =	shalt  }
0x4e: {  	_ =	shalt  }
0x4f: {  	_ =	shalt  }
0x50: {  	_ =	shalt  }
0x51: {  	_ =	shalt  }
0x52: {  	_ =	shalt  }
0x53: {  	_ =	shalt  }
0x54: {  	_ =	shalt  }
0x55: {  	_ =	shalt  }
0x56: {  	_ =	shalt  }
0x57: {  	_ =	shalt  }
0x58: {  	_ =	shalt  }
0x59: {  	_ =	shalt  }
0x5a: {  	_ =	shalt  }
0x5b: {  	_ =	shalt  }
0x5c: {  	_ =	shalt  }
0x5d: {  	_ =	shalt  }
0x5e: {  	_ =	shalt  }
0x5f: {  	_ =	shalt  }
0x60: {  	_ =	shalt  }
0x61: {  	_ =	shalt  }
0x62: {  	_ =	shalt  }
0x63: {  	_ =	shalt  }
0x64: {  	_ =	shalt  }
0x65: {  	_ =	shalt  }
0x66: {  	_ =	shalt  }
0x67: {  	_ =	shalt  }
0x68: {  	_ =	shalt  }
0x69: {  	_ =	shalt  }
0x6a: {  	_ =	shalt  }
0x6b: {  	_ =	shalt  }
0x6c: {  	_ =	shalt  }
0x6d: {  	_ =	shalt  }
0x6e: {  	_ =	shalt  }
0x6f: {  	_ =	shalt  }
0x70: {  	_ =	shalt  }
0x71: {  	_ =	shalt  }
0x72: {  	_ =	shalt  }
0x73: {  	_ =	shalt  }
0x74: {  	_ =	shalt  }
0x75: {  	_ =	shalt  }
0x76: {  	_ =	shalt  }
0x77: {  	_ =	shalt  }
0x78: {  	_ =	shalt  }
0x79: {  	_ =	shalt  }
0x7a: {  	_ =	shalt  }
0x7b: {  	_ =	shalt  }
0x7c: {  	_ =	shalt  }
0x7d: {  	_ =	shalt  }
0x7e: {  	_ =	shalt  }
0x7f: {  	_ =	shalt  }
0x80: {  	_ =	shalt  }
0x81: {  	_ =	shalt  }
0x82: {  	_ =	shalt  }
0x83: {  	_ =	shalt  }
0x84: {  	_ =	shalt  }
0x85: {  	_ =	shalt  }
0x86: {  	_ =	shalt  }
0x87: {  	_ =	shalt  }
.Lfunc_end0:
.L_simem_size_0:
called_computation.1_lowered:
.L_overlay_start_0:
0x88: {  	s2 =	sld [smem:$0x3FD9]  }
0x89: {  	s3 =	sld [smem:$0x3FFE];
	_ =	sdelay $0x1  }
0x8a: {  	s1 =	srdreg.scid  }
0x8b: {  	s0 =	sand.u32 $0x1, s1  }
0x8c: {  	s17 =	sshll.u32 s0, $0xA;
	s2 =	sadd.s32 s3, s2  }
0x8d: {  	s2 =	sadd.s32 s2, s17  }
0x8e: {  	[smem:$0x3FC7] =	sst s2  }
0x8f: {  	_ = 	snop  }
0x90: {  	s2 =	sld [smem:$0x3FD0];
	(tm) =	ssettm $0x1  }
0x91: {  	s18 =	sld [smem:$0x3FFB];
	_ =	sdelay $0x3  }
0x92: {  	_ =	strace s18  }
0x93: {  	s3 =	sld [smem:$0x3FFC];
	_ =	sdelay $0x3  }
0x94: {  	_ =	strace s3  }
0x95: {  	s3 =	sld [smem:$0x3FFD];
	_ =	sdelay $0x3  }
0x96: {  	_ =	strace s3  }
0x97: {  	_ =	strace $0x8FFFFFFF  }
0x98: {  	s19 =	sld [smem:$0x3FDB];
	_ =	sdelay $0x1  }
0x99: {  	s4 =	simm.s32 $_scs_section_size  }
0x9a: {  	s5 =	simm.s32 $_size__tile_overlayer_lowered;
	s6 =	simm.s32 $_tile_overlayer_lowered  }
0x9b: {  	s22 =	simm.s32 $0x1BFF;
	s21 =	sshll.u32 s6, $0x1;
	s3 =	sadd.s32 s4, s19  }
0x9c: {  	s7 =	simm.s32 $0x0;
	s20 =	sshll.u32 s5, $0x1;
	s5 =	sadd.s32 s21, s3  }
0x9d: {  	[timem:s7], [sflag:s22] =	dma.local [hbm:s5], s20  }
0x9e: {  	_ =	swait.ge [sflag:s22], s20  }
0x9f: {  	s4 =	ssub.s32 $0x0, s20;
	[sflag:s22] =	ssyncset.done $0x0  }
0xa0: {  	[sflag:s22] =	ssyncadd.s32 s4;
	_ =	sdelay $0x1  }
0xa1: {  	s23 =	simm.s32 $0x1B8B  }
0xa2: {  	_ =	swait.ge [sflag:s23], $0x1  }
0xa3: {  	[sflag:s23] =	ssyncset.done $0x0  }
0xa4: {  	s25 =	simm.s32 $0x1B8E;
	s24 =	sld [smem:$0x3FFE];
	[sflag:s23] =	ssyncadd.s32 $0xFFFFFFFF  }
0xa5: {  	s26 =	simm.s32 $execute0_lowered;
	[smem:$0x3FD2] =	sst s25  }
0xa6: {  	s5 =	sshll.u32 s26, $0x1;
	_ =	strace $0x80000046;
	[dreg:$0x1] =	wrdreg $0xFFFFFFFF  }
0xa7: {  	s28 =	simm.s32 $_size_execute0_lowered;
	s3 =	sadd.s32 s3, s5;
	[dreg:$0x0] =	wrdreg $0x0  }
0xa8: {  	s5 =	sshll.u32 s28, $0x1;
	[dreg:$0x2] =	wrdreg s3  }
0xa9: {  	[dreg:$0x3] =	wrdreg s5  }
0xaa: {  	[dreg:$0x4] =	wrdreg $0xC0  }
0xab: {  	_ =	task [dreg:s7], $0x5FFFF  }
0xac: {  	[dreg:$0x1] =	wrdreg $0xFFFFFFFF  }
0xad: {  	[dreg:$0x0] =	wrdreg $0x60  }
0xae: {  	[dreg:$0x2] =	wrdreg s24  }
0xaf: {  	[dreg:$0x3] =	wrdreg s2  }
0xb0: {  	[dreg:$0x4] =	wrdreg $0x9  }
0xb1: {  	_ =	task.clear_ibuf [dreg:s7], $0x5FFFF;
	_ =	strace $0x90000046  }
0xb2: {  	s29 =	simm.s32 $0x9;
	_ =	strace $0x80000048  }
0xb3: {  	_ =	swait.ge [sflag:s29], $0x1  }
0xb4: {  	[sflag:s29] =	ssyncadd.s32 $0xFFFFFFFF  }
0xb5: {  	_ =	strace $0x90000048  }
0xb6: {  	_ =	sfence  }
0xb7: {  	s30 =	sld [smem:$0x0];
	_ =	sdelay $0x2  }
0xb8: {  	s31 =	sshll.u32 s1, $0xD;
	s1 =	sshrl.u32 s1, $0x2  }
0xb9: {  	s3 =	sand.u32 $0x4000, s31;
	s1 =	sadd.s32 s1, s30  }
0xba: {  	s0 =	sor.u32 s3, s0;
	s1 =	sshll.u32 s1, $0x11  }
0xbb: {  	s0 =	sor.u32 s1, s0  }
0xbc: {  	s0 =	sadd.s32 $0x8F2B, s0  }
0xbd: {  	[sflag:s0] =	ssyncadd.remote.s32 $0x1  }
0xbe: {  	_ =	sfence.sel $0xFFFF  }
0xbf: {  	[dreg:$0x0] =	wrdreg $0xFFFFFFFF;
	(pc) =	sbr.abs _section_cstart, $3  }
0xc0: {  	[dreg:$0x1] =	wrdreg $0xFFFFFFFF  }
0xc1: {  	_ =	task.clear_ibuf [dreg:s7], $0x2FFFF;
	_ =	strace $0x9FFFFFFF  }
0xc2: {  	(tm) =	ssettm $0x7FFFFFFF  }
0xc3: {  	_ =	shalt  }
tec
execute0_lowered:
.L_overlay_start_1:
0x0: {  	(tag) =	ssettag $0x1  }
0x1: {  	s0 =	rddreg [dreg:$0x0]  }
0x2: {  	s2 =	rddreg [dreg:$0x1]  }
0x3: {  	s3 =	simm.s32 $0x0;
	s1 =	srdreg.scid;
	s4 =	stileid.u32  }
0x4: {  	s15 =	simm.s32 $0x3;
	s18 =	simm.s32 $0x3080;
	s19 =	simm.s32 $0x6100  }
0x5: {  	s20 =	simm.s32 $0xCC00;
	s21 =	simm.s32 $0x9180;
	s22 =	simm.s32 $0x1  }
0x6: {  	s23 =	simm.s32 $0xC200;
	s1 =	sand.u32 $0x1, s1;
	s4 =	sshll.u32 s4, $0x1  }
0x7: {  	s24 =	simm.s32 $0x2;
	s25 =	simm.s32 $0x0;
	s8 =	sor.u32 s1, s4  }
0x8: {  	[smem:$0x7FF] =	sst s3;
	s5 =	sadd.s32 $0x1200, s0;
	s9 =	smul.u32 $0x60B00, s8  }
0x9: {  	s6 =	sadd.s32 $0x1000, s0;
	s7 =	sadd.s32 $0xE00, s0;
	s10 =	smul.u32 $0xC160, s8  }
.Ltmp0:
0xa: {  	_ =	strace $0x80000047;
	s30 =	ssub.s32 $0x2, s1;
	(pc) =	sbr.rel .LBB2_1-.Ltmp0, $4  }
0xb: {  	s4 =	sadd.s32 $0x610E00, s0;
	s1 =	sshrl.u32 s30, $0x1;
	s12 =	smul.u32 $0x9C40, s8  }
0xc: {  	s8 =	sshll.u32 s8, $0x5;
	s0 =	ssub.s32 s30, s1;
	s9 =	sshrl.u32 s9, $0x3  }
0xd: {  	s12 =	sadd.s32 s2, s12;
	s13 =	smax.u32 s0, $0x1;
	s31 =	sadd.s32 s4, s9  }
0xe: {  	v0 =	vimm.f32 $0.0e+00;
	vm0 =	vmmov $0xf;
	s9 =	sadd.s32 s4, s10;
	s10 =	sadd.s32 $0x182C00, s31;
	s11 =	sadd.s32 $0x305800, s31  }
.LBB2_40:
0xf: {  	_ =	swait.ge [sflag:s22], $0x3058  }
0x10: {  	[sflag:s22] =	ssyncset.done $0x0  }
0x11: {  	[sflag:s22] =	ssyncadd.s32 $0xFFFFCFA8  }
0x12: {  	_ =	swait.ge [sflag:s22], $0x3058  }
0x13: {  	[sflag:s22] =	ssyncset.done $0x0  }
0x14: {  	s25 =	sadd.s32 $0x1, s25;
	[sflag:s22] =	ssyncadd.s32 $0xFFFFCFA8  }
0x15: {  	p0 =	sne.s32 s25, s13;
	_ =	swait.ge [sflag:s22], $0x3058  }
.Ltmp1:
0x16: {  	[sflag:s22] =	ssyncset.done $0x0;
	(pc) =	sbr.rel @!p0 .LBB2_41-.Ltmp1, $4  }
0x17: {  	[sflag:s22] =	ssyncadd.s32 $0xFFFFCFA8  }
0x18: {  	_ =	swait.ge [sflag:s24], $0x2710  }
0x19: {  	[sflag:s24] =	ssyncset.done $0x0  }
0x1a: {  	[sflag:s24] =	ssyncadd.s32 $0xFFFFD8F0  }
.LBB2_1:
0x1b: {  	s0 =	simm.s32 $0xF380  }
0x1c: {  	[tilespmem:s0], [sflag:$0x3] =	stream.linear.gather [hbm4b:s5+s3], $0x3100, $0x38;
	[tilespmem:$0x13880] =	vst v63  }
0x1d: {  	_ =	swait.ge [sflag:s15], $0x3100  }
0x1e: {  	[sflag:s15] =	ssyncset.done $0x0  }
0x1f: {  	s30 =	simm.s32 $0x12480;
	[sflag:s15] =	ssyncadd.s32 $0xFFFFCF00  }
0x20: {  	[tilespmem:s30], [sflag:$0x3] =	stream.linear.gather [hbm4b:s6+s3], $0xA00, $0x38;
	[tilespmem:$0x13880] =	vst v63  }
0x21: {  	_ =	swait.ge [sflag:s15], $0xA00  }
0x22: {  	[sflag:s15] =	ssyncset.done $0x0  }
0x23: {  	s31 =	simm.s32 $0x12E80;
	[sflag:s15] =	ssyncadd.s32 $0xFFFFF600  }
0x24: {  	[tilespmem:s31], [sflag:$0x3] =	stream.linear.gather [hbm4b:s7+s3], $0xA00, $0x38;
	[tilespmem:$0x13880] =	vst v63  }
0x25: {  	_ =	swait.ge [sflag:s15], $0xA00  }
0x26: {  	[sflag:s15] =	ssyncset.done $0x0  }
0x27: {  	[sflag:s15] =	ssyncadd.s32 $0xFFFFF600  }
0x28: {  	[tilespmem:$0x3050] =	vst v0  }
0x29: {  	[tilespmem:$0x60D0] =	vst v0  }
0x2a: {  	[tilespmem:$0x9150] =	vst v0  }
0x2b: {  	[tilespmem:$0xC1D0] =	vst v0  }
0x2c: {  	[tilespmem:$0xCBC0] =	vst v0  }
0x2d: {  	[tilespmem:$0xCBD0] =	vst v0  }
0x2e: {  	[tilespmem:$0xCBE0] =	vst v0  }
0x2f: {  	[tilespmem:s3], [sflag:$0x1] =	stream.linear.gather [hbm4b:s9+s3], $0x3058, $0x38;
	[tilespmem:$0x13880] =	vst v63  }
0x30: {  	_ = 	snop  }
0x31: {  	[tilespmem:s18], [sflag:$0x1] =	stream.linear.gather [hbm4b:s10+s3], $0x3058, $0x38;
	[tilespmem:$0x13880] =	vst v63  }
0x32: {  	_ = 	snop  }
0x33: {  	[tilespmem:s19], [sflag:$0x1] =	stream.linear.gather [hbm4b:s11+s3], $0x3058, $0x38;
	[tilespmem:$0x13880] =	vst v63  }
0x34: {  	s26 =	simm.s32 $0x0  }
0x35: {  	[hbm4b:s12+s3] =	stream.linear.scatter [tilespmem:s20], [sflag:$0x2], $0x2710, $0x38;
	[tilespmem:$0x13880] =	vst v63  }
.LBB2_2:
0x36: {  	s29 =	sadd.s32 s8, s26  }
0x37: {  	s28 =	smul.u32 $0x3058, s29;
	_ =	sdelay $0x1  }
0x38: {  	s0 =	sshrl.u32 s28, $0x3  }
0x39: {  	s0 =	sadd.s32 s4, s0  }
0x3a: {  	s1 =	sadd.s32 $0x488400, s0;
	s0 =	simm.s32 $0x0  }
0x3b: {  	[tilespmem:s21], [sflag:$0x1] =	stream.linear.gather [hbm4b:s1+s0], $0x3058, $0x38;
	[tilespmem:$0x13880] =	vst v63  }
0x3c: {  	_ =	swait.ge [sflag:s22], $0x3058  }
0x3d: {  	[sflag:s22] =	ssyncset.done $0x0  }
0x3e: {  	s1 =	simm.s32 $0x0;
	[sflag:s22] =	ssyncadd.s32 $0xFFFFCFA8  }
0x3f: {  	v1 =	vld [tilespmem:s1+$0xF380];
	_ =	sdelay $0x4  }
0x40: {  	v2 =	vld [tilespmem:s1+$0x12480];
	_ =	sdelay $0x2  }
0x41: {  	v4 =	vld.idx.msk [tilespmem:v1+s0+$0x0], $0xffff;
	_ =	sdelay $0x3  }
0x42: {  	v5 =	vimm.f32 $0.0e+00;
	v1 =	vimm.f32 $-Inf  }
0x43: {  	s30 =	simm.s32 $0x40;
	s14 =	simm.s32 $0x10;
	s16 =	simm.s32 $0x80;
	[tilespmem:v2+s23+$0x0] =	vst.idx.msk $0xffff, v4;
	v3 =	vmax.f32 v1, v4;
	v2 =	vadd.f32 v4, v5  }
.LBB2_3:
0x44: {  	p0 =	sne.s32 s16, $0xE80;
	v4 =	vld [tilespmem:s14+$0xF380]  }
0x45: {  	v5 =	vld [tilespmem:s1+$0x12E80];
	s1 =	smov.u32 s14;
	_ =	sdelay $0x4  }
0x46: {  	v6 =	vld [tilespmem:s1+$0x12480];
	vm1 =	vgt.f32 v5, $5.000000000e-01  }
0x47: {  	v1 =	vsel vm1, v3, v1  }
0x48: {  	v4 =	vld.idx.msk [tilespmem:v4+s0+$0x0], $0xffff;
	_ =	sdelay $0x1  }
.Ltmp2:
0x49: {  	(pc) =	sbr.rel @p0 .LBB2_3-.Ltmp2, $2  }
0x4a: {  	_ =	sdelay $0x2  }
0x4b: {  	s14 =	sshra.s32 s16, $0x2;
	s16 =	sadd.s32 $0x40, s16;
	v3 =	vmax.f32 v1, v4;
	v2 =	vadd.f32 v4, v2;
	[tilespmem:v6+s23+$0x0] =	vst.idx.msk $0xffff, v4  }
0x4c: {  	v4 =	vld [tilespmem:s14+$0xF380];
	_ =	sdelay $0x4  }
0x4d: {  	v5 =	vld [tilespmem:s14+$0x12480];
	_ =	sdelay $0x2  }
0x4e: {  	v6 =	vld.idx.msk [tilespmem:v4+s0+$0x0], $0xffff;
	_ =	sdelay $0x4  }
0x4f: {  	s31 =	simm.s32 $0xF770;
	v4 =	vld [tilespmem:s1+$0x12E80];
	[tilespmem:v5+s23+$0x0] =	vst.idx.msk $0xffff, v6  }
0x50: {  	v5 =	vld [tilespmem:s31+$0xFFFFFFC0]  }
0x51: {  	v7 =	vld [tilespmem:s31+$0xFFFFFFD0]  }
0x52: {  	v8 =	vld [tilespmem:s31+$0xFFFFFFE0]  }
0x53: {  	v9 =	vld [tilespmem:s31+$0xFFFFFFF0];
	_ =	sdelay $0x3  }
0x54: {  	s0 =	simm.s32 $0x0;
	v10 =	vld [tilespmem:s31+$0x0]  }
0x55: {  	v5 =	vld.idx.msk [tilespmem:v5+s0+$0x0], $0xffff  }
0x56: {  	v7 =	vld.idx.msk [tilespmem:v7+s0+$0x0], $0xffff  }
0x57: {  	v8 =	vld.idx.msk [tilespmem:v8+s0+$0x0], $0xffff  }
0x58: {  	v9 =	vld.idx.msk [tilespmem:v9+s0+$0x0], $0xffff;
	_ =	sdelay $0x1  }
0x59: {  	s1 =	simm.s32 $0x0  }
0x5a: {  	v11 =	vld [tilespmem:s1+$0x12830]  }
0x5b: {  	v10 =	vld.idx.msk [tilespmem:v10+s0+$0x0], $0xffff  }
0x5c: {  	v5 =	vadd.f32 v7, v5;
	v7 =	vadd.f32 v9, v8;
	_ =	sdelay $0x1  }
0x5d: {  	v5 =	vadd.f32 v7, v5  }
0x5e: {  	v7 =	vld [tilespmem:s14+$0x12E80]  }
0x5f: {  	v8 =	vadd.f32 v10, v5;
	_ =	sdelay $0x1  }
0x60: {  	vm1 =	vgt.f32 v4, $5.000000000e-01;
	s14 =	simm.s32 $0xF7C0;
	[tilespmem:v11+s23+$0x0] =	vst.idx.msk $0xffff, v8  }
0x61: {  	v1 =	vsel vm1, v3, v1;
	v4 =	vld [tilespmem:s14+$0xFFFFFFC0]  }
0x62: {  	v2 =	vadd.f32 v6, v2;
	v3 =	vmax.f32 v1, v6;
	vm1 =	vgt.f32 v7, $5.000000000e-01;
	v5 =	vld [tilespmem:s14+$0xFFFFFFD0]  }
0x63: {  	v6 =	vld [tilespmem:s14+$0xFFFFFFE0];
	v1 =	vsel vm1, v3, v1  }
0x64: {  	s16 =	simm.s32 $0x80;
	v2 =	vadd.f32 v8, v2;
	v7 =	vld [tilespmem:s14+$0xFFFFFFF0];
	v3 =	vmax.f32 v1, v8  }
.LBB2_5:
0x65: {  	p0 =	sne.s32 s16, $0xD40;
	v8 =	vld [tilespmem:s1+$0x13230];
	_ =	sdelay $0x2  }
0x66: {  	v9 =	vld [tilespmem:s14+$0x0]  }
0x67: {  	v4 =	vld.idx.msk [tilespmem:v4+s0+$0x0], $0xffff  }
0x68: {  	v5 =	vld.idx.msk [tilespmem:v5+s0+$0x0], $0xffff;
	vm1 =	vgt.f32 v8, $5.000000000e-01  }
0x69: {  	v6 =	vld.idx.msk [tilespmem:v6+s0+$0x0], $0xffff;
	v1 =	vsel vm1, v3, v1  }
0x6a: {  	v3 =	vld.idx.msk [tilespmem:v7+s0+$0x0], $0xffff;
	_ =	sdelay $0x1  }
0x6b: {  	s1 =	sshra.s32 s30, $0x2;
	s30 =	smov.u32 s16  }
0x6c: {  	v7 =	vld [tilespmem:s1+$0x12830]  }
0x6d: {  	v8 =	vld.idx.msk [tilespmem:v9+s0+$0x0], $0xffff;
	_ =	sdelay $0x1  }
0x6e: {  	v4 =	vadd.f32 v5, v4;
	v3 =	vadd.f32 v3, v6;
	_ =	sdelay $0x1  }
0x6f: {  	v3 =	vadd.f32 v3, v4;
	_ =	sdelay $0x1  }
0x70: {  	v4 =	vadd.f32 v8, v3;
	_ =	sdelay $0x1  }
.Ltmp3:
0x71: {  	s14 =	sadd.s32 $0x50, s14;
	v3 =	vmax.f32 v1, v4;
	v2 =	vadd.f32 v4, v2;
	[tilespmem:v7+s23+$0x0] =	vst.idx.msk $0xffff, v4;
	(pc) =	sbr.rel @p0 .LBB2_5-.Ltmp3, $4  }
0x72: {  	v4 =	vld [tilespmem:s14+$0xFFFFFFC0]  }
0x73: {  	v5 =	vld [tilespmem:s14+$0xFFFFFFD0]  }
0x74: {  	v6 =	vld [tilespmem:s14+$0xFFFFFFE0]  }
0x75: {  	s16 =	sadd.s32 $0x40, s16;
	v7 =	vld [tilespmem:s14+$0xFFFFFFF0]  }
0x76: {  	_ =	sdelay $0x3  }
0x77: {  	s0 =	simm.s32 $0x0;
	v8 =	vld [tilespmem:s14+$0x0]  }
0x78: {  	v4 =	vld.idx.msk [tilespmem:v4+s0+$0x0], $0xffff  }
0x79: {  	v5 =	vld.idx.msk [tilespmem:v5+s0+$0x0], $0xffff  }
0x7a: {  	v6 =	vld.idx.msk [tilespmem:v6+s0+$0x0], $0xffff  }
0x7b: {  	v7 =	vld.idx.msk [tilespmem:v7+s0+$0x0], $0xffff;
	_ =	sdelay $0x1  }
0x7c: {  	s17 =	sshra.s32 s30, $0x2  }
0x7d: {  	v9 =	vld [tilespmem:s17+$0x12830]  }
0x7e: {  	v8 =	vld.idx.msk [tilespmem:v8+s0+$0x0], $0xffff  }
0x7f: {  	v4 =	vadd.f32 v5, v4;
	v5 =	vadd.f32 v7, v6;
	_ =	sdelay $0x1  }
0x80: {  	v4 =	vadd.f32 v5, v4;
	_ =	sdelay $0x1  }
0x81: {  	v6 =	vadd.f32 v8, v4;
	_ =	sdelay $0x1  }
0x82: {  	v10 =	vld [tilespmem:s1+$0x13230];
	[tilespmem:v9+s23+$0x0] =	vst.idx.msk $0xffff, v6  }
0x83: {  	s16 =	simm.s32 $0x108A0;
	v12 =	vld [tilespmem:s17+$0x13230]  }
0x84: {  	v5 =	vld [tilespmem:s16+$0xFFFFFFF0]  }
0x85: {  	v4 =	vld [tilespmem:s16+$0x0]  }
0x86: {  	v7 =	vld [tilespmem:s16+$0xFFFFFF70]  }
0x87: {  	p2 =	por $0x1, $0x1;
	v8 =	vld [tilespmem:s16+$0xFFFFFF80]  }
.Ltmp4:
0x88: {  	v9 =	vld [tilespmem:s16+$0xFFFFFF90];
	(pc) =	sbr.rel @!p2 .LBB2_7-.Ltmp4, $4  }
0x89: {  	vm1 =	vgt.f32 v10, $5.000000000e-01;
	v10 =	vld [tilespmem:s16+$0xFFFFFFA0]  }
0x8a: {  	v1 =	vsel vm1, v3, v1;
	v11 =	vld [tilespmem:s16+$0xFFFFFFB0]  }
0x8b: {  	s31 =	simm.s32 $0x12B90;
	s30 =	simm.s32 $0x13590;
	p0 =	por $0x0, $0x0;
	v3 =	vmax.f32 v1, v6;
	v13 =	vld [tilespmem:s16+$0xFFFFFFD0];
	vm1 =	vgt.f32 v12, $5.000000000e-01  }
0x8c: {  	p1 =	por $0x0, $0x0;
	v2 =	vadd.f32 v6, v2;
	s17 =	sand.u32 $0x3FE0, s0;
	s0 =	simm.s32 $0xA0;
	v12 =	vld [tilespmem:s16+$0xFFFFFFC0];
	v1 =	vsel vm1, v3, v1  }
0x8d: {  	_ =	sdelay $0x2  }
0x8e: {  	v3 =	vld [tilespmem:s17+$0x10880]  }
0x8f: {  	v6 =	vld.idx.msk [tilespmem:v7+s3+$0x0], $0xffff  }
0x90: {  	v7 =	vld.idx.msk [tilespmem:v8+s3+$0x0], $0xffff  }
0x91: {  	v8 =	vld.idx.msk [tilespmem:v9+s3+$0x0], $0xffff  }
0x92: {  	v9 =	vld.idx.msk [tilespmem:v10+s3+$0x0], $0xffff  }
0x93: {  	v10 =	vld.idx.msk [tilespmem:v11+s3+$0x0], $0xffff  }
0x94: {  	v11 =	vld.idx.msk [tilespmem:v12+s3+$0x0], $0xffff  }
0x95: {  	v12 =	vld.idx.msk [tilespmem:v13+s3+$0x0], $0xffff  }
0x96: {  	v3 =	vld.idx.msk [tilespmem:v3+s3+$0x0], $0xffff;
	_ =	sdelay $0x2  }
0x97: {  	v5 =	vld.idx.msk [tilespmem:v5+s3+$0x0], $0xffff  }
0x98: {  	v4 =	vld.idx.msk [tilespmem:v4+s3+$0x0], $0xffff;
	v6 =	vadd.f32 v7, v6;
	v7 =	vadd.f32 v9, v8  }
0x99: {  	v9 =	vld [tilespmem:s31+$0x0];
	v8 =	vadd.f32 v11, v10;
	v3 =	vadd.f32 v3, v12;
	_ =	sdelay $0x1  }
0x9a: {  	v6 =	vadd.f32 v7, v6;
	v3 =	vadd.f32 v3, v8;
	_ =	sdelay $0x1  }
0x9b: {  	v4 =	vadd.f32 v4, v5;
	v3 =	vadd.f32 v3, v6;
	_ =	sdelay $0x1  }
0x9c: {  	v6 =	vadd.f32 v4, v3;
	_ =	sdelay $0x1  }
0x9d: {  	s1 =	simm.s32 $0x10940;
	[tilespmem:v9+s23+$0x0] =	vst.idx.msk $0xffff, v6  }
0x9e: {  	v5 =	vld [tilespmem:s1+$0xFFFFFFF0]  }
0x9f: {  	v4 =	vld [tilespmem:s1+$0x0]  }
0xa0: {  	v7 =	vld [tilespmem:s1+$0xFFFFFF70]  }
0xa1: {  	p2 =	por $0x1, $0x1;
	v8 =	vld [tilespmem:s1+$0xFFFFFF80]  }
.Ltmp5:
0xa2: {  	v9 =	vld [tilespmem:s1+$0xFFFFFF90];
	(pc) =	sbr.rel @!p2 .LBB2_9-.Ltmp5, $4  }
0xa3: {  	v10 =	vld [tilespmem:s1+$0xFFFFFFA0]  }
0xa4: {  	v11 =	vld [tilespmem:s1+$0xFFFFFFB0]  }
0xa5: {  	v12 =	vld [tilespmem:s1+$0xFFFFFFC0]  }
0xa6: {  	s17 =	sand.u32 $0x3FE0, s0;
	p0 =	por $0x1, $0x1;
	v3 =	vmax.f32 v1, v6;
	v2 =	vadd.f32 v6, v2;
	v13 =	vld [tilespmem:s1+$0xFFFFFFD0];
	s1 =	simm.s32 $0x140  }
0xa7: {  	_ =	sdelay $0x2  }
0xa8: {  	v6 =	vld [tilespmem:s17+$0x10880]  }
0xa9: {  	v7 =	vld.idx.msk [tilespmem:v7+s3+$0x0], $0xffff  }
0xaa: {  	v8 =	vld.idx.msk [tilespmem:v8+s3+$0x0], $0xffff  }
0xab: {  	v9 =	vld.idx.msk [tilespmem:v9+s3+$0x0], $0xffff  }
0xac: {  	v10 =	vld.idx.msk [tilespmem:v10+s3+$0x0], $0xffff  }
0xad: {  	v11 =	vld.idx.msk [tilespmem:v11+s3+$0x0], $0xffff  }
0xae: {  	v12 =	vld.idx.msk [tilespmem:v12+s3+$0x0], $0xffff  }
0xaf: {  	v13 =	vld.idx.msk [tilespmem:v13+s3+$0x0], $0xffff  }
0xb0: {  	v6 =	vld.idx.msk [tilespmem:v6+s3+$0x0], $0xffff;
	_ =	sdelay $0x2  }
0xb1: {  	v5 =	vld.idx.msk [tilespmem:v5+s3+$0x0], $0xffff  }
0xb2: {  	v4 =	vld.idx.msk [tilespmem:v4+s3+$0x0], $0xffff;
	s0 =	simm.s32 $0x12BA0;
	v7 =	vadd.f32 v8, v7;
	v8 =	vadd.f32 v10, v9  }
0xb3: {  	v10 =	vld [tilespmem:s0+$0x0];
	v9 =	vadd.f32 v12, v11;
	v6 =	vadd.f32 v6, v13;
	_ =	sdelay $0x1  }
0xb4: {  	v7 =	vadd.f32 v8, v7;
	v6 =	vadd.f32 v6, v9;
	_ =	sdelay $0x1  }
0xb5: {  	v4 =	vadd.f32 v4, v5;
	v5 =	vadd.f32 v6, v7;
	_ =	sdelay $0x1  }
0xb6: {  	v13 =	vadd.f32 v4, v5;
	_ =	sdelay $0x1  }
0xb7: {  	s14 =	simm.s32 $0x109E0;
	v6 =	vld [tilespmem:s30+$0x0];
	[tilespmem:v10+s23+$0x0] =	vst.idx.msk $0xffff, v13  }
0xb8: {  	v5 =	vld [tilespmem:s14+$0xFFFFFFF0]  }
0xb9: {  	v4 =	vld [tilespmem:s14+$0x0]  }
0xba: {  	v7 =	vld [tilespmem:s14+$0xFFFFFF70]  }
0xbb: {  	p2 =	por $0x1, $0x1;
	v8 =	vld [tilespmem:s14+$0xFFFFFF80]  }
.Ltmp6:
0xbc: {  	v9 =	vld [tilespmem:s14+$0xFFFFFF90];
	(pc) =	sbr.rel @!p2 .LBB2_11-.Ltmp6, $4  }
0xbd: {  	v10 =	vld [tilespmem:s14+$0xFFFFFFA0]  }
0xbe: {  	vm1 =	vgt.f32 v6, $5.000000000e-01;
	v11 =	vld [tilespmem:s14+$0xFFFFFFB0]  }
0xbf: {  	s17 =	sand.u32 $0x3FE0, s1;
	v12 =	vld [tilespmem:s14+$0xFFFFFFC0];
	v6 =	vsel vm1, v3, v1  }
0xc0: {  	s16 =	simm.s32 $0x1E0;
	p1 =	por $0x1, $0x1;
	s1 =	simm.s32 $0x13590;
	v2 =	vadd.f32 v13, v2;
	v3 =	vmax.f32 v6, v13;
	v13 =	vld [tilespmem:s14+$0xFFFFFFD0]  }
.LBB2_12:
0xc1: {  	p2 =	sne.s32 s16, $0x1B80;
	v14 =	vld [tilespmem:s17+$0x10880]  }
0xc2: {  	v7 =	vld.idx.msk [tilespmem:v7+s3+$0x0], $0xffff  }
0xc3: {  	v8 =	vld.idx.msk [tilespmem:v8+s3+$0x0], $0xffff  }
0xc4: {  	v9 =	vld.idx.msk [tilespmem:v9+s3+$0x0], $0xffff  }
0xc5: {  	v10 =	vld.idx.msk [tilespmem:v10+s3+$0x0], $0xffff  }
0xc6: {  	v11 =	vld.idx.msk [tilespmem:v11+s3+$0x0], $0xffff  }
0xc7: {  	v12 =	vld.idx.msk [tilespmem:v12+s3+$0x0], $0xffff  }
0xc8: {  	v13 =	vld.idx.msk [tilespmem:v13+s3+$0x0], $0xffff  }
0xc9: {  	s1 =	sadd.s32 $0x10, s1;
	v14 =	vld.idx.msk [tilespmem:v14+s3+$0x0], $0xffff  }
0xca: {  	v15 =	vld [tilespmem:s1+$0x0];
	_ =	sdelay $0x1  }
0xcb: {  	v5 =	vld.idx.msk [tilespmem:v5+s3+$0x0], $0xffff  }
0xcc: {  	v4 =	vld.idx.msk [tilespmem:v4+s3+$0x0], $0xffff  }
0xcd: {  	s0 =	sadd.s32 $0x10, s0;
	v7 =	vadd.f32 v8, v7;
	v8 =	vadd.f32 v10, v9  }
0xce: {  	v9 =	vadd.f32 v12, v11;
	v10 =	vadd.f32 v14, v13;
	v11 =	vld [tilespmem:s0+$0x0];
	vm1 =	vgt.f32 v15, $5.000000000e-01  }
0xcf: {  	v6 =	vsel vm1, v3, v6  }
0xd0: {  	v3 =	vadd.f32 v8, v7;
	v7 =	vadd.f32 v10, v9;
	_ =	sdelay $0x1  }
0xd1: {  	v4 =	vadd.f32 v4, v5;
	v3 =	vadd.f32 v7, v3;
	_ =	sdelay $0x1  }
0xd2: {  	v4 =	vadd.f32 v4, v3;
	_ =	sdelay $0x1  }
0xd3: {  	s14 =	sadd.s32 $0xA0, s14;
	v3 =	vmax.f32 v6, v4;
	v2 =	vadd.f32 v4, v2;
	[tilespmem:v11+s23+$0x0] =	vst.idx.msk $0xffff, v4  }
0xd4: {  	v5 =	vld [tilespmem:s14+$0xFFFFFFF0]  }
0xd5: {  	v4 =	vld [tilespmem:s14+$0x0]  }
0xd6: {  	v7 =	vld [tilespmem:s14+$0xFFFFFF70]  }
0xd7: {  	v8 =	vld [tilespmem:s14+$0xFFFFFF80]  }
.Ltmp7:
0xd8: {  	v9 =	vld [tilespmem:s14+$0xFFFFFF90];
	(pc) =	sbr.rel @p2 .LBB2_12-.Ltmp7, $4  }
0xd9: {  	v10 =	vld [tilespmem:s14+$0xFFFFFFA0]  }
0xda: {  	v11 =	vld [tilespmem:s14+$0xFFFFFFB0]  }
0xdb: {  	v12 =	vld [tilespmem:s14+$0xFFFFFFC0]  }
0xdc: {  	s17 =	sand.u32 $0x3FE0, s16;
	s16 =	sadd.s32 $0xA0, s16;
	v13 =	vld [tilespmem:s14+$0xFFFFFFD0]  }
.LBB2_13:
0xdd: {  	_ =	sdelay $0x2  }
0xde: {  	v14 =	vld [tilespmem:s17+$0x10880]  }
0xdf: {  	v7 =	vld.idx.msk [tilespmem:v7+s3+$0x0], $0xffff  }
0xe0: {  	v8 =	vld.idx.msk [tilespmem:v8+s3+$0x0], $0xffff  }
0xe1: {  	v9 =	vld.idx.msk [tilespmem:v9+s3+$0x0], $0xffff  }
0xe2: {  	v10 =	vld.idx.msk [tilespmem:v10+s3+$0x0], $0xffff  }
0xe3: {  	v11 =	vld.idx.msk [tilespmem:v11+s3+$0x0], $0xffff  }
0xe4: {  	v12 =	vld.idx.msk [tilespmem:v12+s3+$0x0], $0xffff  }
0xe5: {  	v13 =	vld.idx.msk [tilespmem:v13+s3+$0x0], $0xffff  }
0xe6: {  	v14 =	vld.idx.msk [tilespmem:v14+s3+$0x0], $0xffff;
	_ =	sdelay $0x2  }
0xe7: {  	v5 =	vld.idx.msk [tilespmem:v5+s3+$0x0], $0xffff;
	s0 =	sadd.s32 @p0 $0x10, s0  }
0xe8: {  	v4 =	vld.idx.msk [tilespmem:v4+s3+$0x0], $0xffff;
	s31 =	smov.u32 @p0 s0;
	v7 =	vadd.f32 v8, v7;
	v57 =	vadd.f32 v10, v9  }
0xe9: {  	v60 =	vld [tilespmem:s31+$0x0];
	v58 =	vadd.f32 v12, v11;
	v59 =	vadd.f32 v14, v13;
	_ =	sdelay $0x1  }
0xea: {  	v7 =	vadd.f32 v57, v7;
	v61 =	vadd.f32 v59, v58;
	_ =	sdelay $0x1  }
0xeb: {  	v4 =	vadd.f32 v4, v5;
	v62 =	vadd.f32 v61, v7  }
0xec: {  	s0 =	sadd.s32 @p1 $0x10, s1;
	s1 =	simm.s32 $0x13590  }
0xed: {  	s1 =	smov.u32 @p1 s0;
	v4 =	vadd.f32 v4, v62  }
0xee: {  	s0 =	sadd.s32 @p0 $0x10, s1;
	v5 =	vld @p0 [tilespmem:s1+$0x0]  }
0xef: {  	s30 =	smov.u32 @p0 s0;
	[tilespmem:v60+s23+$0x0] =	vst.idx.msk $0xffff, v4;
	v2 =	vadd.f32 v4, v2  }
0xf0: {  	v63 =	vld [tilespmem:s30+$0x0];
	_ =	swait.ge [sflag:s24], $0x2710  }
0xf1: {  	(xrf2) =	vadd.scan.msk.f32 $0xffff, v2;
	_ =	sdelay $0x1  }
0xf2: {  	vm1 =	vgt.f32 @p0 v5, $5.000000000e-01  }
0xf3: {  	v2 =	vsel @p0 vm1, v3, v6  }
0xf4: {  	v1 =	vpsel p0, v2, v1  }
0xf5: {  	v2 =	vmax.f32 v1, v4;
	vm1 =	vgt.f32 v63, $5.000000000e-01  }
0xf6: {  	v1 =	vsel vm1, v2, v1  }
0xf7: {  	(xrf0) =	vmax.scan.msk.f32 $0xffff, v1;
	_ =	sdelay $0x2  }
0xf8: {  	v1, _, _ =	vpop (xrf2)  }
0xf9: {  	(v2sf) =	vpush v1, $0xF;
	_ =	sdelay $0x1  }
0xfa: {  	v1, _, _ =	vpop (xrf0)  }
0xfb: {  	(v2sf) =	vpush v1, $0xF;
	_ =	sdelay $0xb  }
0xfc: {  	s17 =	spop (v2sf)  }
0xfd: {  	s0 =	smax.f32 s17, $9.999999930e-09  }
0xfe: {  	s0 =	smul.f32 $9.999999930e-09, s0  }
0xff: {  	s30 =	spop (v2sf)  }
0x100: {  	s0 =	sadd.f32 s0, s30;
	_ =	sdelay $0x1  }
0x101: {  	v1 =	vmov s0  }
0x102: {  	(erf) = vrcp.f32 v1;
	_ =	sdelay $0x5  }
0x103: {  	[sflag:s24] =	ssyncset.done $0x0  }
0x104: {  	s31 =	smul.u32 $0x4E2, s29;
	[sflag:s24] =	ssyncadd.s32 $0xFFFFD8F0;
	s0 =	simm.s32 $0x0  }
0x105: {  	v2 =	vld [tilespmem:s0+$0xC204]  }
0x106: {  	s29 =	sadd.s32 s2, s31;
	s1 =	simm.s32 $0x40;
	v1 =	vpop (erf)  }
.LBB2_14:
0x107: {  	p0 =	sne.s32 s1, $0x26C0  }
.Ltmp8:
0x108: {  	_ = 	snop;
	(pc) =	sbr.rel @p0 .LBB2_14-.Ltmp8, $4  }
0x109: {  	_ = 	snop  }
0x10a: {  	s14 =	sshra.s32 s1, $0x2;
	s1 =	sadd.s32 $0x40, s1;
	v3 =	vmul.f32 v2, v1  }
0x10b: {  	v2 =	vld [tilespmem:s14+$0xC204]  }
0x10c: {  	[tilespmem:s0+$0xCC00] =	vst v3;
	s0 =	smov.u32 s14  }
0x10d: {  	_ =	sdelay $0x2  }
0x10e: {  	v2 =	vmul.f32 v2, v1;
	_ =	sdelay $0x1  }
0x10f: {  	[tilespmem:s0+$0xCC00] =	vst v2  }
0x110: {  	v2 =	vld [tilespmem:$0xCBC4];
	_ =	sdelay $0x4  }
0x111: {  	v1 =	vmul.f32 v2, v1  }
0x112: {  	s31 =	sadd.s32 $0x3058, s28  }
0x113: {  	s0 =	sshrl.u32 s31, $0x3;
	v1 =	vnsel vm0, $0x0, v1  }
0x114: {  	s1 =	simm.s32 $0x0;
	s0 =	sadd.s32 s4, s0;
	[tilespmem:$0xD5C0] =	vst v1  }
0x115: {  	[tilespmem:s1], [sflag:$0x1] =	stream.linear.gather [hbm4b:s0+s1], $0x3058, $0x38;
	[tilespmem:$0x13880] =	vst v63  }
0x116: {  	_ =	swait.ge [sflag:s22], $0x3058  }
0x117: {  	[sflag:s22] =	ssyncset.done $0x0  }
0x118: {  	s0 =	simm.s32 $0x0;
	[sflag:s22] =	ssyncadd.s32 $0xFFFFCFA8  }
0x119: {  	v1 =	vld [tilespmem:s0+$0xF380];
	_ =	sdelay $0x4  }
0x11a: {  	v2 =	vld [tilespmem:s0+$0x12480];
	_ =	sdelay $0x2  }
0x11b: {  	v4 =	vld.idx.msk [tilespmem:v1+s18+$0x0], $0xffff;
	_ =	sdelay $0x3  }
0x11c: {  	v5 =	vimm.f32 $0.0e+00;
	v1 =	vimm.f32 $-Inf  }
0x11d: {  	s30 =	simm.s32 $0x40;
	s14 =	simm.s32 $0x80;
	s1 =	simm.s32 $0x10;
	[tilespmem:v2+s23+$0x0] =	vst.idx.msk $0xffff, v4;
	v3 =	vmax.f32 v1, v4;
	v2 =	vadd.f32 v4, v5  }
.LBB2_16:
0x11e: {  	p0 =	sne.s32 s14, $0xE80;
	v4 =	vld [tilespmem:s1+$0xF380]  }
0x11f: {  	v5 =	vld [tilespmem:s0+$0x12E80];
	s0 =	smov.u32 s1;
	_ =	sdelay $0x4  }
0x120: {  	v6 =	vld [tilespmem:s0+$0x12480];
	vm1 =	vgt.f32 v5, $5.000000000e-01  }
0x121: {  	v1 =	vsel vm1, v3, v1  }
0x122: {  	v4 =	vld.idx.msk [tilespmem:v4+s18+$0x0], $0xffff;
	_ =	sdelay $0x1  }
.Ltmp9:
0x123: {  	(pc) =	sbr.rel @p0 .LBB2_16-.Ltmp9, $2  }
0x124: {  	_ =	sdelay $0x2  }
0x125: {  	s1 =	sshra.s32 s14, $0x2;
	s14 =	sadd.s32 $0x40, s14;
	v3 =	vmax.f32 v1, v4;
	v2 =	vadd.f32 v4, v2;
	[tilespmem:v6+s23+$0x0] =	vst.idx.msk $0xffff, v4  }
0x126: {  	v4 =	vld [tilespmem:s1+$0xF380];
	_ =	sdelay $0x4  }
0x127: {  	v5 =	vld [tilespmem:s1+$0x12480];
	_ =	sdelay $0x2  }
0x128: {  	v6 =	vld.idx.msk [tilespmem:v4+s18+$0x0], $0xffff;
	_ =	sdelay $0x4  }
0x129: {  	s31 =	simm.s32 $0xF770;
	v4 =	vld [tilespmem:s0+$0x12E80];
	[tilespmem:v5+s23+$0x0] =	vst.idx.msk $0xffff, v6  }
0x12a: {  	v5 =	vld [tilespmem:s31+$0xFFFFFFC0]  }
0x12b: {  	v7 =	vld [tilespmem:s31+$0xFFFFFFD0]  }
0x12c: {  	v8 =	vld [tilespmem:s31+$0xFFFFFFE0]  }
0x12d: {  	v9 =	vld [tilespmem:s31+$0xFFFFFFF0];
	_ =	sdelay $0x3  }
0x12e: {  	v10 =	vld [tilespmem:s31+$0x0]  }
0x12f: {  	v5 =	vld.idx.msk [tilespmem:v5+s18+$0x0], $0xffff  }
0x130: {  	v7 =	vld.idx.msk [tilespmem:v7+s18+$0x0], $0xffff  }
0x131: {  	v8 =	vld.idx.msk [tilespmem:v8+s18+$0x0], $0xffff  }
0x132: {  	v9 =	vld.idx.msk [tilespmem:v9+s18+$0x0], $0xffff;
	_ =	sdelay $0x1  }
0x133: {  	s0 =	simm.s32 $0x0  }
0x134: {  	v11 =	vld [tilespmem:s0+$0x12830]  }
0x135: {  	v10 =	vld.idx.msk [tilespmem:v10+s18+$0x0], $0xffff  }
0x136: {  	v5 =	vadd.f32 v7, v5;
	v7 =	vadd.f32 v9, v8;
	_ =	sdelay $0x1  }
0x137: {  	v5 =	vadd.f32 v7, v5  }
0x138: {  	v7 =	vld [tilespmem:s1+$0x12E80]  }
0x139: {  	v8 =	vadd.f32 v10, v5;
	_ =	sdelay $0x1  }
0x13a: {  	vm1 =	vgt.f32 v4, $5.000000000e-01;
	s1 =	simm.s32 $0xF7C0;
	[tilespmem:v11+s23+$0x0] =	vst.idx.msk $0xffff, v8  }
0x13b: {  	v1 =	vsel vm1, v3, v1;
	v4 =	vld [tilespmem:s1+$0xFFFFFFC0]  }
0x13c: {  	v2 =	vadd.f32 v6, v2;
	v3 =	vmax.f32 v1, v6;
	vm1 =	vgt.f32 v7, $5.000000000e-01;
	v5 =	vld [tilespmem:s1+$0xFFFFFFD0]  }
0x13d: {  	v6 =	vld [tilespmem:s1+$0xFFFFFFE0];
	v1 =	vsel vm1, v3, v1  }
0x13e: {  	s14 =	simm.s32 $0x80;
	v2 =	vadd.f32 v8, v2;
	v7 =	vld [tilespmem:s1+$0xFFFFFFF0];
	v3 =	vmax.f32 v1, v8  }
.LBB2_18:
0x13f: {  	p0 =	sne.s32 s14, $0xD40;
	v8 =	vld [tilespmem:s0+$0x13230];
	_ =	sdelay $0x2  }
0x140: {  	v9 =	vld [tilespmem:s1+$0x0]  }
0x141: {  	v4 =	vld.idx.msk [tilespmem:v4+s18+$0x0], $0xffff  }
0x142: {  	v5 =	vld.idx.msk [tilespmem:v5+s18+$0x0], $0xffff;
	vm1 =	vgt.f32 v8, $5.000000000e-01  }
0x143: {  	v6 =	vld.idx.msk [tilespmem:v6+s18+$0x0], $0xffff;
	v1 =	vsel vm1, v3, v1  }
0x144: {  	v3 =	vld.idx.msk [tilespmem:v7+s18+$0x0], $0xffff;
	_ =	sdelay $0x1  }
0x145: {  	s0 =	sshra.s32 s30, $0x2;
	s30 =	smov.u32 s14  }
0x146: {  	v7 =	vld [tilespmem:s0+$0x12830]  }
0x147: {  	v8 =	vld.idx.msk [tilespmem:v9+s18+$0x0], $0xffff;
	_ =	sdelay $0x1  }
0x148: {  	v4 =	vadd.f32 v5, v4;
	v3 =	vadd.f32 v3, v6;
	_ =	sdelay $0x1  }
0x149: {  	v3 =	vadd.f32 v3, v4;
	_ =	sdelay $0x1  }
0x14a: {  	v4 =	vadd.f32 v8, v3;
	_ =	sdelay $0x1  }
.Ltmp10:
0x14b: {  	s1 =	sadd.s32 $0x50, s1;
	v3 =	vmax.f32 v1, v4;
	v2 =	vadd.f32 v4, v2;
	[tilespmem:v7+s23+$0x0] =	vst.idx.msk $0xffff, v4;
	(pc) =	sbr.rel @p0 .LBB2_18-.Ltmp10, $4  }
0x14c: {  	v4 =	vld [tilespmem:s1+$0xFFFFFFC0]  }
0x14d: {  	v5 =	vld [tilespmem:s1+$0xFFFFFFD0]  }
0x14e: {  	v6 =	vld [tilespmem:s1+$0xFFFFFFE0]  }
0x14f: {  	s14 =	sadd.s32 $0x40, s14;
	v7 =	vld [tilespmem:s1+$0xFFFFFFF0]  }
0x150: {  	_ =	sdelay $0x3  }
0x151: {  	v8 =	vld [tilespmem:s1+$0x0]  }
0x152: {  	v4 =	vld.idx.msk [tilespmem:v4+s18+$0x0], $0xffff  }
0x153: {  	v5 =	vld.idx.msk [tilespmem:v5+s18+$0x0], $0xffff  }
0x154: {  	v6 =	vld.idx.msk [tilespmem:v6+s18+$0x0], $0xffff  }
0x155: {  	v7 =	vld.idx.msk [tilespmem:v7+s18+$0x0], $0xffff;
	_ =	sdelay $0x1  }
0x156: {  	s1 =	sshra.s32 s30, $0x2  }
0x157: {  	v9 =	vld [tilespmem:s1+$0x12830]  }
0x158: {  	v8 =	vld.idx.msk [tilespmem:v8+s18+$0x0], $0xffff  }
0x159: {  	v4 =	vadd.f32 v5, v4;
	v5 =	vadd.f32 v7, v6;
	_ =	sdelay $0x1  }
0x15a: {  	v4 =	vadd.f32 v5, v4;
	_ =	sdelay $0x1  }
0x15b: {  	v8 =	vadd.f32 v8, v4;
	_ =	sdelay $0x1  }
0x15c: {  	s16 =	simm.s32 $0x108A0;
	v6 =	vld [tilespmem:s0+$0x13230];
	[tilespmem:v9+s23+$0x0] =	vst.idx.msk $0xffff, v8  }
0x15d: {  	v4 =	vld [tilespmem:s16+$0xFFFFFFF0]  }
0x15e: {  	v5 =	vld [tilespmem:s16+$0x0]  }
0x15f: {  	v7 =	vld [tilespmem:s16+$0xFFFFFF70]  }
0x160: {  	v9 =	vld [tilespmem:s16+$0xFFFFFF80]  }
0x161: {  	v10 =	vld [tilespmem:s16+$0xFFFFFF90]  }
0x162: {  	v11 =	vld [tilespmem:s16+$0xFFFFFFA0]  }
0x163: {  	v12 =	vld [tilespmem:s16+$0xFFFFFFB0]  }
0x164: {  	s14 =	simm.s32 $0x0;
	v13 =	vld [tilespmem:s16+$0xFFFFFFC0]  }
0x165: {  	s17 =	sand.u32 $0x3FE0, s14;
	v14 =	vld [tilespmem:s16+$0xFFFFFFD0]  }
0x166: {  	v15 =	vld [tilespmem:s17+$0x10880]  }
0x167: {  	v7 =	vld.idx.msk [tilespmem:v7+s18+$0x0], $0xffff  }
0x168: {  	v9 =	vld.idx.msk [tilespmem:v9+s18+$0x0], $0xffff  }
0x169: {  	v10 =	vld.idx.msk [tilespmem:v10+s18+$0x0], $0xffff  }
0x16a: {  	v11 =	vld.idx.msk [tilespmem:v11+s18+$0x0], $0xffff  }
0x16b: {  	v12 =	vld.idx.msk [tilespmem:v12+s18+$0x0], $0xffff  }
0x16c: {  	v13 =	vld.idx.msk [tilespmem:v13+s18+$0x0], $0xffff  }
0x16d: {  	v14 =	vld.idx.msk [tilespmem:v14+s18+$0x0], $0xffff  }
0x16e: {  	v15 =	vld.idx.msk [tilespmem:v15+s18+$0x0], $0xffff;
	_ =	sdelay $0x2  }
0x16f: {  	v4 =	vld.idx.msk [tilespmem:v4+s18+$0x0], $0xffff  }
0x170: {  	s31 =	simm.s32 $0x12B90;
	v5 =	vld.idx.msk [tilespmem:v5+s18+$0x0], $0xffff;
	v7 =	vadd.f32 v9, v7;
	v9 =	vadd.f32 v11, v10  }
0x171: {  	v10 =	vadd.f32 v13, v12;
	v11 =	vadd.f32 v15, v14;
	v12 =	vld [tilespmem:s31+$0x0];
	_ =	sdelay $0x1  }
0x172: {  	v7 =	vadd.f32 v9, v7;
	v9 =	vadd.f32 v11, v10;
	_ =	sdelay $0x1  }
0x173: {  	v4 =	vadd.f32 v5, v4;
	v5 =	vadd.f32 v9, v7;
	_ =	sdelay $0x1  }
0x174: {  	v10 =	vadd.f32 v4, v5;
	_ =	sdelay $0x1  }
0x175: {  	s14 =	simm.s32 $0x10940;
	v9 =	vld [tilespmem:s1+$0x13230];
	[tilespmem:v12+s23+$0x0] =	vst.idx.msk $0xffff, v10  }
0x176: {  	v4 =	vld [tilespmem:s14+$0xFFFFFFF0]  }
0x177: {  	v5 =	vld [tilespmem:s14+$0x0]  }
0x178: {  	v7 =	vld [tilespmem:s14+$0xFFFFFF70]  }
0x179: {  	v11 =	vld [tilespmem:s14+$0xFFFFFF80]  }
0x17a: {  	v12 =	vld [tilespmem:s14+$0xFFFFFF90]  }
0x17b: {  	v13 =	vld [tilespmem:s14+$0xFFFFFFA0]  }
0x17c: {  	v14 =	vld [tilespmem:s14+$0xFFFFFFB0]  }
0x17d: {  	s16 =	simm.s32 $0xA0;
	v15 =	vld [tilespmem:s14+$0xFFFFFFC0]  }
0x17e: {  	s17 =	sand.u32 $0x3FE0, s16;
	v16 =	vld [tilespmem:s14+$0xFFFFFFD0]  }
0x17f: {  	v17 =	vld [tilespmem:s17+$0x10880]  }
0x180: {  	v7 =	vld.idx.msk [tilespmem:v7+s18+$0x0], $0xffff  }
0x181: {  	v11 =	vld.idx.msk [tilespmem:v11+s18+$0x0], $0xffff  }
0x182: {  	v12 =	vld.idx.msk [tilespmem:v12+s18+$0x0], $0xffff  }
0x183: {  	v13 =	vld.idx.msk [tilespmem:v13+s18+$0x0], $0xffff  }
0x184: {  	v14 =	vld.idx.msk [tilespmem:v14+s18+$0x0], $0xffff  }
0x185: {  	v15 =	vld.idx.msk [tilespmem:v15+s18+$0x0], $0xffff  }
0x186: {  	v16 =	vld.idx.msk [tilespmem:v16+s18+$0x0], $0xffff  }
0x187: {  	v17 =	vld.idx.msk [tilespmem:v17+s18+$0x0], $0xffff;
	_ =	sdelay $0x2  }
0x188: {  	v4 =	vld.idx.msk [tilespmem:v4+s18+$0x0], $0xffff  }
0x189: {  	s0 =	simm.s32 $0x12BA0;
	v5 =	vld.idx.msk [tilespmem:v5+s18+$0x0], $0xffff;
	v7 =	vadd.f32 v11, v7;
	v11 =	vadd.f32 v13, v12  }
0x18a: {  	v12 =	vadd.f32 v15, v14;
	v13 =	vadd.f32 v17, v16;
	v14 =	vld [tilespmem:s0+$0x0];
	_ =	sdelay $0x1  }
0x18b: {  	v7 =	vadd.f32 v11, v7;
	v11 =	vadd.f32 v13, v12;
	_ =	sdelay $0x1  }
0x18c: {  	v4 =	vadd.f32 v5, v4;
	v5 =	vadd.f32 v11, v7;
	_ =	sdelay $0x1  }
0x18d: {  	v12 =	vadd.f32 v4, v5  }
0x18e: {  	s30 =	simm.s32 $0x13590  }
0x18f: {  	s1 =	simm.s32 $0x109E0;
	v11 =	vld [tilespmem:s30+$0x0];
	[tilespmem:v14+s23+$0x0] =	vst.idx.msk $0xffff, v12  }
0x190: {  	v4 =	vld [tilespmem:s1+$0xFFFFFFF0]  }
0x191: {  	v5 =	vld [tilespmem:s1+$0x0]  }
0x192: {  	vm1 =	vgt.f32 v6, $5.000000000e-01;
	v6 =	vld [tilespmem:s1+$0xFFFFFF70]  }
0x193: {  	v1 =	vsel vm1, v3, v1;
	v7 =	vld [tilespmem:s1+$0xFFFFFF80]  }
0x194: {  	v2 =	vadd.f32 v8, v2;
	v3 =	vmax.f32 v1, v8;
	vm1 =	vgt.f32 v9, $5.000000000e-01;
	v8 =	vld [tilespmem:s1+$0xFFFFFF90]  }
0x195: {  	v1 =	vsel vm1, v3, v1;
	v9 =	vld [tilespmem:s1+$0xFFFFFFA0]  }
0x196: {  	v2 =	vadd.f32 v10, v2;
	v3 =	vmax.f32 v1, v10;
	vm1 =	vgt.f32 v11, $5.000000000e-01;
	v10 =	vld [tilespmem:s1+$0xFFFFFFB0]  }
0x197: {  	s31 =	simm.s32 $0x140;
	v11 =	vld [tilespmem:s1+$0xFFFFFFC0];
	v1 =	vsel vm1, v3, v1  }
0x198: {  	s16 =	sand.u32 $0x3FE0, s31;
	s14 =	simm.s32 $0x1E0;
	v2 =	vadd.f32 v12, v2;
	v3 =	vmax.f32 v1, v12;
	v12 =	vld [tilespmem:s1+$0xFFFFFFD0]  }
.LBB2_20:
0x199: {  	p0 =	sne.s32 s14, $0x1B80;
	v13 =	vld [tilespmem:s16+$0x10880]  }
0x19a: {  	v6 =	vld.idx.msk [tilespmem:v6+s18+$0x0], $0xffff  }
0x19b: {  	v7 =	vld.idx.msk [tilespmem:v7+s18+$0x0], $0xffff  }
0x19c: {  	v8 =	vld.idx.msk [tilespmem:v8+s18+$0x0], $0xffff  }
0x19d: {  	v9 =	vld.idx.msk [tilespmem:v9+s18+$0x0], $0xffff  }
0x19e: {  	v10 =	vld.idx.msk [tilespmem:v10+s18+$0x0], $0xffff  }
0x19f: {  	v11 =	vld.idx.msk [tilespmem:v11+s18+$0x0], $0xffff  }
0x1a0: {  	v12 =	vld.idx.msk [tilespmem:v12+s18+$0x0], $0xffff  }
0x1a1: {  	s30 =	sadd.s32 $0x10, s30;
	v13 =	vld.idx.msk [tilespmem:v13+s18+$0x0], $0xffff  }
0x1a2: {  	v14 =	vld [tilespmem:s30+$0x0];
	_ =	sdelay $0x1  }
0x1a3: {  	v4 =	vld.idx.msk [tilespmem:v4+s18+$0x0], $0xffff  }
0x1a4: {  	v5 =	vld.idx.msk [tilespmem:v5+s18+$0x0], $0xffff  }
0x1a5: {  	s0 =	sadd.s32 $0x10, s0;
	v6 =	vadd.f32 v7, v6;
	v7 =	vadd.f32 v9, v8  }
0x1a6: {  	v8 =	vadd.f32 v11, v10;
	v9 =	vadd.f32 v13, v12;
	v10 =	vld [tilespmem:s0+$0x0];
	vm1 =	vgt.f32 v14, $5.000000000e-01  }
0x1a7: {  	v1 =	vsel vm1, v3, v1  }
0x1a8: {  	v3 =	vadd.f32 v7, v6;
	v6 =	vadd.f32 v9, v8;
	_ =	sdelay $0x1  }
0x1a9: {  	v4 =	vadd.f32 v5, v4;
	v3 =	vadd.f32 v6, v3;
	_ =	sdelay $0x1  }
0x1aa: {  	v4 =	vadd.f32 v4, v3;
	_ =	sdelay $0x1  }
0x1ab: {  	s1 =	sadd.s32 $0xA0, s1;
	v3 =	vmax.f32 v1, v4;
	v2 =	vadd.f32 v4, v2;
	[tilespmem:v10+s23+$0x0] =	vst.idx.msk $0xffff, v4  }
0x1ac: {  	v4 =	vld [tilespmem:s1+$0xFFFFFFF0]  }
0x1ad: {  	v5 =	vld [tilespmem:s1+$0x0]  }
0x1ae: {  	v6 =	vld [tilespmem:s1+$0xFFFFFF70]  }
0x1af: {  	v7 =	vld [tilespmem:s1+$0xFFFFFF80]  }
.Ltmp11:
0x1b0: {  	v8 =	vld [tilespmem:s1+$0xFFFFFF90];
	(pc) =	sbr.rel @p0 .LBB2_20-.Ltmp11, $4  }
0x1b1: {  	v9 =	vld [tilespmem:s1+$0xFFFFFFA0]  }
0x1b2: {  	v10 =	vld [tilespmem:s1+$0xFFFFFFB0]  }
0x1b3: {  	v11 =	vld [tilespmem:s1+$0xFFFFFFC0]  }
0x1b4: {  	s16 =	sand.u32 $0x3FE0, s14;
	s14 =	sadd.s32 $0xA0, s14;
	v12 =	vld [tilespmem:s1+$0xFFFFFFD0]  }
0x1b5: {  	_ =	sdelay $0x2  }
0x1b6: {  	v13 =	vld [tilespmem:s16+$0x10880]  }
0x1b7: {  	v6 =	vld.idx.msk [tilespmem:v6+s18+$0x0], $0xffff  }
0x1b8: {  	v7 =	vld.idx.msk [tilespmem:v7+s18+$0x0], $0xffff  }
0x1b9: {  	v8 =	vld.idx.msk [tilespmem:v8+s18+$0x0], $0xffff  }
0x1ba: {  	v9 =	vld.idx.msk [tilespmem:v9+s18+$0x0], $0xffff  }
0x1bb: {  	v10 =	vld.idx.msk [tilespmem:v10+s18+$0x0], $0xffff  }
0x1bc: {  	v11 =	vld.idx.msk [tilespmem:v11+s18+$0x0], $0xffff  }
0x1bd: {  	v12 =	vld.idx.msk [tilespmem:v12+s18+$0x0], $0xffff  }
0x1be: {  	v13 =	vld.idx.msk [tilespmem:v13+s18+$0x0], $0xffff;
	_ =	sdelay $0x2  }
0x1bf: {  	v4 =	vld.idx.msk [tilespmem:v4+s18+$0x0], $0xffff  }
0x1c0: {  	v5 =	vld.idx.msk [tilespmem:v5+s18+$0x0], $0xffff;
	v6 =	vadd.f32 v7, v6;
	v56 =	vadd.f32 v9, v8  }
0x1c1: {  	s0 =	sadd.s32 $0x10, s0;
	v57 =	vadd.f32 v11, v10;
	v58 =	vadd.f32 v13, v12  }
0x1c2: {  	v59 =	vld [tilespmem:s0+$0x0]  }
0x1c3: {  	v6 =	vadd.f32 v56, v6;
	v60 =	vadd.f32 v58, v57;
	_ =	sdelay $0x1  }
0x1c4: {  	v4 =	vadd.f32 v5, v4;
	v61 =	vadd.f32 v60, v6;
	_ =	sdelay $0x1  }
0x1c5: {  	v4 =	vadd.f32 v4, v61  }
0x1c6: {  	s30 =	sadd.s32 $0x10, s30  }
0x1c7: {  	v62 =	vld [tilespmem:s30+$0x0];
	v2 =	vadd.f32 v4, v2  }
0x1c8: {  	s0 =	sadd.s32 $0x10, s30;
	[tilespmem:v59+s23+$0x0] =	vst.idx.msk $0xffff, v4  }
0x1c9: {  	v63 =	vld [tilespmem:s0+$0x0];
	(xrf2) =	vadd.scan.msk.f32 $0xffff, v2;
	_ =	sdelay $0x2  }
0x1ca: {  	vm1 =	vgt.f32 v62, $5.000000000e-01  }
0x1cb: {  	v1 =	vsel vm1, v3, v1  }
0x1cc: {  	v2 =	vmax.f32 v1, v4;
	vm1 =	vgt.f32 v63, $5.000000000e-01  }
0x1cd: {  	v1 =	vsel vm1, v2, v1  }
0x1ce: {  	(xrf0) =	vmax.scan.msk.f32 $0xffff, v1;
	_ =	sdelay $0x2  }
0x1cf: {  	v1, _, _ =	vpop (xrf2)  }
0x1d0: {  	(v2sf) =	vpush v1, $0xF;
	_ =	sdelay $0x1  }
0x1d1: {  	v1, _, _ =	vpop (xrf0)  }
0x1d2: {  	(v2sf) =	vpush v1, $0xF;
	_ =	sdelay $0xb  }
0x1d3: {  	s31 =	spop (v2sf)  }
0x1d4: {  	s0 =	smax.f32 s31, $9.999999930e-09  }
0x1d5: {  	s0 =	smul.f32 $9.999999930e-09, s0  }
0x1d6: {  	s1 =	spop (v2sf)  }
0x1d7: {  	s0 =	sadd.f32 s0, s1;
	_ =	sdelay $0x1  }
0x1d8: {  	v1 =	vmov s0  }
0x1d9: {  	(erf) = vrcp.f32 v1;
	_ =	sdelay $0x6  }
0x1da: {  	s0 =	simm.s32 $0x0  }
0x1db: {  	v2 =	vld [tilespmem:s0+$0xC204]  }
0x1dc: {  	s1 =	simm.s32 $0x40;
	v1 =	vpop (erf)  }
.LBB2_22:
0x1dd: {  	p0 =	sne.s32 s1, $0x26C0  }
.Ltmp12:
0x1de: {  	_ = 	snop;
	(pc) =	sbr.rel @p0 .LBB2_22-.Ltmp12, $4  }
0x1df: {  	_ = 	snop  }
0x1e0: {  	s14 =	sshra.s32 s1, $0x2;
	s1 =	sadd.s32 $0x40, s1;
	v3 =	vmul.f32 v2, v1  }
0x1e1: {  	v2 =	vld [tilespmem:s14+$0xC204]  }
0x1e2: {  	[tilespmem:s0+$0xD5C4] =	vst v3;
	s0 =	smov.u32 s14  }
0x1e3: {  	_ =	sdelay $0x2  }
0x1e4: {  	v2 =	vmul.f32 v2, v1;
	_ =	sdelay $0x1  }
0x1e5: {  	[tilespmem:s0+$0xD5C4] =	vst v2  }
0x1e6: {  	v2 =	vld [tilespmem:$0xCBC4];
	_ =	sdelay $0x4  }
0x1e7: {  	v1 =	vmul.f32 v2, v1  }
0x1e8: {  	s31 =	sadd.s32 $0xC19058, s28  }
0x1e9: {  	s0 =	sshrl.u32 s31, $0x3;
	v1 =	vnsel vm0, $0x0, v1  }
0x1ea: {  	s1 =	simm.s32 $0x0;
	s0 =	sadd.s32 s4, s0;
	[tilespmem:$0xDF84] =	vst v1  }
0x1eb: {  	[tilespmem:s18], [sflag:$0x1] =	stream.linear.gather [hbm4b:s0+s1], $0x3058, $0x38;
	[tilespmem:$0x13880] =	vst v63  }
0x1ec: {  	_ =	swait.ge [sflag:s22], $0x3058  }
0x1ed: {  	[sflag:s22] =	ssyncset.done $0x0  }
0x1ee: {  	s0 =	simm.s32 $0x0;
	[sflag:s22] =	ssyncadd.s32 $0xFFFFCFA8  }
0x1ef: {  	v1 =	vld [tilespmem:s0+$0xF380];
	_ =	sdelay $0x4  }
0x1f0: {  	v2 =	vld [tilespmem:s0+$0x12480];
	_ =	sdelay $0x2  }
0x1f1: {  	v4 =	vld.idx.msk [tilespmem:v1+s19+$0x0], $0xffff;
	_ =	sdelay $0x3  }
0x1f2: {  	v5 =	vimm.f32 $0.0e+00;
	v1 =	vimm.f32 $-Inf  }
0x1f3: {  	s30 =	simm.s32 $0x40;
	s14 =	simm.s32 $0x80;
	s1 =	simm.s32 $0x10;
	[tilespmem:v2+s23+$0x0] =	vst.idx.msk $0xffff, v4;
	v3 =	vmax.f32 v1, v4;
	v2 =	vadd.f32 v4, v5  }
.LBB2_24:
0x1f4: {  	p0 =	sne.s32 s14, $0xE80;
	v4 =	vld [tilespmem:s1+$0xF380]  }
0x1f5: {  	v5 =	vld [tilespmem:s0+$0x12E80];
	s0 =	smov.u32 s1;
	_ =	sdelay $0x4  }
0x1f6: {  	v6 =	vld [tilespmem:s0+$0x12480];
	vm1 =	vgt.f32 v5, $5.000000000e-01  }
0x1f7: {  	v1 =	vsel vm1, v3, v1  }
0x1f8: {  	v4 =	vld.idx.msk [tilespmem:v4+s19+$0x0], $0xffff;
	_ =	sdelay $0x1  }
.Ltmp13:
0x1f9: {  	(pc) =	sbr.rel @p0 .LBB2_24-.Ltmp13, $2  }
0x1fa: {  	_ =	sdelay $0x2  }
0x1fb: {  	s1 =	sshra.s32 s14, $0x2;
	s14 =	sadd.s32 $0x40, s14;
	v3 =	vmax.f32 v1, v4;
	v2 =	vadd.f32 v4, v2;
	[tilespmem:v6+s23+$0x0] =	vst.idx.msk $0xffff, v4  }
0x1fc: {  	v4 =	vld [tilespmem:s1+$0xF380];
	_ =	sdelay $0x4  }
0x1fd: {  	v5 =	vld [tilespmem:s1+$0x12480];
	_ =	sdelay $0x2  }
0x1fe: {  	v6 =	vld.idx.msk [tilespmem:v4+s19+$0x0], $0xffff;
	_ =	sdelay $0x4  }
0x1ff: {  	s31 =	simm.s32 $0xF770;
	v4 =	vld [tilespmem:s0+$0x12E80];
	[tilespmem:v5+s23+$0x0] =	vst.idx.msk $0xffff, v6  }
0x200: {  	v5 =	vld [tilespmem:s31+$0xFFFFFFC0]  }
0x201: {  	v7 =	vld [tilespmem:s31+$0xFFFFFFD0]  }
0x202: {  	v8 =	vld [tilespmem:s31+$0xFFFFFFE0]  }
0x203: {  	v9 =	vld [tilespmem:s31+$0xFFFFFFF0];
	_ =	sdelay $0x3  }
0x204: {  	v10 =	vld [tilespmem:s31+$0x0]  }
0x205: {  	v5 =	vld.idx.msk [tilespmem:v5+s19+$0x0], $0xffff  }
0x206: {  	v7 =	vld.idx.msk [tilespmem:v7+s19+$0x0], $0xffff  }
0x207: {  	v8 =	vld.idx.msk [tilespmem:v8+s19+$0x0], $0xffff  }
0x208: {  	v9 =	vld.idx.msk [tilespmem:v9+s19+$0x0], $0xffff;
	_ =	sdelay $0x1  }
0x209: {  	s0 =	simm.s32 $0x0  }
0x20a: {  	v11 =	vld [tilespmem:s0+$0x12830]  }
0x20b: {  	v10 =	vld.idx.msk [tilespmem:v10+s19+$0x0], $0xffff  }
0x20c: {  	v5 =	vadd.f32 v7, v5;
	v7 =	vadd.f32 v9, v8;
	_ =	sdelay $0x1  }
0x20d: {  	v5 =	vadd.f32 v7, v5  }
0x20e: {  	v7 =	vld [tilespmem:s1+$0x12E80]  }
0x20f: {  	v8 =	vadd.f32 v10, v5;
	_ =	sdelay $0x1  }
0x210: {  	vm1 =	vgt.f32 v4, $5.000000000e-01;
	s1 =	simm.s32 $0xF7C0;
	[tilespmem:v11+s23+$0x0] =	vst.idx.msk $0xffff, v8  }
0x211: {  	v1 =	vsel vm1, v3, v1;
	v4 =	vld [tilespmem:s1+$0xFFFFFFC0]  }
0x212: {  	v2 =	vadd.f32 v6, v2;
	v3 =	vmax.f32 v1, v6;
	vm1 =	vgt.f32 v7, $5.000000000e-01;
	v5 =	vld [tilespmem:s1+$0xFFFFFFD0]  }
0x213: {  	v6 =	vld [tilespmem:s1+$0xFFFFFFE0];
	v1 =	vsel vm1, v3, v1  }
0x214: {  	s14 =	simm.s32 $0x80;
	v2 =	vadd.f32 v8, v2;
	v7 =	vld [tilespmem:s1+$0xFFFFFFF0];
	v3 =	vmax.f32 v1, v8  }
.LBB2_26:
0x215: {  	p0 =	sne.s32 s14, $0xD40;
	v8 =	vld [tilespmem:s0+$0x13230];
	_ =	sdelay $0x2  }
0x216: {  	v9 =	vld [tilespmem:s1+$0x0]  }
0x217: {  	v4 =	vld.idx.msk [tilespmem:v4+s19+$0x0], $0xffff  }
0x218: {  	v5 =	vld.idx.msk [tilespmem:v5+s19+$0x0], $0xffff;
	vm1 =	vgt.f32 v8, $5.000000000e-01  }
0x219: {  	v6 =	vld.idx.msk [tilespmem:v6+s19+$0x0], $0xffff;
	v1 =	vsel vm1, v3, v1  }
0x21a: {  	v3 =	vld.idx.msk [tilespmem:v7+s19+$0x0], $0xffff;
	_ =	sdelay $0x1  }
0x21b: {  	s0 =	sshra.s32 s30, $0x2;
	s30 =	smov.u32 s14  }
0x21c: {  	v7 =	vld [tilespmem:s0+$0x12830]  }
0x21d: {  	v8 =	vld.idx.msk [tilespmem:v9+s19+$0x0], $0xffff;
	_ =	sdelay $0x1  }
0x21e: {  	v4 =	vadd.f32 v5, v4;
	v3 =	vadd.f32 v3, v6;
	_ =	sdelay $0x1  }
0x21f: {  	v3 =	vadd.f32 v3, v4;
	_ =	sdelay $0x1  }
0x220: {  	v4 =	vadd.f32 v8, v3;
	_ =	sdelay $0x1  }
.Ltmp14:
0x221: {  	s1 =	sadd.s32 $0x50, s1;
	v3 =	vmax.f32 v1, v4;
	v2 =	vadd.f32 v4, v2;
	[tilespmem:v7+s23+$0x0] =	vst.idx.msk $0xffff, v4;
	(pc) =	sbr.rel @p0 .LBB2_26-.Ltmp14, $4  }
0x222: {  	v4 =	vld [tilespmem:s1+$0xFFFFFFC0]  }
0x223: {  	v5 =	vld [tilespmem:s1+$0xFFFFFFD0]  }
0x224: {  	v6 =	vld [tilespmem:s1+$0xFFFFFFE0]  }
0x225: {  	s14 =	sadd.s32 $0x40, s14;
	v7 =	vld [tilespmem:s1+$0xFFFFFFF0]  }
0x226: {  	_ =	sdelay $0x3  }
0x227: {  	v8 =	vld [tilespmem:s1+$0x0]  }
0x228: {  	v4 =	vld.idx.msk [tilespmem:v4+s19+$0x0], $0xffff  }
0x229: {  	v5 =	vld.idx.msk [tilespmem:v5+s19+$0x0], $0xffff  }
0x22a: {  	v6 =	vld.idx.msk [tilespmem:v6+s19+$0x0], $0xffff  }
0x22b: {  	v7 =	vld.idx.msk [tilespmem:v7+s19+$0x0], $0xffff;
	_ =	sdelay $0x1  }
0x22c: {  	s1 =	sshra.s32 s30, $0x2  }
0x22d: {  	v9 =	vld [tilespmem:s1+$0x12830]  }
0x22e: {  	v8 =	vld.idx.msk [tilespmem:v8+s19+$0x0], $0xffff  }
0x22f: {  	v4 =	vadd.f32 v5, v4;
	v5 =	vadd.f32 v7, v6;
	_ =	sdelay $0x1  }
0x230: {  	v4 =	vadd.f32 v5, v4;
	_ =	sdelay $0x1  }
0x231: {  	v8 =	vadd.f32 v8, v4;
	_ =	sdelay $0x1  }
0x232: {  	s16 =	simm.s32 $0x108A0;
	v6 =	vld [tilespmem:s0+$0x13230];
	[tilespmem:v9+s23+$0x0] =	vst.idx.msk $0xffff, v8  }
0x233: {  	v4 =	vld [tilespmem:s16+$0xFFFFFFF0]  }
0x234: {  	v5 =	vld [tilespmem:s16+$0x0]  }
0x235: {  	v7 =	vld [tilespmem:s16+$0xFFFFFF70]  }
0x236: {  	v9 =	vld [tilespmem:s16+$0xFFFFFF80]  }
0x237: {  	v10 =	vld [tilespmem:s16+$0xFFFFFF90]  }
0x238: {  	v11 =	vld [tilespmem:s16+$0xFFFFFFA0]  }
0x239: {  	v12 =	vld [tilespmem:s16+$0xFFFFFFB0]  }
0x23a: {  	s14 =	simm.s32 $0x0;
	v13 =	vld [tilespmem:s16+$0xFFFFFFC0]  }
0x23b: {  	s17 =	sand.u32 $0x3FE0, s14;
	v14 =	vld [tilespmem:s16+$0xFFFFFFD0]  }
0x23c: {  	v15 =	vld [tilespmem:s17+$0x10880]  }
0x23d: {  	v7 =	vld.idx.msk [tilespmem:v7+s19+$0x0], $0xffff  }
0x23e: {  	v9 =	vld.idx.msk [tilespmem:v9+s19+$0x0], $0xffff  }
0x23f: {  	v10 =	vld.idx.msk [tilespmem:v10+s19+$0x0], $0xffff  }
0x240: {  	v11 =	vld.idx.msk [tilespmem:v11+s19+$0x0], $0xffff  }
0x241: {  	v12 =	vld.idx.msk [tilespmem:v12+s19+$0x0], $0xffff  }
0x242: {  	v13 =	vld.idx.msk [tilespmem:v13+s19+$0x0], $0xffff  }
0x243: {  	v14 =	vld.idx.msk [tilespmem:v14+s19+$0x0], $0xffff  }
0x244: {  	v15 =	vld.idx.msk [tilespmem:v15+s19+$0x0], $0xffff;
	_ =	sdelay $0x2  }
0x245: {  	v4 =	vld.idx.msk [tilespmem:v4+s19+$0x0], $0xffff  }
0x246: {  	s31 =	simm.s32 $0x12B90;
	v5 =	vld.idx.msk [tilespmem:v5+s19+$0x0], $0xffff;
	v7 =	vadd.f32 v9, v7;
	v9 =	vadd.f32 v11, v10  }
0x247: {  	v10 =	vadd.f32 v13, v12;
	v11 =	vadd.f32 v15, v14;
	v12 =	vld [tilespmem:s31+$0x0];
	_ =	sdelay $0x1  }
0x248: {  	v7 =	vadd.f32 v9, v7;
	v9 =	vadd.f32 v11, v10;
	_ =	sdelay $0x1  }
0x249: {  	v4 =	vadd.f32 v5, v4;
	v5 =	vadd.f32 v9, v7;
	_ =	sdelay $0x1  }
0x24a: {  	v10 =	vadd.f32 v4, v5;
	_ =	sdelay $0x1  }
0x24b: {  	s14 =	simm.s32 $0x10940;
	v9 =	vld [tilespmem:s1+$0x13230];
	[tilespmem:v12+s23+$0x0] =	vst.idx.msk $0xffff, v10  }
0x24c: {  	v4 =	vld [tilespmem:s14+$0xFFFFFFF0]  }
0x24d: {  	v5 =	vld [tilespmem:s14+$0x0]  }
0x24e: {  	v7 =	vld [tilespmem:s14+$0xFFFFFF70]  }
0x24f: {  	v11 =	vld [tilespmem:s14+$0xFFFFFF80]  }
0x250: {  	v12 =	vld [tilespmem:s14+$0xFFFFFF90]  }
0x251: {  	v13 =	vld [tilespmem:s14+$0xFFFFFFA0]  }
0x252: {  	v14 =	vld [tilespmem:s14+$0xFFFFFFB0]  }
0x253: {  	s16 =	simm.s32 $0xA0;
	v15 =	vld [tilespmem:s14+$0xFFFFFFC0]  }
0x254: {  	s17 =	sand.u32 $0x3FE0, s16;
	v16 =	vld [tilespmem:s14+$0xFFFFFFD0]  }
0x255: {  	v17 =	vld [tilespmem:s17+$0x10880]  }
0x256: {  	v7 =	vld.idx.msk [tilespmem:v7+s19+$0x0], $0xffff  }
0x257: {  	v11 =	vld.idx.msk [tilespmem:v11+s19+$0x0], $0xffff  }
0x258: {  	v12 =	vld.idx.msk [tilespmem:v12+s19+$0x0], $0xffff  }
0x259: {  	v13 =	vld.idx.msk [tilespmem:v13+s19+$0x0], $0xffff  }
0x25a: {  	v14 =	vld.idx.msk [tilespmem:v14+s19+$0x0], $0xffff  }
0x25b: {  	v15 =	vld.idx.msk [tilespmem:v15+s19+$0x0], $0xffff  }
0x25c: {  	v16 =	vld.idx.msk [tilespmem:v16+s19+$0x0], $0xffff  }
0x25d: {  	v17 =	vld.idx.msk [tilespmem:v17+s19+$0x0], $0xffff;
	_ =	sdelay $0x2  }
0x25e: {  	v4 =	vld.idx.msk [tilespmem:v4+s19+$0x0], $0xffff  }
0x25f: {  	s0 =	simm.s32 $0x12BA0;
	v5 =	vld.idx.msk [tilespmem:v5+s19+$0x0], $0xffff;
	v7 =	vadd.f32 v11, v7;
	v11 =	vadd.f32 v13, v12  }
0x260: {  	v12 =	vadd.f32 v15, v14;
	v13 =	vadd.f32 v17, v16;
	v14 =	vld [tilespmem:s0+$0x0];
	_ =	sdelay $0x1  }
0x261: {  	v7 =	vadd.f32 v11, v7;
	v11 =	vadd.f32 v13, v12;
	_ =	sdelay $0x1  }
0x262: {  	v4 =	vadd.f32 v5, v4;
	v5 =	vadd.f32 v11, v7;
	_ =	sdelay $0x1  }
0x263: {  	v12 =	vadd.f32 v4, v5  }
0x264: {  	s30 =	simm.s32 $0x13590  }
0x265: {  	s1 =	simm.s32 $0x109E0;
	v11 =	vld [tilespmem:s30+$0x0];
	[tilespmem:v14+s23+$0x0] =	vst.idx.msk $0xffff, v12  }
0x266: {  	v4 =	vld [tilespmem:s1+$0xFFFFFFF0]  }
0x267: {  	v5 =	vld [tilespmem:s1+$0x0]  }
0x268: {  	vm1 =	vgt.f32 v6, $5.000000000e-01;
	v6 =	vld [tilespmem:s1+$0xFFFFFF70]  }
0x269: {  	v1 =	vsel vm1, v3, v1;
	v7 =	vld [tilespmem:s1+$0xFFFFFF80]  }
0x26a: {  	v2 =	vadd.f32 v8, v2;
	v3 =	vmax.f32 v1, v8;
	vm1 =	vgt.f32 v9, $5.000000000e-01;
	v8 =	vld [tilespmem:s1+$0xFFFFFF90]  }
0x26b: {  	v1 =	vsel vm1, v3, v1;
	v9 =	vld [tilespmem:s1+$0xFFFFFFA0]  }
0x26c: {  	v2 =	vadd.f32 v10, v2;
	v3 =	vmax.f32 v1, v10;
	vm1 =	vgt.f32 v11, $5.000000000e-01;
	v10 =	vld [tilespmem:s1+$0xFFFFFFB0]  }
0x26d: {  	s31 =	simm.s32 $0x140;
	v11 =	vld [tilespmem:s1+$0xFFFFFFC0];
	v1 =	vsel vm1, v3, v1  }
0x26e: {  	s16 =	sand.u32 $0x3FE0, s31;
	s14 =	simm.s32 $0x1E0;
	v2 =	vadd.f32 v12, v2;
	v3 =	vmax.f32 v1, v12;
	v12 =	vld [tilespmem:s1+$0xFFFFFFD0]  }
.LBB2_28:
0x26f: {  	p0 =	sne.s32 s14, $0x1B80;
	v13 =	vld [tilespmem:s16+$0x10880]  }
0x270: {  	v6 =	vld.idx.msk [tilespmem:v6+s19+$0x0], $0xffff  }
0x271: {  	v7 =	vld.idx.msk [tilespmem:v7+s19+$0x0], $0xffff  }
0x272: {  	v8 =	vld.idx.msk [tilespmem:v8+s19+$0x0], $0xffff  }
0x273: {  	v9 =	vld.idx.msk [tilespmem:v9+s19+$0x0], $0xffff  }
0x274: {  	v10 =	vld.idx.msk [tilespmem:v10+s19+$0x0], $0xffff  }
0x275: {  	v11 =	vld.idx.msk [tilespmem:v11+s19+$0x0], $0xffff  }
0x276: {  	v12 =	vld.idx.msk [tilespmem:v12+s19+$0x0], $0xffff  }
0x277: {  	s30 =	sadd.s32 $0x10, s30;
	v13 =	vld.idx.msk [tilespmem:v13+s19+$0x0], $0xffff  }
0x278: {  	v14 =	vld [tilespmem:s30+$0x0];
	_ =	sdelay $0x1  }
0x279: {  	v4 =	vld.idx.msk [tilespmem:v4+s19+$0x0], $0xffff  }
0x27a: {  	v5 =	vld.idx.msk [tilespmem:v5+s19+$0x0], $0xffff  }
0x27b: {  	s0 =	sadd.s32 $0x10, s0;
	v6 =	vadd.f32 v7, v6;
	v7 =	vadd.f32 v9, v8  }
0x27c: {  	v8 =	vadd.f32 v11, v10;
	v9 =	vadd.f32 v13, v12;
	v10 =	vld [tilespmem:s0+$0x0];
	vm1 =	vgt.f32 v14, $5.000000000e-01  }
0x27d: {  	v1 =	vsel vm1, v3, v1  }
0x27e: {  	v3 =	vadd.f32 v7, v6;
	v6 =	vadd.f32 v9, v8;
	_ =	sdelay $0x1  }
0x27f: {  	v4 =	vadd.f32 v5, v4;
	v3 =	vadd.f32 v6, v3;
	_ =	sdelay $0x1  }
0x280: {  	v4 =	vadd.f32 v4, v3;
	_ =	sdelay $0x1  }
0x281: {  	s1 =	sadd.s32 $0xA0, s1;
	v3 =	vmax.f32 v1, v4;
	v2 =	vadd.f32 v4, v2;
	[tilespmem:v10+s23+$0x0] =	vst.idx.msk $0xffff, v4  }
0x282: {  	v4 =	vld [tilespmem:s1+$0xFFFFFFF0]  }
0x283: {  	v5 =	vld [tilespmem:s1+$0x0]  }
0x284: {  	v6 =	vld [tilespmem:s1+$0xFFFFFF70]  }
0x285: {  	v7 =	vld [tilespmem:s1+$0xFFFFFF80]  }
.Ltmp15:
0x286: {  	v8 =	vld [tilespmem:s1+$0xFFFFFF90];
	(pc) =	sbr.rel @p0 .LBB2_28-.Ltmp15, $4  }
0x287: {  	v9 =	vld [tilespmem:s1+$0xFFFFFFA0]  }
0x288: {  	v10 =	vld [tilespmem:s1+$0xFFFFFFB0]  }
0x289: {  	v11 =	vld [tilespmem:s1+$0xFFFFFFC0]  }
0x28a: {  	s16 =	sand.u32 $0x3FE0, s14;
	s14 =	sadd.s32 $0xA0, s14;
	v12 =	vld [tilespmem:s1+$0xFFFFFFD0]  }
0x28b: {  	_ =	sdelay $0x2  }
0x28c: {  	v13 =	vld [tilespmem:s16+$0x10880]  }
0x28d: {  	v6 =	vld.idx.msk [tilespmem:v6+s19+$0x0], $0xffff  }
0x28e: {  	v7 =	vld.idx.msk [tilespmem:v7+s19+$0x0], $0xffff  }
0x28f: {  	v8 =	vld.idx.msk [tilespmem:v8+s19+$0x0], $0xffff  }
0x290: {  	v9 =	vld.idx.msk [tilespmem:v9+s19+$0x0], $0xffff  }
0x291: {  	v10 =	vld.idx.msk [tilespmem:v10+s19+$0x0], $0xffff  }
0x292: {  	v11 =	vld.idx.msk [tilespmem:v11+s19+$0x0], $0xffff  }
0x293: {  	v12 =	vld.idx.msk [tilespmem:v12+s19+$0x0], $0xffff  }
0x294: {  	v13 =	vld.idx.msk [tilespmem:v13+s19+$0x0], $0xffff;
	_ =	sdelay $0x2  }
0x295: {  	v4 =	vld.idx.msk [tilespmem:v4+s19+$0x0], $0xffff  }
0x296: {  	v5 =	vld.idx.msk [tilespmem:v5+s19+$0x0], $0xffff;
	v6 =	vadd.f32 v7, v6;
	v56 =	vadd.f32 v9, v8  }
0x297: {  	s0 =	sadd.s32 $0x10, s0;
	v57 =	vadd.f32 v11, v10;
	v58 =	vadd.f32 v13, v12  }
0x298: {  	v59 =	vld [tilespmem:s0+$0x0]  }
0x299: {  	v6 =	vadd.f32 v56, v6;
	v60 =	vadd.f32 v58, v57;
	_ =	sdelay $0x1  }
0x29a: {  	v4 =	vadd.f32 v5, v4;
	v61 =	vadd.f32 v60, v6;
	_ =	sdelay $0x1  }
0x29b: {  	v4 =	vadd.f32 v4, v61  }
0x29c: {  	s30 =	sadd.s32 $0x10, s30  }
0x29d: {  	v62 =	vld [tilespmem:s30+$0x0];
	v2 =	vadd.f32 v4, v2  }
0x29e: {  	s0 =	sadd.s32 $0x10, s30;
	[tilespmem:v59+s23+$0x0] =	vst.idx.msk $0xffff, v4  }
0x29f: {  	v63 =	vld [tilespmem:s0+$0x0];
	(xrf2) =	vadd.scan.msk.f32 $0xffff, v2;
	_ =	sdelay $0x2  }
0x2a0: {  	vm1 =	vgt.f32 v62, $5.000000000e-01  }
0x2a1: {  	v1 =	vsel vm1, v3, v1  }
0x2a2: {  	v2 =	vmax.f32 v1, v4;
	vm1 =	vgt.f32 v63, $5.000000000e-01  }
0x2a3: {  	v1 =	vsel vm1, v2, v1  }
0x2a4: {  	(xrf0) =	vmax.scan.msk.f32 $0xffff, v1;
	_ =	sdelay $0x2  }
0x2a5: {  	v1, _, _ =	vpop (xrf2)  }
0x2a6: {  	(v2sf) =	vpush v1, $0xF;
	_ =	sdelay $0x1  }
0x2a7: {  	v1, _, _ =	vpop (xrf0)  }
0x2a8: {  	(v2sf) =	vpush v1, $0xF;
	_ =	sdelay $0xb  }
0x2a9: {  	s31 =	spop (v2sf)  }
0x2aa: {  	s0 =	smax.f32 s31, $9.999999930e-09  }
0x2ab: {  	s0 =	smul.f32 $9.999999930e-09, s0  }
0x2ac: {  	s1 =	spop (v2sf)  }
0x2ad: {  	s0 =	sadd.f32 s0, s1;
	_ =	sdelay $0x1  }
0x2ae: {  	v1 =	vmov s0  }
0x2af: {  	(erf) = vrcp.f32 v1;
	_ =	sdelay $0x6  }
0x2b0: {  	s0 =	simm.s32 $0x0  }
0x2b1: {  	v2 =	vld [tilespmem:s0+$0xC204]  }
0x2b2: {  	s1 =	simm.s32 $0x40;
	v1 =	vpop (erf)  }
.LBB2_30:
0x2b3: {  	p0 =	sne.s32 s1, $0x26C0  }
.Ltmp16:
0x2b4: {  	_ = 	snop;
	(pc) =	sbr.rel @p0 .LBB2_30-.Ltmp16, $4  }
0x2b5: {  	_ = 	snop  }
0x2b6: {  	s14 =	sshra.s32 s1, $0x2;
	s1 =	sadd.s32 $0x40, s1;
	v3 =	vmul.f32 v2, v1  }
0x2b7: {  	v2 =	vld [tilespmem:s14+$0xC204]  }
0x2b8: {  	[tilespmem:s0+$0xDF88] =	vst v3;
	s0 =	smov.u32 s14  }
0x2b9: {  	_ =	sdelay $0x2  }
0x2ba: {  	v2 =	vmul.f32 v2, v1;
	_ =	sdelay $0x1  }
0x2bb: {  	[tilespmem:s0+$0xDF88] =	vst v2  }
0x2bc: {  	v2 =	vld [tilespmem:$0xCBC4];
	_ =	sdelay $0x4  }
0x2bd: {  	v1 =	vmul.f32 v2, v1  }
0x2be: {  	s31 =	sadd.s32 $0x182F058, s28  }
0x2bf: {  	s0 =	sshrl.u32 s31, $0x3;
	v1 =	vnsel vm0, $0x0, v1  }
0x2c0: {  	s1 =	simm.s32 $0x0;
	s0 =	sadd.s32 s4, s0;
	[tilespmem:$0xE948] =	vst v1  }
0x2c1: {  	[tilespmem:s19], [sflag:$0x1] =	stream.linear.gather [hbm4b:s0+s1], $0x3058, $0x38;
	[tilespmem:$0x13880] =	vst v63  }
0x2c2: {  	_ =	swait.ge [sflag:s22], $0x3058  }
0x2c3: {  	[sflag:s22] =	ssyncset.done $0x0  }
0x2c4: {  	s0 =	simm.s32 $0x0;
	[sflag:s22] =	ssyncadd.s32 $0xFFFFCFA8  }
0x2c5: {  	v1 =	vld [tilespmem:s0+$0xF380];
	_ =	sdelay $0x4  }
0x2c6: {  	v2 =	vld [tilespmem:s0+$0x12480];
	_ =	sdelay $0x2  }
0x2c7: {  	v4 =	vld.idx.msk [tilespmem:v1+s21+$0x0], $0xffff;
	_ =	sdelay $0x3  }
0x2c8: {  	v5 =	vimm.f32 $0.0e+00;
	v1 =	vimm.f32 $-Inf  }
0x2c9: {  	s28 =	simm.s32 $0x40;
	s14 =	simm.s32 $0x80;
	s1 =	simm.s32 $0x10;
	[tilespmem:v2+s23+$0x0] =	vst.idx.msk $0xffff, v4;
	v3 =	vmax.f32 v1, v4;
	v2 =	vadd.f32 v4, v5  }
.LBB2_32:
0x2ca: {  	p0 =	sne.s32 s14, $0xE80;
	v4 =	vld [tilespmem:s1+$0xF380]  }
0x2cb: {  	v5 =	vld [tilespmem:s0+$0x12E80];
	s0 =	smov.u32 s1;
	_ =	sdelay $0x4  }
0x2cc: {  	v6 =	vld [tilespmem:s0+$0x12480];
	vm1 =	vgt.f32 v5, $5.000000000e-01  }
0x2cd: {  	v1 =	vsel vm1, v3, v1  }
0x2ce: {  	v4 =	vld.idx.msk [tilespmem:v4+s21+$0x0], $0xffff;
	_ =	sdelay $0x1  }
.Ltmp17:
0x2cf: {  	(pc) =	sbr.rel @p0 .LBB2_32-.Ltmp17, $2  }
0x2d0: {  	_ =	sdelay $0x2  }
0x2d1: {  	s1 =	sshra.s32 s14, $0x2;
	s14 =	sadd.s32 $0x40, s14;
	v3 =	vmax.f32 v1, v4;
	v2 =	vadd.f32 v4, v2;
	[tilespmem:v6+s23+$0x0] =	vst.idx.msk $0xffff, v4  }
0x2d2: {  	v4 =	vld [tilespmem:s1+$0xF380];
	_ =	sdelay $0x4  }
0x2d3: {  	v5 =	vld [tilespmem:s1+$0x12480];
	_ =	sdelay $0x2  }
0x2d4: {  	v6 =	vld.idx.msk [tilespmem:v4+s21+$0x0], $0xffff;
	_ =	sdelay $0x4  }
0x2d5: {  	s31 =	simm.s32 $0xF770;
	v4 =	vld [tilespmem:s0+$0x12E80];
	[tilespmem:v5+s23+$0x0] =	vst.idx.msk $0xffff, v6  }
0x2d6: {  	v5 =	vld [tilespmem:s31+$0xFFFFFFC0]  }
0x2d7: {  	v7 =	vld [tilespmem:s31+$0xFFFFFFD0]  }
0x2d8: {  	v8 =	vld [tilespmem:s31+$0xFFFFFFE0]  }
0x2d9: {  	v9 =	vld [tilespmem:s31+$0xFFFFFFF0];
	_ =	sdelay $0x3  }
0x2da: {  	v10 =	vld [tilespmem:s31+$0x0]  }
0x2db: {  	v5 =	vld.idx.msk [tilespmem:v5+s21+$0x0], $0xffff  }
0x2dc: {  	v7 =	vld.idx.msk [tilespmem:v7+s21+$0x0], $0xffff  }
0x2dd: {  	v8 =	vld.idx.msk [tilespmem:v8+s21+$0x0], $0xffff  }
0x2de: {  	v9 =	vld.idx.msk [tilespmem:v9+s21+$0x0], $0xffff;
	_ =	sdelay $0x1  }
0x2df: {  	s0 =	simm.s32 $0x0  }
0x2e0: {  	v11 =	vld [tilespmem:s0+$0x12830]  }
0x2e1: {  	v10 =	vld.idx.msk [tilespmem:v10+s21+$0x0], $0xffff  }
0x2e2: {  	v5 =	vadd.f32 v7, v5;
	v7 =	vadd.f32 v9, v8;
	_ =	sdelay $0x1  }
0x2e3: {  	v5 =	vadd.f32 v7, v5  }
0x2e4: {  	v7 =	vld [tilespmem:s1+$0x12E80]  }
0x2e5: {  	v8 =	vadd.f32 v10, v5;
	_ =	sdelay $0x1  }
0x2e6: {  	vm1 =	vgt.f32 v4, $5.000000000e-01;
	s1 =	simm.s32 $0xF7C0;
	[tilespmem:v11+s23+$0x0] =	vst.idx.msk $0xffff, v8  }
0x2e7: {  	v1 =	vsel vm1, v3, v1;
	v4 =	vld [tilespmem:s1+$0xFFFFFFC0]  }
0x2e8: {  	v2 =	vadd.f32 v6, v2;
	v3 =	vmax.f32 v1, v6;
	vm1 =	vgt.f32 v7, $5.000000000e-01;
	v5 =	vld [tilespmem:s1+$0xFFFFFFD0]  }
0x2e9: {  	v6 =	vld [tilespmem:s1+$0xFFFFFFE0];
	v1 =	vsel vm1, v3, v1  }
0x2ea: {  	s14 =	simm.s32 $0x80;
	v2 =	vadd.f32 v8, v2;
	v7 =	vld [tilespmem:s1+$0xFFFFFFF0];
	v3 =	vmax.f32 v1, v8  }
.LBB2_34:
0x2eb: {  	p0 =	sne.s32 s14, $0xD40;
	v8 =	vld [tilespmem:s0+$0x13230];
	_ =	sdelay $0x2  }
0x2ec: {  	v9 =	vld [tilespmem:s1+$0x0]  }
0x2ed: {  	v4 =	vld.idx.msk [tilespmem:v4+s21+$0x0], $0xffff  }
0x2ee: {  	v5 =	vld.idx.msk [tilespmem:v5+s21+$0x0], $0xffff;
	vm1 =	vgt.f32 v8, $5.000000000e-01  }
0x2ef: {  	v6 =	vld.idx.msk [tilespmem:v6+s21+$0x0], $0xffff;
	v1 =	vsel vm1, v3, v1  }
0x2f0: {  	v3 =	vld.idx.msk [tilespmem:v7+s21+$0x0], $0xffff;
	_ =	sdelay $0x1  }
0x2f1: {  	s0 =	sshra.s32 s28, $0x2;
	s28 =	smov.u32 s14  }
0x2f2: {  	v7 =	vld [tilespmem:s0+$0x12830]  }
0x2f3: {  	v8 =	vld.idx.msk [tilespmem:v9+s21+$0x0], $0xffff;
	_ =	sdelay $0x1  }
0x2f4: {  	v4 =	vadd.f32 v5, v4;
	v3 =	vadd.f32 v3, v6;
	_ =	sdelay $0x1  }
0x2f5: {  	v3 =	vadd.f32 v3, v4;
	_ =	sdelay $0x1  }
0x2f6: {  	v4 =	vadd.f32 v8, v3;
	_ =	sdelay $0x1  }
.Ltmp18:
0x2f7: {  	s1 =	sadd.s32 $0x50, s1;
	v3 =	vmax.f32 v1, v4;
	v2 =	vadd.f32 v4, v2;
	[tilespmem:v7+s23+$0x0] =	vst.idx.msk $0xffff, v4;
	(pc) =	sbr.rel @p0 .LBB2_34-.Ltmp18, $4  }
0x2f8: {  	v4 =	vld [tilespmem:s1+$0xFFFFFFC0]  }
0x2f9: {  	v5 =	vld [tilespmem:s1+$0xFFFFFFD0]  }
0x2fa: {  	v6 =	vld [tilespmem:s1+$0xFFFFFFE0]  }
0x2fb: {  	s14 =	sadd.s32 $0x40, s14;
	v7 =	vld [tilespmem:s1+$0xFFFFFFF0]  }
0x2fc: {  	_ =	sdelay $0x3  }
0x2fd: {  	v8 =	vld [tilespmem:s1+$0x0]  }
0x2fe: {  	v4 =	vld.idx.msk [tilespmem:v4+s21+$0x0], $0xffff  }
0x2ff: {  	v5 =	vld.idx.msk [tilespmem:v5+s21+$0x0], $0xffff  }
0x300: {  	v6 =	vld.idx.msk [tilespmem:v6+s21+$0x0], $0xffff  }
0x301: {  	v7 =	vld.idx.msk [tilespmem:v7+s21+$0x0], $0xffff;
	_ =	sdelay $0x1  }
0x302: {  	s17 =	sshra.s32 s28, $0x2  }
0x303: {  	v9 =	vld [tilespmem:s17+$0x12830]  }
0x304: {  	v8 =	vld.idx.msk [tilespmem:v8+s21+$0x0], $0xffff  }
0x305: {  	v4 =	vadd.f32 v5, v4;
	v5 =	vadd.f32 v7, v6;
	_ =	sdelay $0x1  }
0x306: {  	v4 =	vadd.f32 v5, v4;
	_ =	sdelay $0x1  }
0x307: {  	v8 =	vadd.f32 v8, v4;
	_ =	sdelay $0x1  }
0x308: {  	s30 =	simm.s32 $0x108A0;
	v6 =	vld [tilespmem:s0+$0x13230];
	[tilespmem:v9+s23+$0x0] =	vst.idx.msk $0xffff, v8  }
0x309: {  	v4 =	vld [tilespmem:s30+$0xFFFFFFF0]  }
0x30a: {  	v5 =	vld [tilespmem:s30+$0x0]  }
0x30b: {  	v7 =	vld [tilespmem:s30+$0xFFFFFF70]  }
0x30c: {  	v9 =	vld [tilespmem:s30+$0xFFFFFF80]  }
0x30d: {  	v10 =	vld [tilespmem:s30+$0xFFFFFF90]  }
0x30e: {  	v11 =	vld [tilespmem:s30+$0xFFFFFFA0]  }
0x30f: {  	v12 =	vld [tilespmem:s30+$0xFFFFFFB0]  }
0x310: {  	s14 =	simm.s32 $0x0;
	v13 =	vld [tilespmem:s30+$0xFFFFFFC0]  }
0x311: {  	s31 =	sand.u32 $0x3FE0, s14;
	v14 =	vld [tilespmem:s30+$0xFFFFFFD0]  }
0x312: {  	v15 =	vld [tilespmem:s31+$0x10880]  }
0x313: {  	v7 =	vld.idx.msk [tilespmem:v7+s21+$0x0], $0xffff  }
0x314: {  	v9 =	vld.idx.msk [tilespmem:v9+s21+$0x0], $0xffff  }
0x315: {  	v10 =	vld.idx.msk [tilespmem:v10+s21+$0x0], $0xffff  }
0x316: {  	v11 =	vld.idx.msk [tilespmem:v11+s21+$0x0], $0xffff  }
0x317: {  	v12 =	vld.idx.msk [tilespmem:v12+s21+$0x0], $0xffff  }
0x318: {  	v13 =	vld.idx.msk [tilespmem:v13+s21+$0x0], $0xffff  }
0x319: {  	v14 =	vld.idx.msk [tilespmem:v14+s21+$0x0], $0xffff  }
0x31a: {  	v15 =	vld.idx.msk [tilespmem:v15+s21+$0x0], $0xffff;
	_ =	sdelay $0x2  }
0x31b: {  	v4 =	vld.idx.msk [tilespmem:v4+s21+$0x0], $0xffff  }
0x31c: {  	s14 =	simm.s32 $0x12B90;
	v5 =	vld.idx.msk [tilespmem:v5+s21+$0x0], $0xffff;
	v7 =	vadd.f32 v9, v7;
	v9 =	vadd.f32 v11, v10  }
0x31d: {  	v10 =	vadd.f32 v13, v12;
	v11 =	vadd.f32 v15, v14;
	v12 =	vld [tilespmem:s14+$0x0];
	_ =	sdelay $0x1  }
0x31e: {  	v7 =	vadd.f32 v9, v7;
	v9 =	vadd.f32 v11, v10;
	_ =	sdelay $0x1  }
0x31f: {  	v4 =	vadd.f32 v5, v4;
	v5 =	vadd.f32 v9, v7;
	_ =	sdelay $0x1  }
0x320: {  	v10 =	vadd.f32 v4, v5;
	_ =	sdelay $0x1  }
0x321: {  	s16 =	simm.s32 $0x10940;
	v9 =	vld [tilespmem:s17+$0x13230];
	[tilespmem:v12+s23+$0x0] =	vst.idx.msk $0xffff, v10  }
0x322: {  	v4 =	vld [tilespmem:s16+$0xFFFFFFF0]  }
0x323: {  	v5 =	vld [tilespmem:s16+$0x0]  }
0x324: {  	v7 =	vld [tilespmem:s16+$0xFFFFFF70]  }
0x325: {  	v11 =	vld [tilespmem:s16+$0xFFFFFF80]  }
0x326: {  	v12 =	vld [tilespmem:s16+$0xFFFFFF90]  }
0x327: {  	v13 =	vld [tilespmem:s16+$0xFFFFFFA0]  }
0x328: {  	v14 =	vld [tilespmem:s16+$0xFFFFFFB0]  }
0x329: {  	s17 =	simm.s32 $0xA0;
	v15 =	vld [tilespmem:s16+$0xFFFFFFC0]  }
0x32a: {  	s30 =	sand.u32 $0x3FE0, s17;
	v16 =	vld [tilespmem:s16+$0xFFFFFFD0]  }
0x32b: {  	v17 =	vld [tilespmem:s30+$0x10880]  }
0x32c: {  	v7 =	vld.idx.msk [tilespmem:v7+s21+$0x0], $0xffff  }
0x32d: {  	v11 =	vld.idx.msk [tilespmem:v11+s21+$0x0], $0xffff  }
0x32e: {  	v12 =	vld.idx.msk [tilespmem:v12+s21+$0x0], $0xffff  }
0x32f: {  	v13 =	vld.idx.msk [tilespmem:v13+s21+$0x0], $0xffff  }
0x330: {  	v14 =	vld.idx.msk [tilespmem:v14+s21+$0x0], $0xffff  }
0x331: {  	v15 =	vld.idx.msk [tilespmem:v15+s21+$0x0], $0xffff  }
0x332: {  	v16 =	vld.idx.msk [tilespmem:v16+s21+$0x0], $0xffff  }
0x333: {  	v17 =	vld.idx.msk [tilespmem:v17+s21+$0x0], $0xffff;
	_ =	sdelay $0x2  }
0x334: {  	v4 =	vld.idx.msk [tilespmem:v4+s21+$0x0], $0xffff  }
0x335: {  	s0 =	simm.s32 $0x12BA0;
	v5 =	vld.idx.msk [tilespmem:v5+s21+$0x0], $0xffff;
	v7 =	vadd.f32 v11, v7;
	v11 =	vadd.f32 v13, v12  }
0x336: {  	v12 =	vadd.f32 v15, v14;
	v13 =	vadd.f32 v17, v16;
	v14 =	vld [tilespmem:s0+$0x0];
	_ =	sdelay $0x1  }
0x337: {  	v7 =	vadd.f32 v11, v7;
	v11 =	vadd.f32 v13, v12;
	_ =	sdelay $0x1  }
0x338: {  	v4 =	vadd.f32 v5, v4;
	v5 =	vadd.f32 v11, v7;
	_ =	sdelay $0x1  }
0x339: {  	v12 =	vadd.f32 v4, v5  }
0x33a: {  	s28 =	simm.s32 $0x13590  }
0x33b: {  	s1 =	simm.s32 $0x109E0;
	v11 =	vld [tilespmem:s28+$0x0];
	[tilespmem:v14+s23+$0x0] =	vst.idx.msk $0xffff, v12  }
0x33c: {  	v4 =	vld [tilespmem:s1+$0xFFFFFFF0]  }
0x33d: {  	v5 =	vld [tilespmem:s1+$0x0]  }
0x33e: {  	vm1 =	vgt.f32 v6, $5.000000000e-01;
	v6 =	vld [tilespmem:s1+$0xFFFFFF70]  }
0x33f: {  	v1 =	vsel vm1, v3, v1;
	v7 =	vld [tilespmem:s1+$0xFFFFFF80]  }
0x340: {  	v2 =	vadd.f32 v8, v2;
	v3 =	vmax.f32 v1, v8;
	vm1 =	vgt.f32 v9, $5.000000000e-01;
	v8 =	vld [tilespmem:s1+$0xFFFFFF90]  }
0x341: {  	v1 =	vsel vm1, v3, v1;
	v9 =	vld [tilespmem:s1+$0xFFFFFFA0]  }
0x342: {  	v2 =	vadd.f32 v10, v2;
	v3 =	vmax.f32 v1, v10;
	vm1 =	vgt.f32 v11, $5.000000000e-01;
	v10 =	vld [tilespmem:s1+$0xFFFFFFB0]  }
0x343: {  	s31 =	simm.s32 $0x140;
	v11 =	vld [tilespmem:s1+$0xFFFFFFC0];
	v1 =	vsel vm1, v3, v1  }
0x344: {  	s14 =	simm.s32 $0x1E0;
	s16 =	sand.u32 $0x3FE0, s31;
	v2 =	vadd.f32 v12, v2;
	v3 =	vmax.f32 v1, v12;
	v12 =	vld [tilespmem:s1+$0xFFFFFFD0]  }
.LBB2_36:
0x345: {  	p0 =	sne.s32 s14, $0x1B80;
	v13 =	vld [tilespmem:s16+$0x10880]  }
0x346: {  	v6 =	vld.idx.msk [tilespmem:v6+s21+$0x0], $0xffff  }
0x347: {  	v7 =	vld.idx.msk [tilespmem:v7+s21+$0x0], $0xffff  }
0x348: {  	v8 =	vld.idx.msk [tilespmem:v8+s21+$0x0], $0xffff  }
0x349: {  	v9 =	vld.idx.msk [tilespmem:v9+s21+$0x0], $0xffff  }
0x34a: {  	v10 =	vld.idx.msk [tilespmem:v10+s21+$0x0], $0xffff  }
0x34b: {  	v11 =	vld.idx.msk [tilespmem:v11+s21+$0x0], $0xffff  }
0x34c: {  	v12 =	vld.idx.msk [tilespmem:v12+s21+$0x0], $0xffff  }
0x34d: {  	s28 =	sadd.s32 $0x10, s28;
	v13 =	vld.idx.msk [tilespmem:v13+s21+$0x0], $0xffff  }
0x34e: {  	v14 =	vld [tilespmem:s28+$0x0];
	_ =	sdelay $0x1  }
0x34f: {  	v4 =	vld.idx.msk [tilespmem:v4+s21+$0x0], $0xffff  }
0x350: {  	v5 =	vld.idx.msk [tilespmem:v5+s21+$0x0], $0xffff  }
0x351: {  	s0 =	sadd.s32 $0x10, s0;
	v6 =	vadd.f32 v7, v6;
	v7 =	vadd.f32 v9, v8  }
0x352: {  	v8 =	vadd.f32 v11, v10;
	v9 =	vadd.f32 v13, v12;
	v10 =	vld [tilespmem:s0+$0x0];
	vm1 =	vgt.f32 v14, $5.000000000e-01  }
0x353: {  	v1 =	vsel vm1, v3, v1  }
0x354: {  	v3 =	vadd.f32 v7, v6;
	v6 =	vadd.f32 v9, v8;
	_ =	sdelay $0x1  }
0x355: {  	v4 =	vadd.f32 v5, v4;
	v3 =	vadd.f32 v6, v3;
	_ =	sdelay $0x1  }
0x356: {  	v4 =	vadd.f32 v4, v3;
	_ =	sdelay $0x1  }
0x357: {  	s1 =	sadd.s32 $0xA0, s1;
	v3 =	vmax.f32 v1, v4;
	v2 =	vadd.f32 v4, v2;
	[tilespmem:v10+s23+$0x0] =	vst.idx.msk $0xffff, v4  }
0x358: {  	v4 =	vld [tilespmem:s1+$0xFFFFFFF0]  }
0x359: {  	v5 =	vld [tilespmem:s1+$0x0]  }
0x35a: {  	v6 =	vld [tilespmem:s1+$0xFFFFFF70]  }
0x35b: {  	v7 =	vld [tilespmem:s1+$0xFFFFFF80]  }
.Ltmp19:
0x35c: {  	v8 =	vld [tilespmem:s1+$0xFFFFFF90];
	(pc) =	sbr.rel @p0 .LBB2_36-.Ltmp19, $4  }
0x35d: {  	v9 =	vld [tilespmem:s1+$0xFFFFFFA0]  }
0x35e: {  	v10 =	vld [tilespmem:s1+$0xFFFFFFB0]  }
0x35f: {  	v11 =	vld [tilespmem:s1+$0xFFFFFFC0]  }
0x360: {  	s16 =	sand.u32 $0x3FE0, s14;
	s14 =	sadd.s32 $0xA0, s14;
	v12 =	vld [tilespmem:s1+$0xFFFFFFD0]  }
0x361: {  	_ =	sdelay $0x2  }
0x362: {  	v13 =	vld [tilespmem:s16+$0x10880]  }
0x363: {  	v6 =	vld.idx.msk [tilespmem:v6+s21+$0x0], $0xffff  }
0x364: {  	v7 =	vld.idx.msk [tilespmem:v7+s21+$0x0], $0xffff  }
0x365: {  	v8 =	vld.idx.msk [tilespmem:v8+s21+$0x0], $0xffff  }
0x366: {  	v9 =	vld.idx.msk [tilespmem:v9+s21+$0x0], $0xffff  }
0x367: {  	v10 =	vld.idx.msk [tilespmem:v10+s21+$0x0], $0xffff  }
0x368: {  	v11 =	vld.idx.msk [tilespmem:v11+s21+$0x0], $0xffff  }
0x369: {  	v12 =	vld.idx.msk [tilespmem:v12+s21+$0x0], $0xffff  }
0x36a: {  	v13 =	vld.idx.msk [tilespmem:v13+s21+$0x0], $0xffff;
	_ =	sdelay $0x2  }
0x36b: {  	v4 =	vld.idx.msk [tilespmem:v4+s21+$0x0], $0xffff  }
0x36c: {  	v5 =	vld.idx.msk [tilespmem:v5+s21+$0x0], $0xffff;
	v6 =	vadd.f32 v7, v6;
	v56 =	vadd.f32 v9, v8  }
0x36d: {  	s0 =	sadd.s32 $0x10, s0;
	v57 =	vadd.f32 v11, v10;
	v58 =	vadd.f32 v13, v12  }
0x36e: {  	v59 =	vld [tilespmem:s0+$0x0]  }
0x36f: {  	v6 =	vadd.f32 v56, v6;
	v60 =	vadd.f32 v58, v57;
	_ =	sdelay $0x1  }
0x370: {  	v4 =	vadd.f32 v5, v4;
	v61 =	vadd.f32 v60, v6;
	_ =	sdelay $0x1  }
0x371: {  	v4 =	vadd.f32 v4, v61  }
0x372: {  	s30 =	sadd.s32 $0x10, s28  }
0x373: {  	v62 =	vld [tilespmem:s30+$0x0];
	v2 =	vadd.f32 v4, v2  }
0x374: {  	s0 =	sadd.s32 $0x10, s30;
	[tilespmem:v59+s23+$0x0] =	vst.idx.msk $0xffff, v4  }
0x375: {  	v63 =	vld [tilespmem:s0+$0x0];
	(xrf2) =	vadd.scan.msk.f32 $0xffff, v2;
	_ =	sdelay $0x2  }
0x376: {  	vm1 =	vgt.f32 v62, $5.000000000e-01  }
0x377: {  	v1 =	vsel vm1, v3, v1  }
0x378: {  	v2 =	vmax.f32 v1, v4;
	vm1 =	vgt.f32 v63, $5.000000000e-01  }
0x379: {  	v1 =	vsel vm1, v2, v1  }
0x37a: {  	(xrf0) =	vmax.scan.msk.f32 $0xffff, v1;
	_ =	sdelay $0x2  }
0x37b: {  	v1, _, _ =	vpop (xrf2)  }
0x37c: {  	(v2sf) =	vpush v1, $0xF;
	_ =	sdelay $0x1  }
0x37d: {  	v1, _, _ =	vpop (xrf0)  }
0x37e: {  	(v2sf) =	vpush v1, $0xF;
	_ =	sdelay $0xb  }
0x37f: {  	s31 =	spop (v2sf)  }
0x380: {  	s0 =	smax.f32 s31, $9.999999930e-09  }
0x381: {  	s0 =	smul.f32 $9.999999930e-09, s0  }
0x382: {  	s1 =	spop (v2sf)  }
0x383: {  	s0 =	sadd.f32 s0, s1;
	_ =	sdelay $0x1  }
0x384: {  	v1 =	vmov s0  }
0x385: {  	(erf) = vrcp.f32 v1;
	_ =	sdelay $0x6  }
0x386: {  	s0 =	simm.s32 $0x0  }
0x387: {  	v2 =	vld [tilespmem:s0+$0xC204]  }
0x388: {  	s1 =	simm.s32 $0x40;
	v1 =	vpop (erf)  }
.LBB2_38:
0x389: {  	p0 =	sne.s32 s1, $0x26C0  }
.Ltmp20:
0x38a: {  	_ = 	snop;
	(pc) =	sbr.rel @p0 .LBB2_38-.Ltmp20, $4  }
0x38b: {  	_ = 	snop  }
0x38c: {  	s14 =	sshra.s32 s1, $0x2;
	s1 =	sadd.s32 $0x40, s1;
	v3 =	vmul.f32 v2, v1  }
0x38d: {  	v2 =	vld [tilespmem:s14+$0xC204]  }
0x38e: {  	[tilespmem:s0+$0xE94C] =	vst v3;
	s0 =	smov.u32 s14  }
0x38f: {  	_ =	sdelay $0x2  }
0x390: {  	v2 =	vmul.f32 v2, v1;
	_ =	sdelay $0x1  }
0x391: {  	[tilespmem:s0+$0xE94C] =	vst v2  }
0x392: {  	v2 =	vld [tilespmem:$0xCBC4];
	_ =	sdelay $0x2  }
0x393: {  	s26 =	sadd.s32 $0x1, s26  }
0x394: {  	p0 =	sne.s32 s26, $0x20  }
.Ltmp21:
0x395: {  	v1 =	vmul.f32 v2, v1;
	(pc) =	sbr.rel @p0 .LBB2_2-.Ltmp21, $4  }
.Ltmp22:
0x396: {  	_ = 	snop;
	(pc) =	sbr.rel @!p0 .LBB2_40-.Ltmp22, $4  }
0x397: {  	v1 =	vnsel vm0, $0x0, v1  }
0x398: {  	[tilespmem:$0xF30C] =	vst v1  }
0x399: {  	[hbm4b:s29+s3] =	stream.linear.scatter [tilespmem:s20], [sflag:$0x2], $0x2710, $0x38;
	[tilespmem:$0x13880] =	vst v63  }
0x39a: {  	_ = 	snop  }
.LBB2_7:
.Ltmp23:
0x39b: {  	(pc) =	sbr.rel .LBB2_13-.Ltmp23, $2  }
0x39c: {  	_ =	sdelay $0x2  }
0x39d: {  	s1 =	simm.s32 $0x13590;
	s0 =	simm.s32 $0x12B90;
	v6 =	vmov v1  }
.LBB2_9:
.Ltmp24:
0x39e: {  	(pc) =	sbr.rel .LBB2_13-.Ltmp24, $2  }
0x39f: {  	_ =	sdelay $0x2  }
0x3a0: {  	s1 =	simm.s32 $0x13590;
	s0 =	simm.s32 $0x12B90;
	v6 =	vmov v1  }
.LBB2_11:
.Ltmp25:
0x3a1: {  	(pc) =	sbr.rel .LBB2_13-.Ltmp25, $2  }
0x3a2: {  	_ =	sdelay $0x2  }
0x3a3: {  	s1 =	simm.s32 $0x13590  }
.LBB2_41:
0x3a4: {  	_ =	sfence.sel $0x180000  }
0x3a5: {  	[bflag:$0x0] =	sbarrier.arrive $0xFFFF  }
0x3a6: {  	_ =	strace $0x90000047  }
0x3a7: {  	s0 =	stileid.u32;
	[bflag:$0x2] =	sbarrier.arrive $0xFFFF  }
0x3a8: {  	p0 =	sne.s32 s0, $0x0;
	s0 =	rddreg [dreg:$0x2]  }
0x3a9: {  	s0 =	sadd.s32 @!p0 $0x100000, s0  }
0x3aa: {  	[sflag:s0] =	ssyncadd.tile.s32 @!p0 $0x1;
	_ =	shalt  }
.Lfunc_end2:
_tile_overlayer_lowered:
.L_overlay_start_2:
0x3ab: {  	(tag) =	ssettag $0x2  }
0x3ac: {  	s0 =	rddreg [dreg:$0x0];
	s2 =	stileid.u32  }
0x3ad: {  	s1 =	rddreg [dreg:$0x1];
	p0 =	sne.s32 s2, $0x0  }
0x3ae: {  	s3 =	rddreg [dreg:$0x2];
	[bflag:$0x3] =	sbarrier.arrive $0xFFFF;
	s2 =	simm.s32 @!p0 $0x1C03  }
0x3af: {  	[timem:s3], [sflag:s2] =	dma.local @!p0 [hbm:s0], s1  }
0x3b0: {  	s0 =	simm.s32 @!p0 $0x3  }
0x3b1: {  	_ =	swait.ge @!p0 [sflag:s0], s1  }
0x3b2: {  	s1 =	ssub.s32 @!p0 $0x0, s1;
	[sflag:s0] =	ssyncset.done @!p0 $0x0  }
0x3b3: {  	[sflag:s0] =	ssyncadd.s32 @!p0 s1  }
0x3b4: {  	[bflag:$0x3] =	sbarrier.arrive $0xFFFF  }
0x3b5: {  	_ =	shalt  }

// kernel: sparse-core-data-format-call.cloned.1.call-start
scs
called_computation_lowered:
.L_overlay_start_0:
0x0: {  	s2 =	sld [smem:$0x3FD9]  }
0x1: {  	s3 =	sld [smem:$0x3FFE];
	_ =	sdelay $0x1  }
0x2: {  	s1 =	srdreg.scid  }
0x3: {  	s0 =	sand.u32 $0x1, s1  }
0x4: {  	s18 =	sshll.u32 s0, $0xA;
	s2 =	sadd.s32 s3, s2  }
0x5: {  	s2 =	sadd.s32 s2, s18  }
0x6: {  	[smem:$0x3FC7] =	sst s2  }
0x7: {  	_ = 	snop  }
0x8: {  	s2 =	sld [smem:$0x3FD0];
	(tm) =	ssettm $0x1  }
0x9: {  	s19 =	sld [smem:$0x3FFB];
	_ =	sdelay $0x3  }
0xa: {  	_ =	strace s19  }
0xb: {  	s3 =	sld [smem:$0x3FFC];
	_ =	sdelay $0x3  }
0xc: {  	_ =	strace s3  }
0xd: {  	s3 =	sld [smem:$0x3FFD];
	_ =	sdelay $0x3  }
0xe: {  	_ =	strace s3  }
0xf: {  	_ =	strace $0x8FFFFFFF  }
0x10: {  	s20 =	sld [smem:$0x3FDB];
	_ =	sdelay $0x1  }
0x11: {  	s4 =	simm.s32 $_scs_section_size  }
0x12: {  	s5 =	simm.s32 $_size__tile_overlayer_lowered;
	s6 =	simm.s32 $_tile_overlayer_lowered  }
0x13: {  	s23 =	simm.s32 $0x1BFF;
	s22 =	sshll.u32 s6, $0x1;
	s3 =	sadd.s32 s4, s20  }
0x14: {  	s7 =	simm.s32 $0x0;
	s21 =	sshll.u32 s5, $0x1;
	s5 =	sadd.s32 s22, s3  }
0x15: {  	[timem:s7], [sflag:s23] =	dma.local [hbm:s5], s21  }
0x16: {  	_ =	swait.ge [sflag:s23], s21  }
0x17: {  	s4 =	ssub.s32 $0x0, s21;
	[sflag:s23] =	ssyncset.done $0x0  }
0x18: {  	[sflag:s23] =	ssyncadd.s32 s4;
	_ =	sdelay $0x1  }
0x19: {  	s24 =	simm.s32 $0x1B8B  }
0x1a: {  	_ =	swait.ge [sflag:s24], $0x1  }
0x1b: {  	[sflag:s24] =	ssyncset.done $0x0  }
0x1c: {  	s26 =	simm.s32 $0x1B8E;
	s25 =	sld [smem:$0x3FFE];
	[sflag:s24] =	ssyncadd.s32 $0xFFFFFFFF  }
0x1d: {  	s27 =	simm.s32 $execute0_lowered;
	[smem:$0x3FD2] =	sst s26  }
0x1e: {  	s5 =	sshll.u32 s27, $0x1;
	_ =	strace $0x80000049;
	[dreg:$0x1] =	wrdreg $0xFFFFFFFF  }
0x1f: {  	s28 =	simm.s32 $_size_execute0_lowered;
	s3 =	sadd.s32 s3, s5;
	[dreg:$0x0] =	wrdreg $0x0  }
0x20: {  	s5 =	sshll.u32 s28, $0x1;
	[dreg:$0x2] =	wrdreg s3  }
0x21: {  	[dreg:$0x3] =	wrdreg s5  }
0x22: {  	[dreg:$0x4] =	wrdreg $0xC0  }
0x23: {  	_ =	task [dreg:s7], $0x5FFFF  }
0x24: {  	[dreg:$0x1] =	wrdreg $0xFFFFFFFF  }
0x25: {  	[dreg:$0x0] =	wrdreg $0x60  }
0x26: {  	[dreg:$0x2] =	wrdreg s25  }
0x27: {  	[dreg:$0x3] =	wrdreg s2  }
0x28: {  	[dreg:$0x4] =	wrdreg $0x9  }
0x29: {  	_ =	task.clear_ibuf [dreg:s7], $0x5FFFF;
	_ =	strace $0x90000049  }
0x2a: {  	s29 =	simm.s32 $0x9;
	_ =	strace $0x8000004B  }
0x2b: {  	_ =	swait.ge [sflag:s29], $0x1  }
0x2c: {  	[sflag:s29] =	ssyncadd.s32 $0xFFFFFFFF  }
0x2d: {  	_ =	strace $0x9000004B  }
0x2e: {  	_ =	sfence  }
0x2f: {  	s30 =	sld [smem:$0x0];
	_ =	sdelay $0x2  }
0x30: {  	s31 =	sshll.u32 s1, $0xD;
	s1 =	sshrl.u32 s1, $0x2  }
0x31: {  	s3 =	sand.u32 $0x4000, s31;
	s1 =	sadd.s32 s1, s30  }
0x32: {  	s0 =	sor.u32 s3, s0;
	s1 =	sshll.u32 s1, $0x11  }
0x33: {  	s0 =	sor.u32 s1, s0  }
0x34: {  	s0 =	sadd.s32 $0x8F2B, s0  }
0x35: {  	[sflag:s0] =	ssyncadd.remote.s32 $0x1  }
0x36: {  	_ =	sfence.sel $0xFFFF  }
0x37: {  	[dreg:$0x0] =	wrdreg $0xFFFFFFFF;
	(pc) =	sbr.abs _section_cstart, $3  }
0x38: {  	[dreg:$0x1] =	wrdreg $0xFFFFFFFF  }
0x39: {  	_ =	task.clear_ibuf [dreg:s7], $0x2FFFF;
	_ =	strace $0x9FFFFFFF  }
0x3a: {  	(tm) =	ssettm $0x7FFFFFFF  }
0x3b: {  	_ =	shalt  }
tec
execute0_lowered:
.L_overlay_start_1:
0x0: {  	(tag) =	ssettag $0x1  }
0x1: {  	s0 =	stileid.u32  }
0x2: {  	s2 =	srdreg.scid;
	s7 =	rddreg [dreg:$0x0]  }
0x3: {  	s6 =	simm.s32 $0x1;
	s31 =	simm.s32 $0x2;
	s16 =	simm.s32 $0x0  }
0x4: {  	s9 =	simm.s32 $0x2000;
	s15 =	simm.s32 $0x0;
	s10 =	simm.s32 $0x0  }
0x5: {  	s11 =	simm.s32 $0x0;
	s14 =	simm.s32 $0x0;
	s1 =	sshll.u32 s0, $0x7  }
0x6: {  	s3 =	sshll.u32 s0, $0x4;
	s2 =	sshll.u32 s2, $0x8;
	s1 =	sand.u32 $0x380, s1  }
0x7: {  	s7 =	sadd.s32 $0xE00, s7;
	s2 =	sor.u32 s3, s2;
	s5 =	ssub.s32 $0x400, s1  }
0x8: {  	s3 =	rddreg [dreg:$0x1];
	s4 =	sand.u32 $0x180, s2;
	s29 =	sand.u32 $0x380, s5  }
0x9: {  	s30 =	ssub.s32 $0x2700, s4;
	s5 =	sshrl.u32 s5, $0xA;
	p0 =	sne.s32 s29, $0x0  }
.Ltmp0:
0xa: {  	s8 =	sshrl.u32 s30, $0x9;
	s6 =	simm.s32 @!p0 $0x0;
	(pc) =	sbr.rel .LBB1_1-.Ltmp0, $4  }
0xb: {  	s2 =	rddreg [dreg:$0x2];
	s8 =	sadd.s32 $0x1, s8;
	s6 =	sadd.s32 s6, s5  }
0xc: {  	_ =	strace $0x8000004A;
	s5 =	simm.s32 $0x1;
	s6 =	smul.u32 s6, s8  }
0xd: {  	s13 =	smov.u32 s1;
	s12 =	smov.u32 s4;
	[sflag:s5] =	ssyncpa.u1 $0x0  }
0xe: {  	p0 =	por $0x0, $0x0;
	[sflag:s31] =	ssyncpa.u1 $0x0;
	s8 =	sadd.s32 $0x1, s6  }
.LBB1_4:
0xf: {  	s21 =	sshra.s32 s21, $0x2;
	s27 =	sshll.u32 s10, $0xA;
	s22 =	sshll.u32 s11, $0x3  }
0x10: {  	s23 =	sshll.u32 s10, $0x7;
	s24 =	sand.u32 $0x78, s11;
	p1 =	sgt.s32 s10, $0x2690  }
0x11: {  	s25 =	sshra.s32 s10, $0x1F;
	s26 =	sshra.s32 s11, $0x1F;
	s20 =	sadd.s32 s21, s20  }
0x12: {  	v5 =	vld [tilespmem:s18+$0xFFFFFFD0];
	[tilespmem:s19+$0x2040 ss:$0x81] =	vst.msk $0xffff, v4;
	s21 =	sand.u32 $0xFFFFE000, s27;
	s22 =	sand.u32 $0xFFFFFC00, s22;
	s28 =	sand.u32 $0x380, s23  }
0x13: {  	v58 =	vld [tilespmem:s18+$0xFFFFFFE0];
	[tilespmem:s19+$0x2850 ss:$0x81] =	vst.msk $0xffff, v3;
	s23 =	smov.u32 s10;
	s30 =	sand.u32 s25, s10;
	s25 =	smov.u32 s11  }
0x14: {  	v59 =	vld [tilespmem:s18+$0xFFFFFFF0];
	[tilespmem:s19+$0x3060 ss:$0x81] =	vst.msk $0xffff, v2;
	s31 =	sand.u32 s26, s11;
	s21 =	sadd.s32 s22, s21;
	s22 =	sor.u32 s24, s28  }
0x15: {  	v60 =	vld [tilespmem:s18+$0x0];
	[tilespmem:s19+$0x0 ss:$0x81] =	vst.msk $0xffff, v1;
	s23 =	simm.s32 @!p1 $0x2690;
	p1 =	sgt.s32 s11, $0x380;
	s21 =	sshrl.u32 s21, $0xA  }
0x16: {  	v61 =	vld [tilespmem:s18+$0x10];
	[tilespmem:s20+$0x3870 ss:$0x81] =	vst.msk $0xffff, v0;
	s19 =	ssub.s32 s23, s30;
	s25 =	simm.s32 @!p1 $0x380;
	s29 =	smulhi.u32 $0x1A36E3, s21  }
0x17: {  	v62 =	vld [tilespmem:s18+$0x20];
	s23 =	ssub.s32 s25, s31;
	s26 =	sadd.s32 $0xFFFFD970, s19;
	s19 =	ssub.s32 $0x2710, s19;
	[tilespmem:s20+$0x810 ss:$0x81] =	vst.msk $0xffff, v5  }
0x18: {  	v63 =	vld [tilespmem:s18+$0xFFFFFFC0];
	[tilespmem:s20+$0x1020 ss:$0x81] =	vst.msk $0xffff, v58;
	p1 =	sgt.s32 s26, $0x7F;
	s28 =	sadd.s32 $0xFFFFFC80, s23;
	s24 =	sshrl.u32 s29, $0x2  }
0x19: {  	[tilespmem:s20+$0x1830 ss:$0x81] =	vst.msk $0xffff, v59;
	s23 =	ssub.s32 $0x400, s23;
	p2 =	sgt.s32 s28, $0x7F;
	s27 =	smul.u32 $0x2710, s24  }
0x1a: {  	s30 =	sand.u32 $0x7, s11;
	[tilespmem:s20+$0x2040 ss:$0x81] =	vst.msk $0xffff, v60;
	s19 =	simm.s32 @p1 $0x0;
	s23 =	simm.s32 @p2 $0x0  }
0x1b: {  	[tilespmem:s20+$0x2850 ss:$0x81] =	vst.msk $0xffff, v61;
	s29 =	sshrl.u32 s22, $0x3;
	s19 =	smul.u32 s23, s19;
	s18 =	ssub.s32 s21, s27  }
0x1c: {  	[tilespmem:s20+$0x3060 ss:$0x81] =	vst.msk $0xffff, v62;
	s22 =	sshll.u32 s30, $0x12;
	s21 =	sadd.s32 s3, s29;
	s18 =	sshll.u32 s18, $0x7  }
0x1d: {  	[tilespmem:s20+$0x0 ss:$0x81] =	vst.msk $0xffff, v63;
	s31 =	sor.u32 $0x400, s22;
	s19 =	sand.u32 $0x3FFFFFFF, s19;
	s18 =	sadd.s32 s18, s21  }
0x1e: {  	[hbm4b:s18+s31] =	stream.strided.scatter [tilespmem:s17], [sflag:$0x2], s19, s9, s31, $0x20;
	[tilespmem:$0x10100] =	vst v63  }
.LBB1_5:
0x1f: {  	p1 =	slt.u32 s14, $0x2  }
0x20: {  	s18 =	smov.u32 s16;
	p2 =	sgt.s32 @!p1 s16, $0x2690;
	s17 =	sshra.s32 @!p1 s16, $0x1F  }
0x21: {  	p3 =	sgt.s32 @!p1 s15, $0x380;
	s19 =	sshra.s32 @!p1 s15, $0x1F;
	p2 =	por !p2, p1  }
0x22: {  	s16 =	sand.u32 @!p1 s17, s16;
	p3 =	por !p3, p1;
	s17 =	smov.u32 s15  }
0x23: {  	s15 =	sand.u32 @!p1 s19, s15;
	s18 =	simm.s32 @p2 $0x2690;
	s17 =	simm.s32 @p3 $0x380  }
0x24: {  	s16 =	ssub.s32 @!p1 s18, s16;
	s15 =	ssub.s32 @!p1 s17, s15  }
0x25: {  	s19 =	smov.u32 s13;
	s17 =	sadd.s32 @!p1 $0xFFFFD970, s16;
	s18 =	sadd.s32 @!p1 $0xFFFFFC80, s15  }
0x26: {  	s16 =	ssub.s32 @!p1 $0x2710, s16;
	p2 =	sgt.s32 @!p1 s17, $0x7F;
	p3 =	sgt.s32 @!p1 s18, $0x7F  }
0x27: {  	s15 =	ssub.s32 @!p1 $0x400, s15;
	p2 =	por !p2, p1;
	p3 =	por !p3, p1  }
0x28: {  	s17 =	sadd.s32 $0x200, s12;
	s16 =	simm.s32 @!p2 $0x0;
	s15 =	simm.s32 @!p3 $0x0  }
0x29: {  	p2 =	sgt.s32 s17, $0x270F;
	s15 =	smul.u32 @!p1 s15, s16;
	s16 =	sadd.s32 $0x400, s13  }
0x2a: {  	s19 =	smov.u32 @p2 s16  }
0x2b: {  	s17 =	smov.u32 @p2 s4;
	p2 =	sgt.s32 s19, $0x3FF  }
0x2c: {  	s19 =	smov.u32 @p2 s1;
	p2 =	sne.s32 s14, s8  }
.Ltmp1:
0x2d: {  	p0 =	por !p0, !p0;
	s18 =	simm.s32 @!p1 $0x2;
	(pc) =	sbr.rel @!p2 .LBB1_6-.Ltmp1, $4  }
0x2e: {  	s16 =	smov.u32 s10;
	s10 =	smov.u32 s12;
	s15 =	sand.u32 @!p1 $0x3FFFFFFF, s15  }
0x2f: {  	s12 =	smov.u32 s17;
	_ =	swait.ge @!p1 [sflag:s18], s15;
	s20 =	ssub.s32 @!p1 $0x0, s15  }
0x30: {  	s15 =	smov.u32 s11;
	s14 =	sadd.s32 $0x1, s14;
	[sflag:s18] =	ssyncset.done @!p1 $0x0  }
0x31: {  	s11 =	smov.u32 s13;
	s13 =	smov.u32 s19;
	[sflag:s18] =	ssyncadd.s32 @!p1 s20  }
.LBB1_1:
0x32: {  	p1 =	sge.u32 s14, s6  }
0x33: {  	s17 =	sshrl.u32 @!p1 s13, $0x3  }
0x34: {  	s18 =	sshll.u32 @!p1 s12, $0x3;
	s17 =	smul.u32 @!p1 $0x13C00, s17  }
0x35: {  	s19 =	sshll.u32 @!p1 s13, $0x7;
	s18 =	sand.u32 @!p1 $0xFFFFFC00, s18  }
0x36: {  	s17 =	sadd.s32 @!p1 s17, s18;
	s18 =	sand.u32 @!p1 $0x380, s19  }
0x37: {  	s19 =	sand.u32 @!p1 $0x7F, s12;
	s17 =	sor.u32 @!p1 s18, s17  }
0x38: {  	s18 =	sor.u32 @!p1 s19, s17  }
0x39: {  	s19 =	smulhi.u32 @!p1 $0xCF6474A9, s18;
	_ =	sdelay $0x1  }
0x3a: {  	s17 =	smulhi.u32 @!p1 $0xCF6474A9, s17;
	s19 =	sshrl.u32 @!p1 s19, $0xD  }
0x3b: {  	s19 =	smul.u32 @!p1 $0x2780, s19  }
0x3c: {  	s31 =	sadd.s32 $0xFFFFFFFF, s14;
	s20 =	sxor.u32 @!p1 $0xFFFFFFFF, s14;
	s17 =	sshrl.u32 @!p1 s17, $0xD  }
0x3d: {  	s20 =	sshll.u32 @!p1 s20, $0xE;
	s17 =	sand.u32 @!p1 $0x3FF, s17;
	s18 =	ssub.s32 @!p1 s18, s19  }
0x3e: {  	s17 =	smul.u32 @!p1 $0x4F0, s17;
	s19 =	sshrl.u32 @!p1 s18, $0x3;
	s18 =	sand.u32 @!p1 $0x7, s18  }
0x3f: {  	s20 =	sand.u32 @!p1 $0x4000, s20;
	s19 =	sadd.s32 @!p1 s7, s19;
	s18 =	sshll.u32 @!p1 s18, $0x12  }
0x40: {  	s17 =	sadd.s32 @!p1 s17, s19;
	s18 =	sor.u32 @!p1 $0x400, s18;
	s19 =	simm.s32 @!p1 $0x13C00  }
0x41: {  	[tilespmem:s20], [sflag:$0x1] =	stream.strided.gather @!p1 [hbm4b:s17+s18], $0x4000, s19, s18, $0x38;
	[tilespmem:$0x10100] =	vst v63  }
0x42: {  	p1 =	sge.u32 s31, s6  }
.Ltmp2:
0x43: {  	_ = 	snop;
	(pc) =	sbr.rel @p1 .LBB1_5-.Ltmp2, $1  }
0x44: {  	_ =	sdelay $0x3  }
0x45: {  	s17 =	simm.s32 $0x1  }
0x46: {  	_ =	swait.ge [sflag:s5], $0x4000;
	s17 =	simm.s32 @!p0 $0x0  }
0x47: {  	[sflag:s5] =	ssyncset.done $0x0;
	s18 =	sshll.u32 s17, $0xE  }
0x48: {  	[sflag:s5] =	ssyncadd.s32 $0xFFFFC000;
	s18 =	sor.u32 $0x40, s18  }
0x49: {  	s17 =	smul.u32 $0x10200, s17;
	v0 =	vld [tilespmem:s18+$0x30]  }
0x4a: {  	v1 =	vld [tilespmem:s18+$0xFFFFFFD0]  }
0x4b: {  	s17 =	sshrl.u32 s17, $0x2;
	v5 =	vld [tilespmem:s18+$0xFFFFFFE0]  }
0x4c: {  	v6 =	vld [tilespmem:s18+$0xFFFFFFF0];
	s20 =	sor.u32 $0x8000, s17  }
0x4d: {  	s31 =	sand.u32 $0x1, s14;
	v4 =	vld [tilespmem:s18+$0x0];
	s19 =	sadd.s32 $0x0, s20  }
0x4e: {  	v3 =	vld [tilespmem:s18+$0x10];
	s17 =	smul.u32 $0x10200, s31;
	[tilespmem:s19+$0x3870 ss:$0x81] =	vst.msk $0xffff, v0  }
0x4f: {  	v2 =	vld [tilespmem:s18+$0x20];
	[tilespmem:s19+$0x810 ss:$0x81] =	vst.msk $0xffff, v1  }
0x50: {  	s17 =	sshrl.u32 s17, $0x2;
	v1 =	vld [tilespmem:s18+$0xFFFFFFC0];
	[tilespmem:s19+$0x1020 ss:$0x81] =	vst.msk $0xffff, v5;
	s18 =	sadd.s32 $0x80, s18  }
0x51: {  	s21 =	simm.s32 $0x4;
	s22 =	simm.s32 $0x8;
	s17 =	sor.u32 $0x8000, s17;
	[tilespmem:s19+$0x1830 ss:$0x81] =	vst.msk $0xffff, v6;
	v0 =	vld [tilespmem:s18+$0x30]  }
.LBB1_3:
0x52: {  	p1 =	sne.s32 s22, $0x1FC;
	v5 =	vld [tilespmem:s18+$0xFFFFFFD0];
	[tilespmem:s19+$0x2040 ss:$0x81] =	vst.msk $0xffff, v4  }
0x53: {  	v6 =	vld [tilespmem:s18+$0xFFFFFFE0];
	[tilespmem:s19+$0x2850 ss:$0x81] =	vst.msk $0xffff, v3  }
0x54: {  	s23 =	sshra.s32 s21, $0x2;
	s21 =	smov.u32 s22;
	v7 =	vld [tilespmem:s18+$0xFFFFFFF0];
	[tilespmem:s19+$0x3060 ss:$0x81] =	vst.msk $0xffff, v2  }
.Ltmp3:
0x55: {  	v4 =	vld [tilespmem:s18+$0x0];
	[tilespmem:s19+$0x0 ss:$0x81] =	vst.msk $0xffff, v1;
	s19 =	sadd.s32 s23, s20;
	(pc) =	sbr.rel @p1 .LBB1_3-.Ltmp3, $4  }
0x56: {  	v3 =	vld [tilespmem:s18+$0x10];
	[tilespmem:s19+$0x3870 ss:$0x81] =	vst.msk $0xffff, v0  }
0x57: {  	[tilespmem:s19+$0x810 ss:$0x81] =	vst.msk $0xffff, v5;
	v2 =	vld [tilespmem:s18+$0x20]  }
0x58: {  	v1 =	vld [tilespmem:s18+$0xFFFFFFC0];
	[tilespmem:s19+$0x1020 ss:$0x81] =	vst.msk $0xffff, v6;
	s18 =	sadd.s32 $0x80, s18  }
0x59: {  	s22 =	sadd.s32 $0x4, s22;
	v0 =	vld [tilespmem:s18+$0x30];
	[tilespmem:s19+$0x1830 ss:$0x81] =	vst.msk $0xffff, v7  }
.Ltmp4:
0x5a: {  	_ = 	snop;
	(pc) =	sbr.rel .LBB1_4-.Ltmp4, $1  }
0x5b: {  	_ =	sdelay $0x3  }
.LBB1_6:
0x5c: {  	_ =	sfence.sel $0x180000  }
0x5d: {  	s1 =	simm.s32 $0x1;
	[bflag:$0x0] =	sbarrier.arrive $0xFFFF  }
0x5e: {  	s31 =	simm.s32 $0x2;
	[sflag:s1] =	ssyncpa.u1 $0x1  }
0x5f: {  	[sflag:s31] =	ssyncpa.u1 $0x1  }
0x60: {  	p0 =	sne.s32 s0, $0x0;
	_ =	strace $0x9000004A  }
0x61: {  	s0 =	sadd.s32 @!p0 $0x100000, s2;
	[bflag:$0x2] =	sbarrier.arrive $0xFFFF  }
0x62: {  	[sflag:s0] =	ssyncadd.tile.s32 @!p0 $0x1;
	_ =	shalt  }
.Lfunc_end1:
_tile_overlayer_lowered:
.L_overlay_start_2:
0x63: {  	(tag) =	ssettag $0x2  }
0x64: {  	s0 =	rddreg [dreg:$0x0];
	s2 =	stileid.u32  }
0x65: {  	s1 =	rddreg [dreg:$0x1];
	p0 =	sne.s32 s2, $0x0  }
0x66: {  	s3 =	rddreg [dreg:$0x2];
	[bflag:$0x3] =	sbarrier.arrive $0xFFFF;
	s2 =	simm.s32 @!p0 $0x1C01  }
0x67: {  	[timem:s3], [sflag:s2] =	dma.local @!p0 [hbm:s0], s1  }
0x68: {  	s0 =	simm.s32 @!p0 $0x1  }
0x69: {  	_ =	swait.ge @!p0 [sflag:s0], s1  }
0x6a: {  	s1 =	ssub.s32 @!p0 $0x0, s1;
	[sflag:s0] =	ssyncset.done @!p0 $0x0  }
0x6b: {  	[sflag:s0] =	ssyncadd.s32 @!p0 s1  }
0x6c: {  	[bflag:$0x3] =	sbarrier.arrive $0xFFFF  }
0x6d: {  	_ =	shalt  }

</sc_bundles>
